<compile_context>
chip_gen: v7x
topology: tpu7x:2x2x1
jax: 0.10.2.dev20260603
libtpu: 0.0.44.dev20260713+nightly
codegen_flags: <defaults>
</compile_context>

<pallas_src>
import jax
import jax.numpy as jnp
from jax import lax
from jax.experimental import pallas as pl
from jax.experimental.pallas import tpu as pltpu
from jax.experimental.pallas import tpu_sc as plsc

N_GROUP = 8
TOPK_GROUP = 3
TOP_K = 8
EXP_PER_STEP = 2
LANES = 16


def _make_logits_body(nchunk):
    def _logits_body(x_ref, gw_ref, out_ref):
        lt = jax.lax.dot_general(
            gw_ref[...], x_ref[...], (((1,), (1,)), ((), ())),
            preferred_element_type=jnp.float32,
        )
        for c in range(nchunk):
            out_ref[c] = lt[:, c * LANES:(c + 1) * LANES]

    return _logits_body


def _shared_body(x_ref, sgu_ref, sdn_ref, so_ref):
    xb = x_ref[...].astype(jnp.bfloat16)
    ff2 = sgu_ref.shape[0] // 2
    sh = jax.lax.dot_general(
        xb, sgu_ref[...].astype(jnp.bfloat16),
        (((1,), (1,)), ((), ())), preferred_element_type=jnp.float32,
    )
    act = (jax.nn.silu(sh[:, :ff2]) * sh[:, ff2:]).astype(jnp.bfloat16)
    so_ref[...] = jax.lax.dot_general(
        act, sdn_ref[...].astype(jnp.bfloat16),
        (((1,), (1,)), ((), ())), preferred_element_type=jnp.float32,
    )


def _make_sc_router(m, n_e):
    gsz = n_e // N_GROUP
    nchunk = m // LANES

    def _sc_router_body(logits_hbm, comb_hbm, lg_v, cb_v):
        wid = lax.axis_index("s") * 2 + lax.axis_index("c")

        @pl.when(wid < nchunk)
        def _():
            pltpu.sync_copy(logits_hbm.at[wid], lg_v)

            zero = jnp.full((LANES,), 0.0, jnp.float32)
            one = jnp.full((LANES,), 1.0, jnp.float32)
            neg1 = jnp.full((LANES,), -1.0, jnp.float32)
            half = jnp.full((LANES,), -0.5, jnp.float32)
            kgrp = jnp.full((LANES,), float(TOPK_GROUP), jnp.float32)

            s = []
            rowmax = None
            for e in range(n_e):
                v = lg_v[e]
                s.append(v)
                rowmax = v if rowmax is None else jnp.maximum(rowmax, v)
            ex = [jnp.exp(v - rowmax) for v in s]
            tot = ex[0]
            for e in range(1, n_e):
                tot = tot + ex[e]
            sc = [v / tot for v in ex]

            gm = []
            for g in range(N_GROUP):
                gmax = sc[g * gsz]
                for jj in range(1, gsz):
                    gmax = jnp.maximum(gmax, sc[g * gsz + jj])
                gm.append(gmax)
            selg = []
            for g in range(N_GROUP):
                cnt = zero
                for g2 in range(N_GROUP):
                    cnt = cnt + jnp.where(gm[g2] > gm[g], one, zero)
                selg.append(cnt < kgrp)

            tmp = [jnp.where(selg[e // gsz], sc[e], zero) for e in range(n_e)]

            def _mask_step(_, wk):
                cur = wk[0]
                for e in range(1, n_e):
                    cur = jnp.maximum(cur, wk[e])
                return tuple(jnp.where(w == cur, neg1, w) for w in wk)

            work = lax.fori_loop(0, TOP_K, _mask_step, tuple(tmp))

            for e in range(n_e):
                cb_v[e] = jnp.where(work[e] < half, tmp[e], zero)
            pltpu.sync_copy(cb_v, comb_hbm.at[wid])

    mesh = plsc.VectorSubcoreMesh(core_axis_name="c", subcore_axis_name="s")
    return pl.kernel(
        _sc_router_body,
        out_type=jax.ShapeDtypeStruct((nchunk, n_e, LANES), jnp.float32),
        mesh=mesh,
        scratch_types=[
            pltpu.VMEM((n_e, LANES), jnp.float32),
            pltpu.VMEM((n_e, LANES), jnp.float32),
        ],
    )


def _make_expert_body(nchunk):
    def _expert_body(x_ref, comb3_ref, shared_ref, g_ref, u_ref, dn_ref,
                     out_ref, combt_scr):
        i = pl.program_id(0)
        n_e = combt_scr.shape[0]

        @pl.when(i == 0)
        def _():
            for c in range(nchunk):
                combt_scr[:, c * LANES:(c + 1) * LANES] = comb3_ref[c]

        xb = x_ref[...].astype(jnp.bfloat16)
        combt = combt_scr[...]
        eidx = jax.lax.broadcasted_iota(jnp.int32, (n_e, 1), 0)

        contrib = None
        for j in range(EXP_PER_STEP):
            e = i * EXP_PER_STEP + j
            hg = jax.lax.dot_general(
                xb, g_ref[j].astype(jnp.bfloat16), (((1,), (1,)), ((), ())),
                preferred_element_type=jnp.float32,
            )
            hu = jax.lax.dot_general(
                xb, u_ref[j].astype(jnp.bfloat16), (((1,), (1,)), ((), ())),
                preferred_element_type=jnp.float32,
            )
            act = jax.nn.silu(hg) * hu

            onehot = (eidx == e).astype(jnp.float32)
            col = jax.lax.dot_general(
                combt, onehot, (((0,), (0,)), ((), ())),
                preferred_element_type=jnp.float32,
            )
            actw = (act * col).astype(jnp.bfloat16)
            c = jax.lax.dot_general(
                actw, dn_ref[j].astype(jnp.bfloat16),
                (((1,), (1,)), ((), ())), preferred_element_type=jnp.float32,
            )
            contrib = c if contrib is None else contrib + c

        @pl.when(i == 0)
        def _():
            out_ref[...] = shared_ref[...] + contrib

        @pl.when(i > 0)
        def _():
            out_ref[...] = out_ref[...] + contrib

    return _expert_body


def kernel(x, gate_w, gate_up_proj, down_proj, shared_gate_up, shared_down):
    m, hidden = x.shape
    n_e, two_ff, _ = gate_up_proj.shape
    ff = down_proj.shape[2]
    nchunk = m // LANES

    logits_c = pl.pallas_call(
        _make_logits_body(nchunk),
        out_shape=jax.ShapeDtypeStruct((nchunk, n_e, LANES), jnp.float32),
    )(x, gate_w)

    comb_c = _make_sc_router(m, n_e)(logits_c)

    shared_out = pl.pallas_call(
        _shared_body,
        out_shape=jax.ShapeDtypeStruct((m, hidden), jnp.float32),
    )(x, shared_gate_up, shared_down)

    out = pl.pallas_call(
        _make_expert_body(nchunk),
        grid=(n_e // EXP_PER_STEP,),
        in_specs=[
            pl.BlockSpec((m, hidden), lambda e: (0, 0)),
            pl.BlockSpec((nchunk, n_e, LANES), lambda e: (0, 0, 0)),
            pl.BlockSpec((m, hidden), lambda e: (0, 0)),
            pl.BlockSpec((EXP_PER_STEP, two_ff // 2, hidden), lambda e: (e, 0, 0)),
            pl.BlockSpec((EXP_PER_STEP, two_ff // 2, hidden), lambda e: (e, 1, 0)),
            pl.BlockSpec((EXP_PER_STEP, hidden, ff), lambda e: (e, 0, 0)),
        ],
        out_specs=pl.BlockSpec((m, hidden), lambda e: (0, 0)),
        out_shape=jax.ShapeDtypeStruct((m, hidden), jnp.float32),
        scratch_shapes=[pltpu.VMEM((n_e, m), jnp.float32)],
    )(x, comb_c, shared_out, gate_up_proj, gate_up_proj, down_proj)
    return out

# --- scband reference (transcript-rebuilt; emitter-appended) ---
"""Pipeline reference for scband-block-sparse-mo-e-79336635892595 (READ-ONLY COPY).

The authoritative reference and input builder live on the scoring server;
editing this copy changes nothing except your own understanding.
"""

import jax, jax.numpy as jnp
import numpy as np

HIDDEN = 1024
MOE_FF = 512
E = 64
N_GROUP = 8
TOPK_GROUP = 3
TOP_K = 8
N_SHARED = 2
ROUTED_SCALE = 1.0
NORM_TOPK = False
M_TOKENS = 128


def setup_inputs(seed: int = 0) -> dict:
    key = jax.random.key(seed)
    ks = jax.random.split(key, 6)
    x = jax.random.normal(ks[0], (M_TOKENS, HIDDEN), dtype=jnp.float32)
    gate_w = jax.random.normal(ks[1], (E, HIDDEN), dtype=jnp.float32) * 0.02
    gate_up_proj = jax.random.normal(ks[2], (E, 2 * MOE_FF, HIDDEN), dtype=jnp.float32) * 0.02
    down_proj = jax.random.normal(ks[3], (E, HIDDEN, MOE_FF), dtype=jnp.float32) * 0.02
    shared_gate_up = jax.random.normal(ks[4], (2 * MOE_FF * N_SHARED, HIDDEN), dtype=jnp.float32) * 0.02
    shared_down = jax.random.normal(ks[5], (HIDDEN, MOE_FF * N_SHARED), dtype=jnp.float32) * 0.02
    return {
        "x": x,
        "gate_w": gate_w,
        "gate_up_proj": gate_up_proj,
        "down_proj": down_proj,
        "shared_gate_up": shared_gate_up,
        "shared_down": shared_down,
    }


def _grouped_topk(gating_logits):
    # faithful port of grouped_topk()
    scores = jax.nn.softmax(gating_logits, axis=-1)
    num_token = scores.shape[0]
    group_scores = scores.reshape(num_token, N_GROUP, -1).max(axis=-1)  # [M, n_group]
    _, group_idx = jax.lax.top_k(group_scores, TOPK_GROUP)
    group_mask = jnp.zeros_like(group_scores).at[jnp.arange(num_token)[:, None], group_idx].set(1.0)
    score_mask = jnp.repeat(group_mask, E // N_GROUP, axis=-1)  # [M, E]
    tmp_scores = jnp.where(score_mask > 0, scores, 0.0)
    topk_weights, topk_ids = jax.lax.top_k(tmp_scores, TOP_K)
    if NORM_TOPK:
        topk_weights = topk_weights / jnp.sum(topk_weights, axis=-1, keepdims=True)
    return topk_weights, topk_ids


def reference(x, gate_w, gate_up_proj, down_proj, shared_gate_up, shared_down):
    # shared experts MLP (DeepseekV2MLP with intermediate = moe_ff * n_shared)
    sh = x @ shared_gate_up.T
    sg, su = jnp.split(sh, 2, axis=-1)
    shared_out = (jax.nn.silu(sg) * su) @ shared_down.T

    # router
    logits = x @ gate_w.T
    topk_weights, topk_ids = _grouped_topk(logits)

    # combine weights: [M, E], scatter-add of topk weights (SparseCore-style scatter)
    m = x.shape[0]
    combine = jnp.zeros((m, E), dtype=x.dtype).at[jnp.arange(m)[:, None], topk_ids].add(topk_weights)

    # fused_experts equivalent: per-expert gate_up -> silu_and_mul -> down, weighted sum
    def expert_out(gu, dw):
        h = x @ gu.T  # [M, 2*ff]
        g1, u1 = jnp.split(h, 2, axis=-1)
        return (jax.nn.silu(g1) * u1) @ dw.T  # [M, d]

    outs = jax.vmap(expert_out)(gate_up_proj, down_proj)  # [E, M, d]
    routed = jnp.einsum('me,emd->md', combine, outs)
    return routed * ROUTED_SCALE + shared_out

if __name__ == "__main__":
    import jax
    _d = setup_inputs()
    print(jax.jit(kernel)(*tuple(_d.values())))

</pallas_src>

<mosaic_0001>
#map = affine_map<(d0, d1) -> (0, 0, 0)>
module attributes {stable_mosaic.version = 14 : i64} {
  func.func @_sc_router_body(%arg0: i32, %arg1: i32, %arg2: memref<8x64x16xf32, #tpu.memory_space<hbm>>, %arg3: memref<8x64x16xf32, #tpu.memory_space<hbm>>, %arg4: memref<64x16xf32, #tpu.memory_space<vmem>>, %arg5: memref<64x16xf32, #tpu.memory_space<vmem>>) attributes {dimension_semantics = [#tpu.dimension_semantics<core_parallel>, #tpu.dimension_semantics<subcore_parallel>], iteration_bounds = array<i64: 2, 16>, scalar_prefetch = 0 : i64, scratch_operands = 2 : i64, tpu.core_type = #tpu.core_type<sc_vector_subcore>, window_params = [{transform_indices = #map}, {transform_indices = #map}]} {
    %mul3A = arith.constant 2 : i32
    %mul3A_0 = arith.muli %arg1, %mul3A : i32
    %add3A = arith.addi %mul3A_0, %arg0 : i32
    %lt3A = arith.constant 8 : i32
    %lt3A_1 = arith.cmpi slt, %add3A, %lt3A : i32
    %convert_element_type3A = arith.extui %lt3A_1 : i1 to i32
    %cond3A = arith.constant 0 : i32
    %cond3A_2 = arith.cmpi ne, %convert_element_type3A, %cond3A : i32
    scf.if %cond3A_2 {
      "tpu.region"() ({
        %run_scoped3A = tpu.sem_alloc : memref<!tpu.dma_semaphore, #tpu.memory_space<semaphore_mem>>
        %dma_start3A = arith.constant 0 : i32
        %dma_start3A_1479 = arith.constant 0 : i32
        %dma_start3A_1480 = tpu.memref_slice %arg2[%add3A, %dma_start3A, %dma_start3A_1479] : memref<8x64x16xf32, #tpu.memory_space<hbm>> -> memref<1x64x16xf32, #tpu.memory_space<hbm>>
        %dma_start3A_1481 = tpu.memref_squeeze %dma_start3A_1480 : memref<1x64x16xf32, #tpu.memory_space<hbm>> -> memref<64x16xf32, #tpu.memory_space<hbm>>
        %dma_start3A_1482 = arith.constant 0 : i32
        %dma_start3A_1483 = arith.constant 0 : i32
        %dma_start3A_1484 = tpu.memref_slice %arg2[%add3A, %dma_start3A_1482, %dma_start3A_1483] : memref<8x64x16xf32, #tpu.memory_space<hbm>> -> memref<1x64x16xf32, #tpu.memory_space<hbm>>
        %dma_start3A_1485 = tpu.memref_squeeze %dma_start3A_1484 : memref<1x64x16xf32, #tpu.memory_space<hbm>> -> memref<64x16xf32, #tpu.memory_space<hbm>>
        tpu.enqueue_dma source(%dma_start3A_1485 : memref<64x16xf32, #tpu.memory_space<hbm>>) target(%arg4 : memref<64x16xf32, #tpu.memory_space<vmem>>) target_semaphore(%run_scoped3A : memref<!tpu.dma_semaphore, #tpu.memory_space<semaphore_mem>>)
        %dma_wait3A = arith.constant 0 : i32
        %dma_wait3A_1486 = arith.constant 0 : i32
        %dma_wait3A_1487 = tpu.memref_slice %arg2[%add3A, %dma_wait3A, %dma_wait3A_1486] : memref<8x64x16xf32, #tpu.memory_space<hbm>> -> memref<1x64x16xf32, #tpu.memory_space<hbm>>
        %dma_wait3A_1488 = tpu.memref_squeeze %dma_wait3A_1487 : memref<1x64x16xf32, #tpu.memory_space<hbm>> -> memref<64x16xf32, #tpu.memory_space<hbm>>
        %dma_wait3A_1489 = arith.constant 0 : i32
        %dma_wait3A_1490 = arith.constant 0 : i32
        %dma_wait3A_1491 = tpu.memref_slice %arg2[%add3A, %dma_wait3A_1489, %dma_wait3A_1490] : memref<8x64x16xf32, #tpu.memory_space<hbm>> -> memref<1x64x16xf32, #tpu.memory_space<hbm>>
        %dma_wait3A_1492 = tpu.memref_squeeze %dma_wait3A_1491 : memref<1x64x16xf32, #tpu.memory_space<hbm>> -> memref<64x16xf32, #tpu.memory_space<hbm>>
        tpu.wait_dma2 semaphore(%run_scoped3A : memref<!tpu.dma_semaphore, #tpu.memory_space<semaphore_mem>>) src(%dma_wait3A_1492 : memref<64x16xf32, #tpu.memory_space<hbm>>) dst(%arg4 : memref<64x16xf32, #tpu.memory_space<vmem>>)
        tpu.yield
      }) : () -> ()
      %broadcast_in_dim3A = arith.constant 0.000000e+00 : f32
      %broadcast_in_dim3A_3 = vector.broadcast %broadcast_in_dim3A : f32 to vector<16xf32>
      %broadcast_in_dim3A_4 = arith.constant 1.000000e+00 : f32
      %broadcast_in_dim3A_5 = vector.broadcast %broadcast_in_dim3A_4 : f32 to vector<16xf32>
      %broadcast_in_dim3A_6 = arith.constant -1.000000e+00 : f32
      %broadcast_in_dim3A_7 = vector.broadcast %broadcast_in_dim3A_6 : f32 to vector<16xf32>
      %broadcast_in_dim3A_8 = arith.constant -5.000000e-01 : f32
      %broadcast_in_dim3A_9 = vector.broadcast %broadcast_in_dim3A_8 : f32 to vector<16xf32>
      %broadcast_in_dim3A_10 = arith.constant 3.000000e+00 : f32
      %broadcast_in_dim3A_11 = vector.broadcast %broadcast_in_dim3A_10 : f32 to vector<16xf32>
      %get3A = arith.constant 0 : i32
      %get3A_12 = arith.index_cast %get3A : i32 to index
      %get3A_13 = arith.constant 0 : index
      %get3A_14 = tpu.vector_load %arg4[%get3A_12, %get3A_13] {strides = array<i32>} : memref<64x16xf32, #tpu.memory_space<vmem>>, vector<1x16xf32>,
      %get3A_15 = vector.shape_cast %get3A_14 : vector<1x16xf32> to vector<16xf32>
      %get3A_16 = arith.constant 1 : i32
      %get3A_17 = arith.index_cast %get3A_16 : i32 to index
      %get3A_18 = arith.constant 0 : index
      %get3A_19 = tpu.vector_load %arg4[%get3A_17, %get3A_18] {strides = array<i32>} : memref<64x16xf32, #tpu.memory_space<vmem>>, vector<1x16xf32>,
      %get3A_20 = vector.shape_cast %get3A_19 : vector<1x16xf32> to vector<16xf32>
      %max3A = arith.maximumf %get3A_15, %get3A_20 : vector<16xf32>
      %get3A_21 = arith.constant 2 : i32
      %get3A_22 = arith.index_cast %get3A_21 : i32 to index
      %get3A_23 = arith.constant 0 : index
      %get3A_24 = tpu.vector_load %arg4[%get3A_22, %get3A_23] {strides = array<i32>} : memref<64x16xf32, #tpu.memory_space<vmem>>, vector<1x16xf32>,
      %get3A_25 = vector.shape_cast %get3A_24 : vector<1x16xf32> to vector<16xf32>
      %max3A_26 = arith.maximumf %max3A, %get3A_25 : vector<16xf32>
      %get3A_27 = arith.constant 3 : i32
      %get3A_28 = arith.index_cast %get3A_27 : i32 to index
      %get3A_29 = arith.constant 0 : index
      %get3A_30 = tpu.vector_load %arg4[%get3A_28, %get3A_29] {strides = array<i32>} : memref<64x16xf32, #tpu.memory_space<vmem>>, vector<1x16xf32>,
      %get3A_31 = vector.shape_cast %get3A_30 : vector<1x16xf32> to vector<16xf32>
      %max3A_32 = arith.maximumf %max3A_26, %get3A_31 : vector<16xf32>
      %get3A_33 = arith.constant 4 : i32
      %get3A_34 = arith.index_cast %get3A_33 : i32 to index
      %get3A_35 = arith.constant 0 : index
      %get3A_36 = tpu.vector_load %arg4[%get3A_34, %get3A_35] {strides = array<i32>} : memref<64x16xf32, #tpu.memory_space<vmem>>, vector<1x16xf32>,
      %get3A_37 = vector.shape_cast %get3A_36 : vector<1x16xf32> to vector<16xf32>
      %max3A_38 = arith.maximumf %max3A_32, %get3A_37 : vector<16xf32>
      %get3A_39 = arith.constant 5 : i32
      %get3A_40 = arith.index_cast %get3A_39 : i32 to index
      %get3A_41 = arith.constant 0 : index
      %get3A_42 = tpu.vector_load %arg4[%get3A_40, %get3A_41] {strides = array<i32>} : memref<64x16xf32, #tpu.memory_space<vmem>>, vector<1x16xf32>,
      %get3A_43 = vector.shape_cast %get3A_42 : vector<1x16xf32> to vector<16xf32>
      %max3A_44 = arith.maximumf %max3A_38, %get3A_43 : vector<16xf32>
      %get3A_45 = arith.constant 6 : i32
      %get3A_46 = arith.index_cast %get3A_45 : i32 to index
      %get3A_47 = arith.constant 0 : index
      %get3A_48 = tpu.vector_load %arg4[%get3A_46, %get3A_47] {strides = array<i32>} : memref<64x16xf32, #tpu.memory_space<vmem>>, vector<1x16xf32>,
      %get3A_49 = vector.shape_cast %get3A_48 : vector<1x16xf32> to vector<16xf32>
      %max3A_50 = arith.maximumf %max3A_44, %get3A_49 : vector<16xf32>
      %get3A_51 = arith.constant 7 : i32
      %get3A_52 = arith.index_cast %get3A_51 : i32 to index
      %get3A_53 = arith.constant 0 : index
      %get3A_54 = tpu.vector_load %arg4[%get3A_52, %get3A_53] {strides = array<i32>} : memref<64x16xf32, #tpu.memory_space<vmem>>, vector<1x16xf32>,
      %get3A_55 = vector.shape_cast %get3A_54 : vector<1x16xf32> to vector<16xf32>
      %max3A_56 = arith.maximumf %max3A_50, %get3A_55 : vector<16xf32>
      %get3A_57 = arith.constant 8 : i32
      %get3A_58 = arith.index_cast %get3A_57 : i32 to index
      %get3A_59 = arith.constant 0 : index
      %get3A_60 = tpu.vector_load %arg4[%get3A_58, %get3A_59] {strides = array<i32>} : memref<64x16xf32, #tpu.memory_space<vmem>>, vector<1x16xf32>,
      %get3A_61 = vector.shape_cast %get3A_60 : vector<1x16xf32> to vector<16xf32>
      %max3A_62 = arith.maximumf %max3A_56, %get3A_61 : vector<16xf32>
      %get3A_63 = arith.constant 9 : i32
      %get3A_64 = arith.index_cast %get3A_63 : i32 to index
      %get3A_65 = arith.constant 0 : index
      %get3A_66 = tpu.vector_load %arg4[%get3A_64, %get3A_65] {strides = array<i32>} : memref<64x16xf32, #tpu.memory_space<vmem>>, vector<1x16xf32>,
      %get3A_67 = vector.shape_cast %get3A_66 : vector<1x16xf32> to vector<16xf32>
      %max3A_68 = arith.maximumf %max3A_62, %get3A_67 : vector<16xf32>
      %get3A_69 = arith.constant 10 : i32
      %get3A_70 = arith.index_cast %get3A_69 : i32 to index
      %get3A_71 = arith.constant 0 : index
      %get3A_72 = tpu.vector_load %arg4[%get3A_70, %get3A_71] {strides = array<i32>} : memref<64x16xf32, #tpu.memory_space<vmem>>, vector<1x16xf32>,
      %get3A_73 = vector.shape_cast %get3A_72 : vector<1x16xf32> to vector<16xf32>
      %max3A_74 = arith.maximumf %max3A_68, %get3A_73 : vector<16xf32>
      %get3A_75 = arith.constant 11 : i32
      %get3A_76 = arith.index_cast %get3A_75 : i32 to index
      %get3A_77 = arith.constant 0 : index
      %get3A_78 = tpu.vector_load %arg4[%get3A_76, %get3A_77] {strides = array<i32>} : memref<64x16xf32, #tpu.memory_space<vmem>>, vector<1x16xf32>,
      %get3A_79 = vector.shape_cast %get3A_78 : vector<1x16xf32> to vector<16xf32>
      %max3A_80 = arith.maximumf %max3A_74, %get3A_79 : vector<16xf32>
      %get3A_81 = arith.constant 12 : i32
      %get3A_82 = arith.index_cast %get3A_81 : i32 to index
      %get3A_83 = arith.constant 0 : index
      %get3A_84 = tpu.vector_load %arg4[%get3A_82, %get3A_83] {strides = array<i32>} : memref<64x16xf32, #tpu.memory_space<vmem>>, vector<1x16xf32>,
      %get3A_85 = vector.shape_cast %get3A_84 : vector<1x16xf32> to vector<16xf32>
      %max3A_86 = arith.maximumf %max3A_80, %get3A_85 : vector<16xf32>
      %get3A_87 = arith.constant 13 : i32
      %get3A_88 = arith.index_cast %get3A_87 : i32 to index
      %get3A_89 = arith.constant 0 : index
      %get3A_90 = tpu.vector_load %arg4[%get3A_88, %get3A_89] {strides = array<i32>} : memref<64x16xf32, #tpu.memory_space<vmem>>, vector<1x16xf32>,
      %get3A_91 = vector.shape_cast %get3A_90 : vector<1x16xf32> to vector<16xf32>
      %max3A_92 = arith.maximumf %max3A_86, %get3A_91 : vector<16xf32>
      %get3A_93 = arith.constant 14 : i32
      %get3A_94 = arith.index_cast %get3A_93 : i32 to index
      %get3A_95 = arith.constant 0 : index
      %get3A_96 = tpu.vector_load %arg4[%get3A_94, %get3A_95] {strides = array<i32>} : memref<64x16xf32, #tpu.memory_space<vmem>>, vector<1x16xf32>,
      %get3A_97 = vector.shape_cast %get3A_96 : vector<1x16xf32> to vector<16xf32>
      %max3A_98 = arith.maximumf %max3A_92, %get3A_97 : vector<16xf32>
      %get3A_99 = arith.constant 15 : i32
      %get3A_100 = arith.index_cast %get3A_99 : i32 to index
      %get3A_101 = arith.constant 0 : index
      %get3A_102 = tpu.vector_load %arg4[%get3A_100, %get3A_101] {strides = array<i32>} : memref<64x16xf32, #tpu.memory_space<vmem>>, vector<1x16xf32>,
      %get3A_103 = vector.shape_cast %get3A_102 : vector<1x16xf32> to vector<16xf32>
      %max3A_104 = arith.maximumf %max3A_98, %get3A_103 : vector<16xf32>
      %get3A_105 = arith.constant 16 : i32
      %get3A_106 = arith.index_cast %get3A_105 : i32 to index
      %get3A_107 = arith.constant 0 : index
      %get3A_108 = tpu.vector_load %arg4[%get3A_106, %get3A_107] {strides = array<i32>} : memref<64x16xf32, #tpu.memory_space<vmem>>, vector<1x16xf32>,
      %get3A_109 = vector.shape_cast %get3A_108 : vector<1x16xf32> to vector<16xf32>
      %max3A_110 = arith.maximumf %max3A_104, %get3A_109 : vector<16xf32>
      %get3A_111 = arith.constant 17 : i32
      %get3A_112 = arith.index_cast %get3A_111 : i32 to index
      %get3A_113 = arith.constant 0 : index
      %get3A_114 = tpu.vector_load %arg4[%get3A_112, %get3A_113] {strides = array<i32>} : memref<64x16xf32, #tpu.memory_space<vmem>>, vector<1x16xf32>,
      %get3A_115 = vector.shape_cast %get3A_114 : vector<1x16xf32> to vector<16xf32>
      %max3A_116 = arith.maximumf %max3A_110, %get3A_115 : vector<16xf32>
      %get3A_117 = arith.constant 18 : i32
      %get3A_118 = arith.index_cast %get3A_117 : i32 to index
      %get3A_119 = arith.constant 0 : index
      %get3A_120 = tpu.vector_load %arg4[%get3A_118, %get3A_119] {strides = array<i32>} : memref<64x16xf32, #tpu.memory_space<vmem>>, vector<1x16xf32>,
      %get3A_121 = vector.shape_cast %get3A_120 : vector<1x16xf32> to vector<16xf32>
      %max3A_122 = arith.maximumf %max3A_116, %get3A_121 : vector<16xf32>
      %get3A_123 = arith.constant 19 : i32
      %get3A_124 = arith.index_cast %get3A_123 : i32 to index
      %get3A_125 = arith.constant 0 : index
      %get3A_126 = tpu.vector_load %arg4[%get3A_124, %get3A_125] {strides = array<i32>} : memref<64x16xf32, #tpu.memory_space<vmem>>, vector<1x16xf32>,
      %get3A_127 = vector.shape_cast %get3A_126 : vector<1x16xf32> to vector<16xf32>
      %max3A_128 = arith.maximumf %max3A_122, %get3A_127 : vector<16xf32>
      %get3A_129 = arith.constant 20 : i32
      %get3A_130 = arith.index_cast %get3A_129 : i32 to index
      %get3A_131 = arith.constant 0 : index
      %get3A_132 = tpu.vector_load %arg4[%get3A_130, %get3A_131] {strides = array<i32>} : memref<64x16xf32, #tpu.memory_space<vmem>>, vector<1x16xf32>,
      %get3A_133 = vector.shape_cast %get3A_132 : vector<1x16xf32> to vector<16xf32>
      %max3A_134 = arith.maximumf %max3A_128, %get3A_133 : vector<16xf32>
      %get3A_135 = arith.constant 21 : i32
      %get3A_136 = arith.index_cast %get3A_135 : i32 to index
      %get3A_137 = arith.constant 0 : index
      %get3A_138 = tpu.vector_load %arg4[%get3A_136, %get3A_137] {strides = array<i32>} : memref<64x16xf32, #tpu.memory_space<vmem>>, vector<1x16xf32>,
      %get3A_139 = vector.shape_cast %get3A_138 : vector<1x16xf32> to vector<16xf32>
      %max3A_140 = arith.maximumf %max3A_134, %get3A_139 : vector<16xf32>
      %get3A_141 = arith.constant 22 : i32
      %get3A_142 = arith.index_cast %get3A_141 : i32 to index
      %get3A_143 = arith.constant 0 : index
      %get3A_144 = tpu.vector_load %arg4[%get3A_142, %get3A_143] {strides = array<i32>} : memref<64x16xf32, #tpu.memory_space<vmem>>, vector<1x16xf32>,
      %get3A_145 = vector.shape_cast %get3A_144 : vector<1x16xf32> to vector<16xf32>
      %max3A_146 = arith.maximumf %max3A_140, %get3A_145 : vector<16xf32>
      %get3A_147 = arith.constant 23 : i32
      %get3A_148 = arith.index_cast %get3A_147 : i32 to index
      %get3A_149 = arith.constant 0 : index
      %get3A_150 = tpu.vector_load %arg4[%get3A_148, %get3A_149] {strides = array<i32>} : memref<64x16xf32, #tpu.memory_space<vmem>>, vector<1x16xf32>,
      %get3A_151 = vector.shape_cast %get3A_150 : vector<1x16xf32> to vector<16xf32>
      %max3A_152 = arith.maximumf %max3A_146, %get3A_151 : vector<16xf32>
      %get3A_153 = arith.constant 24 : i32
      %get3A_154 = arith.index_cast %get3A_153 : i32 to index
      %get3A_155 = arith.constant 0 : index
      %get3A_156 = tpu.vector_load %arg4[%get3A_154, %get3A_155] {strides = array<i32>} : memref<64x16xf32, #tpu.memory_space<vmem>>, vector<1x16xf32>,
      %get3A_157 = vector.shape_cast %get3A_156 : vector<1x16xf32> to vector<16xf32>
      %max3A_158 = arith.maximumf %max3A_152, %get3A_157 : vector<16xf32>
      %get3A_159 = arith.constant 25 : i32
      %get3A_160 = arith.index_cast %get3A_159 : i32 to index
      %get3A_161 = arith.constant 0 : index
      %get3A_162 = tpu.vector_load %arg4[%get3A_160, %get3A_161] {strides = array<i32>} : memref<64x16xf32, #tpu.memory_space<vmem>>, vector<1x16xf32>,
      %get3A_163 = vector.shape_cast %get3A_162 : vector<1x16xf32> to vector<16xf32>
      %max3A_164 = arith.maximumf %max3A_158, %get3A_163 : vector<16xf32>
      %get3A_165 = arith.constant 26 : i32
      %get3A_166 = arith.index_cast %get3A_165 : i32 to index
      %get3A_167 = arith.constant 0 : index
      %get3A_168 = tpu.vector_load %arg4[%get3A_166, %get3A_167] {strides = array<i32>} : memref<64x16xf32, #tpu.memory_space<vmem>>, vector<1x16xf32>,
      %get3A_169 = vector.shape_cast %get3A_168 : vector<1x16xf32> to vector<16xf32>
      %max3A_170 = arith.maximumf %max3A_164, %get3A_169 : vector<16xf32>
      %get3A_171 = arith.constant 27 : i32
      %get3A_172 = arith.index_cast %get3A_171 : i32 to index
      %get3A_173 = arith.constant 0 : index
      %get3A_174 = tpu.vector_load %arg4[%get3A_172, %get3A_173] {strides = array<i32>} : memref<64x16xf32, #tpu.memory_space<vmem>>, vector<1x16xf32>,
      %get3A_175 = vector.shape_cast %get3A_174 : vector<1x16xf32> to vector<16xf32>
      %max3A_176 = arith.maximumf %max3A_170, %get3A_175 : vector<16xf32>
      %get3A_177 = arith.constant 28 : i32
      %get3A_178 = arith.index_cast %get3A_177 : i32 to index
      %get3A_179 = arith.constant 0 : index
      %get3A_180 = tpu.vector_load %arg4[%get3A_178, %get3A_179] {strides = array<i32>} : memref<64x16xf32, #tpu.memory_space<vmem>>, vector<1x16xf32>,
      %get3A_181 = vector.shape_cast %get3A_180 : vector<1x16xf32> to vector<16xf32>
      %max3A_182 = arith.maximumf %max3A_176, %get3A_181 : vector<16xf32>
      %get3A_183 = arith.constant 29 : i32
      %get3A_184 = arith.index_cast %get3A_183 : i32 to index
      %get3A_185 = arith.constant 0 : index
      %get3A_186 = tpu.vector_load %arg4[%get3A_184, %get3A_185] {strides = array<i32>} : memref<64x16xf32, #tpu.memory_space<vmem>>, vector<1x16xf32>,
      %get3A_187 = vector.shape_cast %get3A_186 : vector<1x16xf32> to vector<16xf32>
      %max3A_188 = arith.maximumf %max3A_182, %get3A_187 : vector<16xf32>
      %get3A_189 = arith.constant 30 : i32
      %get3A_190 = arith.index_cast %get3A_189 : i32 to index
      %get3A_191 = arith.constant 0 : index
      %get3A_192 = tpu.vector_load %arg4[%get3A_190, %get3A_191] {strides = array<i32>} : memref<64x16xf32, #tpu.memory_space<vmem>>, vector<1x16xf32>,
      %get3A_193 = vector.shape_cast %get3A_192 : vector<1x16xf32> to vector<16xf32>
      %max3A_194 = arith.maximumf %max3A_188, %get3A_193 : vector<16xf32>
      %get3A_195 = arith.constant 31 : i32
      %get3A_196 = arith.index_cast %get3A_195 : i32 to index
      %get3A_197 = arith.constant 0 : index
      %get3A_198 = tpu.vector_load %arg4[%get3A_196, %get3A_197] {strides = array<i32>} : memref<64x16xf32, #tpu.memory_space<vmem>>, vector<1x16xf32>,
      %get3A_199 = vector.shape_cast %get3A_198 : vector<1x16xf32> to vector<16xf32>
      %max3A_200 = arith.maximumf %max3A_194, %get3A_199 : vector<16xf32>
      %get3A_201 = arith.constant 32 : i32
      %get3A_202 = arith.index_cast %get3A_201 : i32 to index
      %get3A_203 = arith.constant 0 : index
      %get3A_204 = tpu.vector_load %arg4[%get3A_202, %get3A_203] {strides = array<i32>} : memref<64x16xf32, #tpu.memory_space<vmem>>, vector<1x16xf32>,
      %get3A_205 = vector.shape_cast %get3A_204 : vector<1x16xf32> to vector<16xf32>
      %max3A_206 = arith.maximumf %max3A_200, %get3A_205 : vector<16xf32>
      %get3A_207 = arith.constant 33 : i32
      %get3A_208 = arith.index_cast %get3A_207 : i32 to index
      %get3A_209 = arith.constant 0 : index
      %get3A_210 = tpu.vector_load %arg4[%get3A_208, %get3A_209] {strides = array<i32>} : memref<64x16xf32, #tpu.memory_space<vmem>>, vector<1x16xf32>,
      %get3A_211 = vector.shape_cast %get3A_210 : vector<1x16xf32> to vector<16xf32>
      %max3A_212 = arith.maximumf %max3A_206, %get3A_211 : vector<16xf32>
      %get3A_213 = arith.constant 34 : i32
      %get3A_214 = arith.index_cast %get3A_213 : i32 to index
      %get3A_215 = arith.constant 0 : index
      %get3A_216 = tpu.vector_load %arg4[%get3A_214, %get3A_215] {strides = array<i32>} : memref<64x16xf32, #tpu.memory_space<vmem>>, vector<1x16xf32>,
      %get3A_217 = vector.shape_cast %get3A_216 : vector<1x16xf32> to vector<16xf32>
      %max3A_218 = arith.maximumf %max3A_212, %get3A_217 : vector<16xf32>
      %get3A_219 = arith.constant 35 : i32
      %get3A_220 = arith.index_cast %get3A_219 : i32 to index
      %get3A_221 = arith.constant 0 : index
      %get3A_222 = tpu.vector_load %arg4[%get3A_220, %get3A_221] {strides = array<i32>} : memref<64x16xf32, #tpu.memory_space<vmem>>, vector<1x16xf32>,
      %get3A_223 = vector.shape_cast %get3A_222 : vector<1x16xf32> to vector<16xf32>
      %max3A_224 = arith.maximumf %max3A_218, %get3A_223 : vector<16xf32>
      %get3A_225 = arith.constant 36 : i32
      %get3A_226 = arith.index_cast %get3A_225 : i32 to index
      %get3A_227 = arith.constant 0 : index
      %get3A_228 = tpu.vector_load %arg4[%get3A_226, %get3A_227] {strides = array<i32>} : memref<64x16xf32, #tpu.memory_space<vmem>>, vector<1x16xf32>,
      %get3A_229 = vector.shape_cast %get3A_228 : vector<1x16xf32> to vector<16xf32>
      %max3A_230 = arith.maximumf %max3A_224, %get3A_229 : vector<16xf32>
      %get3A_231 = arith.constant 37 : i32
      %get3A_232 = arith.index_cast %get3A_231 : i32 to index
      %get3A_233 = arith.constant 0 : index
      %get3A_234 = tpu.vector_load %arg4[%get3A_232, %get3A_233] {strides = array<i32>} : memref<64x16xf32, #tpu.memory_space<vmem>>, vector<1x16xf32>,
      %get3A_235 = vector.shape_cast %get3A_234 : vector<1x16xf32> to vector<16xf32>
      %max3A_236 = arith.maximumf %max3A_230, %get3A_235 : vector<16xf32>
      %get3A_237 = arith.constant 38 : i32
      %get3A_238 = arith.index_cast %get3A_237 : i32 to index
      %get3A_239 = arith.constant 0 : index
      %get3A_240 = tpu.vector_load %arg4[%get3A_238, %get3A_239] {strides = array<i32>} : memref<64x16xf32, #tpu.memory_space<vmem>>, vector<1x16xf32>,
      %get3A_241 = vector.shape_cast %get3A_240 : vector<1x16xf32> to vector<16xf32>
      %max3A_242 = arith.maximumf %max3A_236, %get3A_241 : vector<16xf32>
      %get3A_243 = arith.constant 39 : i32
      %get3A_244 = arith.index_cast %get3A_243 : i32 to index
      %get3A_245 = arith.constant 0 : index
      %get3A_246 = tpu.vector_load %arg4[%get3A_244, %get3A_245] {strides = array<i32>} : memref<64x16xf32, #tpu.memory_space<vmem>>, vector<1x16xf32>,
      %get3A_247 = vector.shape_cast %get3A_246 : vector<1x16xf32> to vector<16xf32>
      %max3A_248 = arith.maximumf %max3A_242, %get3A_247 : vector<16xf32>
      %get3A_249 = arith.constant 40 : i32
      %get3A_250 = arith.index_cast %get3A_249 : i32 to index
      %get3A_251 = arith.constant 0 : index
      %get3A_252 = tpu.vector_load %arg4[%get3A_250, %get3A_251] {strides = array<i32>} : memref<64x16xf32, #tpu.memory_space<vmem>>, vector<1x16xf32>,
      %get3A_253 = vector.shape_cast %get3A_252 : vector<1x16xf32> to vector<16xf32>
      %max3A_254 = arith.maximumf %max3A_248, %get3A_253 : vector<16xf32>
      %get3A_255 = arith.constant 41 : i32
      %get3A_256 = arith.index_cast %get3A_255 : i32 to index
      %get3A_257 = arith.constant 0 : index
      %get3A_258 = tpu.vector_load %arg4[%get3A_256, %get3A_257] {strides = array<i32>} : memref<64x16xf32, #tpu.memory_space<vmem>>, vector<1x16xf32>,
      %get3A_259 = vector.shape_cast %get3A_258 : vector<1x16xf32> to vector<16xf32>
      %max3A_260 = arith.maximumf %max3A_254, %get3A_259 : vector<16xf32>
      %get3A_261 = arith.constant 42 : i32
      %get3A_262 = arith.index_cast %get3A_261 : i32 to index
      %get3A_263 = arith.constant 0 : index
      %get3A_264 = tpu.vector_load %arg4[%get3A_262, %get3A_263] {strides = array<i32>} : memref<64x16xf32, #tpu.memory_space<vmem>>, vector<1x16xf32>,
      %get3A_265 = vector.shape_cast %get3A_264 : vector<1x16xf32> to vector<16xf32>
      %max3A_266 = arith.maximumf %max3A_260, %get3A_265 : vector<16xf32>
      %get3A_267 = arith.constant 43 : i32
      %get3A_268 = arith.index_cast %get3A_267 : i32 to index
      %get3A_269 = arith.constant 0 : index
      %get3A_270 = tpu.vector_load %arg4[%get3A_268, %get3A_269] {strides = array<i32>} : memref<64x16xf32, #tpu.memory_space<vmem>>, vector<1x16xf32>,
      %get3A_271 = vector.shape_cast %get3A_270 : vector<1x16xf32> to vector<16xf32>
      %max3A_272 = arith.maximumf %max3A_266, %get3A_271 : vector<16xf32>
      %get3A_273 = arith.constant 44 : i32
      %get3A_274 = arith.index_cast %get3A_273 : i32 to index
      %get3A_275 = arith.constant 0 : index
      %get3A_276 = tpu.vector_load %arg4[%get3A_274, %get3A_275] {strides = array<i32>} : memref<64x16xf32, #tpu.memory_space<vmem>>, vector<1x16xf32>,
      %get3A_277 = vector.shape_cast %get3A_276 : vector<1x16xf32> to vector<16xf32>
      %max3A_278 = arith.maximumf %max3A_272, %get3A_277 : vector<16xf32>
      %get3A_279 = arith.constant 45 : i32
      %get3A_280 = arith.index_cast %get3A_279 : i32 to index
      %get3A_281 = arith.constant 0 : index
      %get3A_282 = tpu.vector_load %arg4[%get3A_280, %get3A_281] {strides = array<i32>} : memref<64x16xf32, #tpu.memory_space<vmem>>, vector<1x16xf32>,
      %get3A_283 = vector.shape_cast %get3A_282 : vector<1x16xf32> to vector<16xf32>
      %max3A_284 = arith.maximumf %max3A_278, %get3A_283 : vector<16xf32>
      %get3A_285 = arith.constant 46 : i32
      %get3A_286 = arith.index_cast %get3A_285 : i32 to index
      %get3A_287 = arith.constant 0 : index
      %get3A_288 = tpu.vector_load %arg4[%get3A_286, %get3A_287] {strides = array<i32>} : memref<64x16xf32, #tpu.memory_space<vmem>>, vector<1x16xf32>,
      %get3A_289 = vector.shape_cast %get3A_288 : vector<1x16xf32> to vector<16xf32>
      %max3A_290 = arith.maximumf %max3A_284, %get3A_289 : vector<16xf32>
      %get3A_291 = arith.constant 47 : i32
      %get3A_292 = arith.index_cast %get3A_291 : i32 to index
      %get3A_293 = arith.constant 0 : index
      %get3A_294 = tpu.vector_load %arg4[%get3A_292, %get3A_293] {strides = array<i32>} : memref<64x16xf32, #tpu.memory_space<vmem>>, vector<1x16xf32>,
      %get3A_295 = vector.shape_cast %get3A_294 : vector<1x16xf32> to vector<16xf32>
      %max3A_296 = arith.maximumf %max3A_290, %get3A_295 : vector<16xf32>
      %get3A_297 = arith.constant 48 : i32
      %get3A_298 = arith.index_cast %get3A_297 : i32 to index
      %get3A_299 = arith.constant 0 : index
      %get3A_300 = tpu.vector_load %arg4[%get3A_298, %get3A_299] {strides = array<i32>} : memref<64x16xf32, #tpu.memory_space<vmem>>, vector<1x16xf32>,
      %get3A_301 = vector.shape_cast %get3A_300 : vector<1x16xf32> to vector<16xf32>
      %max3A_302 = arith.maximumf %max3A_296, %get3A_301 : vector<16xf32>
      %get3A_303 = arith.constant 49 : i32
      %get3A_304 = arith.index_cast %get3A_303 : i32 to index
      %get3A_305 = arith.constant 0 : index
      %get3A_306 = tpu.vector_load %arg4[%get3A_304, %get3A_305] {strides = array<i32>} : memref<64x16xf32, #tpu.memory_space<vmem>>, vector<1x16xf32>,
      %get3A_307 = vector.shape_cast %get3A_306 : vector<1x16xf32> to vector<16xf32>
      %max3A_308 = arith.maximumf %max3A_302, %get3A_307 : vector<16xf32>
      %get3A_309 = arith.constant 50 : i32
      %get3A_310 = arith.index_cast %get3A_309 : i32 to index
      %get3A_311 = arith.constant 0 : index
      %get3A_312 = tpu.vector_load %arg4[%get3A_310, %get3A_311] {strides = array<i32>} : memref<64x16xf32, #tpu.memory_space<vmem>>, vector<1x16xf32>,
      %get3A_313 = vector.shape_cast %get3A_312 : vector<1x16xf32> to vector<16xf32>
      %max3A_314 = arith.maximumf %max3A_308, %get3A_313 : vector<16xf32>
      %get3A_315 = arith.constant 51 : i32
      %get3A_316 = arith.index_cast %get3A_315 : i32 to index
      %get3A_317 = arith.constant 0 : index
      %get3A_318 = tpu.vector_load %arg4[%get3A_316, %get3A_317] {strides = array<i32>} : memref<64x16xf32, #tpu.memory_space<vmem>>, vector<1x16xf32>,
      %get3A_319 = vector.shape_cast %get3A_318 : vector<1x16xf32> to vector<16xf32>
      %max3A_320 = arith.maximumf %max3A_314, %get3A_319 : vector<16xf32>
      %get3A_321 = arith.constant 52 : i32
      %get3A_322 = arith.index_cast %get3A_321 : i32 to index
      %get3A_323 = arith.constant 0 : index
      %get3A_324 = tpu.vector_load %arg4[%get3A_322, %get3A_323] {strides = array<i32>} : memref<64x16xf32, #tpu.memory_space<vmem>>, vector<1x16xf32>,
      %get3A_325 = vector.shape_cast %get3A_324 : vector<1x16xf32> to vector<16xf32>
      %max3A_326 = arith.maximumf %max3A_320, %get3A_325 : vector<16xf32>
      %get3A_327 = arith.constant 53 : i32
      %get3A_328 = arith.index_cast %get3A_327 : i32 to index
      %get3A_329 = arith.constant 0 : index
      %get3A_330 = tpu.vector_load %arg4[%get3A_328, %get3A_329] {strides = array<i32>} : memref<64x16xf32, #tpu.memory_space<vmem>>, vector<1x16xf32>,
      %get3A_331 = vector.shape_cast %get3A_330 : vector<1x16xf32> to vector<16xf32>
      %max3A_332 = arith.maximumf %max3A_326, %get3A_331 : vector<16xf32>
      %get3A_333 = arith.constant 54 : i32
      %get3A_334 = arith.index_cast %get3A_333 : i32 to index
      %get3A_335 = arith.constant 0 : index
      %get3A_336 = tpu.vector_load %arg4[%get3A_334, %get3A_335] {strides = array<i32>} : memref<64x16xf32, #tpu.memory_space<vmem>>, vector<1x16xf32>,
      %get3A_337 = vector.shape_cast %get3A_336 : vector<1x16xf32> to vector<16xf32>
      %max3A_338 = arith.maximumf %max3A_332, %get3A_337 : vector<16xf32>
      %get3A_339 = arith.constant 55 : i32
      %get3A_340 = arith.index_cast %get3A_339 : i32 to index
      %get3A_341 = arith.constant 0 : index
      %get3A_342 = tpu.vector_load %arg4[%get3A_340, %get3A_341] {strides = array<i32>} : memref<64x16xf32, #tpu.memory_space<vmem>>, vector<1x16xf32>,
      %get3A_343 = vector.shape_cast %get3A_342 : vector<1x16xf32> to vector<16xf32>
      %max3A_344 = arith.maximumf %max3A_338, %get3A_343 : vector<16xf32>
      %get3A_345 = arith.constant 56 : i32
      %get3A_346 = arith.index_cast %get3A_345 : i32 to index
      %get3A_347 = arith.constant 0 : index
      %get3A_348 = tpu.vector_load %arg4[%get3A_346, %get3A_347] {strides = array<i32>} : memref<64x16xf32, #tpu.memory_space<vmem>>, vector<1x16xf32>,
      %get3A_349 = vector.shape_cast %get3A_348 : vector<1x16xf32> to vector<16xf32>
      %max3A_350 = arith.maximumf %max3A_344, %get3A_349 : vector<16xf32>
      %get3A_351 = arith.constant 57 : i32
      %get3A_352 = arith.index_cast %get3A_351 : i32 to index
      %get3A_353 = arith.constant 0 : index
      %get3A_354 = tpu.vector_load %arg4[%get3A_352, %get3A_353] {strides = array<i32>} : memref<64x16xf32, #tpu.memory_space<vmem>>, vector<1x16xf32>,
      %get3A_355 = vector.shape_cast %get3A_354 : vector<1x16xf32> to vector<16xf32>
      %max3A_356 = arith.maximumf %max3A_350, %get3A_355 : vector<16xf32>
      %get3A_357 = arith.constant 58 : i32
      %get3A_358 = arith.index_cast %get3A_357 : i32 to index
      %get3A_359 = arith.constant 0 : index
      %get3A_360 = tpu.vector_load %arg4[%get3A_358, %get3A_359] {strides = array<i32>} : memref<64x16xf32, #tpu.memory_space<vmem>>, vector<1x16xf32>,
      %get3A_361 = vector.shape_cast %get3A_360 : vector<1x16xf32> to vector<16xf32>
      %max3A_362 = arith.maximumf %max3A_356, %get3A_361 : vector<16xf32>
      %get3A_363 = arith.constant 59 : i32
      %get3A_364 = arith.index_cast %get3A_363 : i32 to index
      %get3A_365 = arith.constant 0 : index
      %get3A_366 = tpu.vector_load %arg4[%get3A_364, %get3A_365] {strides = array<i32>} : memref<64x16xf32, #tpu.memory_space<vmem>>, vector<1x16xf32>,
      %get3A_367 = vector.shape_cast %get3A_366 : vector<1x16xf32> to vector<16xf32>
      %max3A_368 = arith.maximumf %max3A_362, %get3A_367 : vector<16xf32>
      %get3A_369 = arith.constant 60 : i32
      %get3A_370 = arith.index_cast %get3A_369 : i32 to index
      %get3A_371 = arith.constant 0 : index
      %get3A_372 = tpu.vector_load %arg4[%get3A_370, %get3A_371] {strides = array<i32>} : memref<64x16xf32, #tpu.memory_space<vmem>>, vector<1x16xf32>,
      %get3A_373 = vector.shape_cast %get3A_372 : vector<1x16xf32> to vector<16xf32>
      %max3A_374 = arith.maximumf %max3A_368, %get3A_373 : vector<16xf32>
      %get3A_375 = arith.constant 61 : i32
      %get3A_376 = arith.index_cast %get3A_375 : i32 to index
      %get3A_377 = arith.constant 0 : index
      %get3A_378 = tpu.vector_load %arg4[%get3A_376, %get3A_377] {strides = array<i32>} : memref<64x16xf32, #tpu.memory_space<vmem>>, vector<1x16xf32>,
      %get3A_379 = vector.shape_cast %get3A_378 : vector<1x16xf32> to vector<16xf32>
      %max3A_380 = arith.maximumf %max3A_374, %get3A_379 : vector<16xf32>
      %get3A_381 = arith.constant 62 : i32
      %get3A_382 = arith.index_cast %get3A_381 : i32 to index
      %get3A_383 = arith.constant 0 : index
      %get3A_384 = tpu.vector_load %arg4[%get3A_382, %get3A_383] {strides = array<i32>} : memref<64x16xf32, #tpu.memory_space<vmem>>, vector<1x16xf32>,
      %get3A_385 = vector.shape_cast %get3A_384 : vector<1x16xf32> to vector<16xf32>
      %max3A_386 = arith.maximumf %max3A_380, %get3A_385 : vector<16xf32>
      %get3A_387 = arith.constant 63 : i32
      %get3A_388 = arith.index_cast %get3A_387 : i32 to index
      %get3A_389 = arith.constant 0 : index
      %get3A_390 = tpu.vector_load %arg4[%get3A_388, %get3A_389] {strides = array<i32>} : memref<64x16xf32, #tpu.memory_space<vmem>>, vector<1x16xf32>,
      %get3A_391 = vector.shape_cast %get3A_390 : vector<1x16xf32> to vector<16xf32>
      %max3A_392 = arith.maximumf %max3A_386, %get3A_391 : vector<16xf32>
      %sub3A = arith.subf %get3A_15, %max3A_392 : vector<16xf32>
      %exp3A = math.exp %sub3A : vector<16xf32>
      %sub3A_393 = arith.subf %get3A_20, %max3A_392 : vector<16xf32>
      %exp3A_394 = math.exp %sub3A_393 : vector<16xf32>
      %sub3A_395 = arith.subf %get3A_25, %max3A_392 : vector<16xf32>
      %exp3A_396 = math.exp %sub3A_395 : vector<16xf32>
      %sub3A_397 = arith.subf %get3A_31, %max3A_392 : vector<16xf32>
      %exp3A_398 = math.exp %sub3A_397 : vector<16xf32>
      %sub3A_399 = arith.subf %get3A_37, %max3A_392 : vector<16xf32>
      %exp3A_400 = math.exp %sub3A_399 : vector<16xf32>
      %sub3A_401 = arith.subf %get3A_43, %max3A_392 : vector<16xf32>
      %exp3A_402 = math.exp %sub3A_401 : vector<16xf32>
      %sub3A_403 = arith.subf %get3A_49, %max3A_392 : vector<16xf32>
      %exp3A_404 = math.exp %sub3A_403 : vector<16xf32>
      %sub3A_405 = arith.subf %get3A_55, %max3A_392 : vector<16xf32>
      %exp3A_406 = math.exp %sub3A_405 : vector<16xf32>
      %sub3A_407 = arith.subf %get3A_61, %max3A_392 : vector<16xf32>
      %exp3A_408 = math.exp %sub3A_407 : vector<16xf32>
      %sub3A_409 = arith.subf %get3A_67, %max3A_392 : vector<16xf32>
      %exp3A_410 = math.exp %sub3A_409 : vector<16xf32>
      %sub3A_411 = arith.subf %get3A_73, %max3A_392 : vector<16xf32>
      %exp3A_412 = math.exp %sub3A_411 : vector<16xf32>
      %sub3A_413 = arith.subf %get3A_79, %max3A_392 : vector<16xf32>
      %exp3A_414 = math.exp %sub3A_413 : vector<16xf32>
      %sub3A_415 = arith.subf %get3A_85, %max3A_392 : vector<16xf32>
      %exp3A_416 = math.exp %sub3A_415 : vector<16xf32>
      %sub3A_417 = arith.subf %get3A_91, %max3A_392 : vector<16xf32>
      %exp3A_418 = math.exp %sub3A_417 : vector<16xf32>
      %sub3A_419 = arith.subf %get3A_97, %max3A_392 : vector<16xf32>
      %exp3A_420 = math.exp %sub3A_419 : vector<16xf32>
      %sub3A_421 = arith.subf %get3A_103, %max3A_392 : vector<16xf32>
      %exp3A_422 = math.exp %sub3A_421 : vector<16xf32>
      %sub3A_423 = arith.subf %get3A_109, %max3A_392 : vector<16xf32>
      %exp3A_424 = math.exp %sub3A_423 : vector<16xf32>
      %sub3A_425 = arith.subf %get3A_115, %max3A_392 : vector<16xf32>
      %exp3A_426 = math.exp %sub3A_425 : vector<16xf32>
      %sub3A_427 = arith.subf %get3A_121, %max3A_392 : vector<16xf32>
      %exp3A_428 = math.exp %sub3A_427 : vector<16xf32>
      %sub3A_429 = arith.subf %get3A_127, %max3A_392 : vector<16xf32>
      %exp3A_430 = math.exp %sub3A_429 : vector<16xf32>
      %sub3A_431 = arith.subf %get3A_133, %max3A_392 : vector<16xf32>
      %exp3A_432 = math.exp %sub3A_431 : vector<16xf32>
      %sub3A_433 = arith.subf %get3A_139, %max3A_392 : vector<16xf32>
      %exp3A_434 = math.exp %sub3A_433 : vector<16xf32>
      %sub3A_435 = arith.subf %get3A_145, %max3A_392 : vector<16xf32>
      %exp3A_436 = math.exp %sub3A_435 : vector<16xf32>
      %sub3A_437 = arith.subf %get3A_151, %max3A_392 : vector<16xf32>
      %exp3A_438 = math.exp %sub3A_437 : vector<16xf32>
      %sub3A_439 = arith.subf %get3A_157, %max3A_392 : vector<16xf32>
      %exp3A_440 = math.exp %sub3A_439 : vector<16xf32>
      %sub3A_441 = arith.subf %get3A_163, %max3A_392 : vector<16xf32>
      %exp3A_442 = math.exp %sub3A_441 : vector<16xf32>
      %sub3A_443 = arith.subf %get3A_169, %max3A_392 : vector<16xf32>
      %exp3A_444 = math.exp %sub3A_443 : vector<16xf32>
      %sub3A_445 = arith.subf %get3A_175, %max3A_392 : vector<16xf32>
      %exp3A_446 = math.exp %sub3A_445 : vector<16xf32>
      %sub3A_447 = arith.subf %get3A_181, %max3A_392 : vector<16xf32>
      %exp3A_448 = math.exp %sub3A_447 : vector<16xf32>
      %sub3A_449 = arith.subf %get3A_187, %max3A_392 : vector<16xf32>
      %exp3A_450 = math.exp %sub3A_449 : vector<16xf32>
      %sub3A_451 = arith.subf %get3A_193, %max3A_392 : vector<16xf32>
      %exp3A_452 = math.exp %sub3A_451 : vector<16xf32>
      %sub3A_453 = arith.subf %get3A_199, %max3A_392 : vector<16xf32>
      %exp3A_454 = math.exp %sub3A_453 : vector<16xf32>
      %sub3A_455 = arith.subf %get3A_205, %max3A_392 : vector<16xf32>
      %exp3A_456 = math.exp %sub3A_455 : vector<16xf32>
      %sub3A_457 = arith.subf %get3A_211, %max3A_392 : vector<16xf32>
      %exp3A_458 = math.exp %sub3A_457 : vector<16xf32>
      %sub3A_459 = arith.subf %get3A_217, %max3A_392 : vector<16xf32>
      %exp3A_460 = math.exp %sub3A_459 : vector<16xf32>
      %sub3A_461 = arith.subf %get3A_223, %max3A_392 : vector<16xf32>
      %exp3A_462 = math.exp %sub3A_461 : vector<16xf32>
      %sub3A_463 = arith.subf %get3A_229, %max3A_392 : vector<16xf32>
      %exp3A_464 = math.exp %sub3A_463 : vector<16xf32>
      %sub3A_465 = arith.subf %get3A_235, %max3A_392 : vector<16xf32>
      %exp3A_466 = math.exp %sub3A_465 : vector<16xf32>
      %sub3A_467 = arith.subf %get3A_241, %max3A_392 : vector<16xf32>
      %exp3A_468 = math.exp %sub3A_467 : vector<16xf32>
      %sub3A_469 = arith.subf %get3A_247, %max3A_392 : vector<16xf32>
      %exp3A_470 = math.exp %sub3A_469 : vector<16xf32>
      %sub3A_471 = arith.subf %get3A_253, %max3A_392 : vector<16xf32>
      %exp3A_472 = math.exp %sub3A_471 : vector<16xf32>
      %sub3A_473 = arith.subf %get3A_259, %max3A_392 : vector<16xf32>
      %exp3A_474 = math.exp %sub3A_473 : vector<16xf32>
      %sub3A_475 = arith.subf %get3A_265, %max3A_392 : vector<16xf32>
      %exp3A_476 = math.exp %sub3A_475 : vector<16xf32>
      %sub3A_477 = arith.subf %get3A_271, %max3A_392 : vector<16xf32>
      %exp3A_478 = math.exp %sub3A_477 : vector<16xf32>
      %sub3A_479 = arith.subf %get3A_277, %max3A_392 : vector<16xf32>
      %exp3A_480 = math.exp %sub3A_479 : vector<16xf32>
      %sub3A_481 = arith.subf %get3A_283, %max3A_392 : vector<16xf32>
      %exp3A_482 = math.exp %sub3A_481 : vector<16xf32>
      %sub3A_483 = arith.subf %get3A_289, %max3A_392 : vector<16xf32>
      %exp3A_484 = math.exp %sub3A_483 : vector<16xf32>
      %sub3A_485 = arith.subf %get3A_295, %max3A_392 : vector<16xf32>
      %exp3A_486 = math.exp %sub3A_485 : vector<16xf32>
      %sub3A_487 = arith.subf %get3A_301, %max3A_392 : vector<16xf32>
      %exp3A_488 = math.exp %sub3A_487 : vector<16xf32>
      %sub3A_489 = arith.subf %get3A_307, %max3A_392 : vector<16xf32>
      %exp3A_490 = math.exp %sub3A_489 : vector<16xf32>
      %sub3A_491 = arith.subf %get3A_313, %max3A_392 : vector<16xf32>
      %exp3A_492 = math.exp %sub3A_491 : vector<16xf32>
      %sub3A_493 = arith.subf %get3A_319, %max3A_392 : vector<16xf32>
      %exp3A_494 = math.exp %sub3A_493 : vector<16xf32>
      %sub3A_495 = arith.subf %get3A_325, %max3A_392 : vector<16xf32>
      %exp3A_496 = math.exp %sub3A_495 : vector<16xf32>
      %sub3A_497 = arith.subf %get3A_331, %max3A_392 : vector<16xf32>
      %exp3A_498 = math.exp %sub3A_497 : vector<16xf32>
      %sub3A_499 = arith.subf %get3A_337, %max3A_392 : vector<16xf32>
      %exp3A_500 = math.exp %sub3A_499 : vector<16xf32>
      %sub3A_501 = arith.subf %get3A_343, %max3A_392 : vector<16xf32>
      %exp3A_502 = math.exp %sub3A_501 : vector<16xf32>
      %sub3A_503 = arith.subf %get3A_349, %max3A_392 : vector<16xf32>
      %exp3A_504 = math.exp %sub3A_503 : vector<16xf32>
      %sub3A_505 = arith.subf %get3A_355, %max3A_392 : vector<16xf32>
      %exp3A_506 = math.exp %sub3A_505 : vector<16xf32>
      %sub3A_507 = arith.subf %get3A_361, %max3A_392 : vector<16xf32>
      %exp3A_508 = math.exp %sub3A_507 : vector<16xf32>
      %sub3A_509 = arith.subf %get3A_367, %max3A_392 : vector<16xf32>
      %exp3A_510 = math.exp %sub3A_509 : vector<16xf32>
      %sub3A_511 = arith.subf %get3A_373, %max3A_392 : vector<16xf32>
      %exp3A_512 = math.exp %sub3A_511 : vector<16xf32>
      %sub3A_513 = arith.subf %get3A_379, %max3A_392 : vector<16xf32>
      %exp3A_514 = math.exp %sub3A_513 : vector<16xf32>
      %sub3A_515 = arith.subf %get3A_385, %max3A_392 : vector<16xf32>
      %exp3A_516 = math.exp %sub3A_515 : vector<16xf32>
      %sub3A_517 = arith.subf %get3A_391, %max3A_392 : vector<16xf32>
      %exp3A_518 = math.exp %sub3A_517 : vector<16xf32>
      %add3A_519 = arith.addf %exp3A, %exp3A_394 : vector<16xf32>
      %add3A_520 = arith.addf %add3A_519, %exp3A_396 : vector<16xf32>
      %add3A_521 = arith.addf %add3A_520, %exp3A_398 : vector<16xf32>
      %add3A_522 = arith.addf %add3A_521, %exp3A_400 : vector<16xf32>
      %add3A_523 = arith.addf %add3A_522, %exp3A_402 : vector<16xf32>
      %add3A_524 = arith.addf %add3A_523, %exp3A_404 : vector<16xf32>
      %add3A_525 = arith.addf %add3A_524, %exp3A_406 : vector<16xf32>
      %add3A_526 = arith.addf %add3A_525, %exp3A_408 : vector<16xf32>
      %add3A_527 = arith.addf %add3A_526, %exp3A_410 : vector<16xf32>
      %add3A_528 = arith.addf %add3A_527, %exp3A_412 : vector<16xf32>
      %add3A_529 = arith.addf %add3A_528, %exp3A_414 : vector<16xf32>
      %add3A_530 = arith.addf %add3A_529, %exp3A_416 : vector<16xf32>
      %add3A_531 = arith.addf %add3A_530, %exp3A_418 : vector<16xf32>
      %add3A_532 = arith.addf %add3A_531, %exp3A_420 : vector<16xf32>
      %add3A_533 = arith.addf %add3A_532, %exp3A_422 : vector<16xf32>
      %add3A_534 = arith.addf %add3A_533, %exp3A_424 : vector<16xf32>
      %add3A_535 = arith.addf %add3A_534, %exp3A_426 : vector<16xf32>
      %add3A_536 = arith.addf %add3A_535, %exp3A_428 : vector<16xf32>
      %add3A_537 = arith.addf %add3A_536, %exp3A_430 : vector<16xf32>
      %add3A_538 = arith.addf %add3A_537, %exp3A_432 : vector<16xf32>
      %add3A_539 = arith.addf %add3A_538, %exp3A_434 : vector<16xf32>
      %add3A_540 = arith.addf %add3A_539, %exp3A_436 : vector<16xf32>
      %add3A_541 = arith.addf %add3A_540, %exp3A_438 : vector<16xf32>
      %add3A_542 = arith.addf %add3A_541, %exp3A_440 : vector<16xf32>
      %add3A_543 = arith.addf %add3A_542, %exp3A_442 : vector<16xf32>
      %add3A_544 = arith.addf %add3A_543, %exp3A_444 : vector<16xf32>
      %add3A_545 = arith.addf %add3A_544, %exp3A_446 : vector<16xf32>
      %add3A_546 = arith.addf %add3A_545, %exp3A_448 : vector<16xf32>
      %add3A_547 = arith.addf %add3A_546, %exp3A_450 : vector<16xf32>
      %add3A_548 = arith.addf %add3A_547, %exp3A_452 : vector<16xf32>
      %add3A_549 = arith.addf %add3A_548, %exp3A_454 : vector<16xf32>
      %add3A_550 = arith.addf %add3A_549, %exp3A_456 : vector<16xf32>
      %add3A_551 = arith.addf %add3A_550, %exp3A_458 : vector<16xf32>
      %add3A_552 = arith.addf %add3A_551, %exp3A_460 : vector<16xf32>
      %add3A_553 = arith.addf %add3A_552, %exp3A_462 : vector<16xf32>
      %add3A_554 = arith.addf %add3A_553, %exp3A_464 : vector<16xf32>
      %add3A_555 = arith.addf %add3A_554, %exp3A_466 : vector<16xf32>
      %add3A_556 = arith.addf %add3A_555, %exp3A_468 : vector<16xf32>
      %add3A_557 = arith.addf %add3A_556, %exp3A_470 : vector<16xf32>
      %add3A_558 = arith.addf %add3A_557, %exp3A_472 : vector<16xf32>
      %add3A_559 = arith.addf %add3A_558, %exp3A_474 : vector<16xf32>
      %add3A_560 = arith.addf %add3A_559, %exp3A_476 : vector<16xf32>
      %add3A_561 = arith.addf %add3A_560, %exp3A_478 : vector<16xf32>
      %add3A_562 = arith.addf %add3A_561, %exp3A_480 : vector<16xf32>
      %add3A_563 = arith.addf %add3A_562, %exp3A_482 : vector<16xf32>
      %add3A_564 = arith.addf %add3A_563, %exp3A_484 : vector<16xf32>
      %add3A_565 = arith.addf %add3A_564, %exp3A_486 : vector<16xf32>
      %add3A_566 = arith.addf %add3A_565, %exp3A_488 : vector<16xf32>
      %add3A_567 = arith.addf %add3A_566, %exp3A_490 : vector<16xf32>
      %add3A_568 = arith.addf %add3A_567, %exp3A_492 : vector<16xf32>
      %add3A_569 = arith.addf %add3A_568, %exp3A_494 : vector<16xf32>
      %add3A_570 = arith.addf %add3A_569, %exp3A_496 : vector<16xf32>
      %add3A_571 = arith.addf %add3A_570, %exp3A_498 : vector<16xf32>
      %add3A_572 = arith.addf %add3A_571, %exp3A_500 : vector<16xf32>
      %add3A_573 = arith.addf %add3A_572, %exp3A_502 : vector<16xf32>
      %add3A_574 = arith.addf %add3A_573, %exp3A_504 : vector<16xf32>
      %add3A_575 = arith.addf %add3A_574, %exp3A_506 : vector<16xf32>
      %add3A_576 = arith.addf %add3A_575, %exp3A_508 : vector<16xf32>
      %add3A_577 = arith.addf %add3A_576, %exp3A_510 : vector<16xf32>
      %add3A_578 = arith.addf %add3A_577, %exp3A_512 : vector<16xf32>
      %add3A_579 = arith.addf %add3A_578, %exp3A_514 : vector<16xf32>
      %add3A_580 = arith.addf %add3A_579, %exp3A_516 : vector<16xf32>
      %add3A_581 = arith.addf %add3A_580, %exp3A_518 : vector<16xf32>
      %div3A = arith.divf %exp3A, %add3A_581 : vector<16xf32>
      %div3A_582 = arith.divf %exp3A_394, %add3A_581 : vector<16xf32>
      %div3A_583 = arith.divf %exp3A_396, %add3A_581 : vector<16xf32>
      %div3A_584 = arith.divf %exp3A_398, %add3A_581 : vector<16xf32>
      %div3A_585 = arith.divf %exp3A_400, %add3A_581 : vector<16xf32>
      %div3A_586 = arith.divf %exp3A_402, %add3A_581 : vector<16xf32>
      %div3A_587 = arith.divf %exp3A_404, %add3A_581 : vector<16xf32>
      %div3A_588 = arith.divf %exp3A_406, %add3A_581 : vector<16xf32>
      %div3A_589 = arith.divf %exp3A_408, %add3A_581 : vector<16xf32>
      %div3A_590 = arith.divf %exp3A_410, %add3A_581 : vector<16xf32>
      %div3A_591 = arith.divf %exp3A_412, %add3A_581 : vector<16xf32>
      %div3A_592 = arith.divf %exp3A_414, %add3A_581 : vector<16xf32>
      %div3A_593 = arith.divf %exp3A_416, %add3A_581 : vector<16xf32>
      %div3A_594 = arith.divf %exp3A_418, %add3A_581 : vector<16xf32>
      %div3A_595 = arith.divf %exp3A_420, %add3A_581 : vector<16xf32>
      %div3A_596 = arith.divf %exp3A_422, %add3A_581 : vector<16xf32>
      %div3A_597 = arith.divf %exp3A_424, %add3A_581 : vector<16xf32>
      %div3A_598 = arith.divf %exp3A_426, %add3A_581 : vector<16xf32>
      %div3A_599 = arith.divf %exp3A_428, %add3A_581 : vector<16xf32>
      %div3A_600 = arith.divf %exp3A_430, %add3A_581 : vector<16xf32>
      %div3A_601 = arith.divf %exp3A_432, %add3A_581 : vector<16xf32>
      %div3A_602 = arith.divf %exp3A_434, %add3A_581 : vector<16xf32>
      %div3A_603 = arith.divf %exp3A_436, %add3A_581 : vector<16xf32>
      %div3A_604 = arith.divf %exp3A_438, %add3A_581 : vector<16xf32>
      %div3A_605 = arith.divf %exp3A_440, %add3A_581 : vector<16xf32>
      %div3A_606 = arith.divf %exp3A_442, %add3A_581 : vector<16xf32>
      %div3A_607 = arith.divf %exp3A_444, %add3A_581 : vector<16xf32>
      %div3A_608 = arith.divf %exp3A_446, %add3A_581 : vector<16xf32>
      %div3A_609 = arith.divf %exp3A_448, %add3A_581 : vector<16xf32>
      %div3A_610 = arith.divf %exp3A_450, %add3A_581 : vector<16xf32>
      %div3A_611 = arith.divf %exp3A_452, %add3A_581 : vector<16xf32>
      %div3A_612 = arith.divf %exp3A_454, %add3A_581 : vector<16xf32>
      %div3A_613 = arith.divf %exp3A_456, %add3A_581 : vector<16xf32>
      %div3A_614 = arith.divf %exp3A_458, %add3A_581 : vector<16xf32>
      %div3A_615 = arith.divf %exp3A_460, %add3A_581 : vector<16xf32>
      %div3A_616 = arith.divf %exp3A_462, %add3A_581 : vector<16xf32>
      %div3A_617 = arith.divf %exp3A_464, %add3A_581 : vector<16xf32>
      %div3A_618 = arith.divf %exp3A_466, %add3A_581 : vector<16xf32>
      %div3A_619 = arith.divf %exp3A_468, %add3A_581 : vector<16xf32>
      %div3A_620 = arith.divf %exp3A_470, %add3A_581 : vector<16xf32>
      %div3A_621 = arith.divf %exp3A_472, %add3A_581 : vector<16xf32>
      %div3A_622 = arith.divf %exp3A_474, %add3A_581 : vector<16xf32>
      %div3A_623 = arith.divf %exp3A_476, %add3A_581 : vector<16xf32>
      %div3A_624 = arith.divf %exp3A_478, %add3A_581 : vector<16xf32>
      %div3A_625 = arith.divf %exp3A_480, %add3A_581 : vector<16xf32>
      %div3A_626 = arith.divf %exp3A_482, %add3A_581 : vector<16xf32>
      %div3A_627 = arith.divf %exp3A_484, %add3A_581 : vector<16xf32>
      %div3A_628 = arith.divf %exp3A_486, %add3A_581 : vector<16xf32>
      %div3A_629 = arith.divf %exp3A_488, %add3A_581 : vector<16xf32>
      %div3A_630 = arith.divf %exp3A_490, %add3A_581 : vector<16xf32>
      %div3A_631 = arith.divf %exp3A_492, %add3A_581 : vector<16xf32>
      %div3A_632 = arith.divf %exp3A_494, %add3A_581 : vector<16xf32>
      %div3A_633 = arith.divf %exp3A_496, %add3A_581 : vector<16xf32>
      %div3A_634 = arith.divf %exp3A_498, %add3A_581 : vector<16xf32>
      %div3A_635 = arith.divf %exp3A_500, %add3A_581 : vector<16xf32>
      %div3A_636 = arith.divf %exp3A_502, %add3A_581 : vector<16xf32>
      %div3A_637 = arith.divf %exp3A_504, %add3A_581 : vector<16xf32>
      %div3A_638 = arith.divf %exp3A_506, %add3A_581 : vector<16xf32>
      %div3A_639 = arith.divf %exp3A_508, %add3A_581 : vector<16xf32>
      %div3A_640 = arith.divf %exp3A_510, %add3A_581 : vector<16xf32>
      %div3A_641 = arith.divf %exp3A_512, %add3A_581 : vector<16xf32>
      %div3A_642 = arith.divf %exp3A_514, %add3A_581 : vector<16xf32>
      %div3A_643 = arith.divf %exp3A_516, %add3A_581 : vector<16xf32>
      %div3A_644 = arith.divf %exp3A_518, %add3A_581 : vector<16xf32>
      %max3A_645 = arith.maximumf %div3A, %div3A_582 : vector<16xf32>
      %max3A_646 = arith.maximumf %max3A_645, %div3A_583 : vector<16xf32>
      %max3A_647 = arith.maximumf %max3A_646, %div3A_584 : vector<16xf32>
      %max3A_648 = arith.maximumf %max3A_647, %div3A_585 : vector<16xf32>
      %max3A_649 = arith.maximumf %max3A_648, %div3A_586 : vector<16xf32>
      %max3A_650 = arith.maximumf %max3A_649, %div3A_587 : vector<16xf32>
      %max3A_651 = arith.maximumf %max3A_650, %div3A_588 : vector<16xf32>
      %max3A_652 = arith.maximumf %div3A_589, %div3A_590 : vector<16xf32>
      %max3A_653 = arith.maximumf %max3A_652, %div3A_591 : vector<16xf32>
      %max3A_654 = arith.maximumf %max3A_653, %div3A_592 : vector<16xf32>
      %max3A_655 = arith.maximumf %max3A_654, %div3A_593 : vector<16xf32>
      %max3A_656 = arith.maximumf %max3A_655, %div3A_594 : vector<16xf32>
      %max3A_657 = arith.maximumf %max3A_656, %div3A_595 : vector<16xf32>
      %max3A_658 = arith.maximumf %max3A_657, %div3A_596 : vector<16xf32>
      %max3A_659 = arith.maximumf %div3A_597, %div3A_598 : vector<16xf32>
      %max3A_660 = arith.maximumf %max3A_659, %div3A_599 : vector<16xf32>
      %max3A_661 = arith.maximumf %max3A_660, %div3A_600 : vector<16xf32>
      %max3A_662 = arith.maximumf %max3A_661, %div3A_601 : vector<16xf32>
      %max3A_663 = arith.maximumf %max3A_662, %div3A_602 : vector<16xf32>
      %max3A_664 = arith.maximumf %max3A_663, %div3A_603 : vector<16xf32>
      %max3A_665 = arith.maximumf %max3A_664, %div3A_604 : vector<16xf32>
      %max3A_666 = arith.maximumf %div3A_605, %div3A_606 : vector<16xf32>
      %max3A_667 = arith.maximumf %max3A_666, %div3A_607 : vector<16xf32>
      %max3A_668 = arith.maximumf %max3A_667, %div3A_608 : vector<16xf32>
      %max3A_669 = arith.maximumf %max3A_668, %div3A_609 : vector<16xf32>
      %max3A_670 = arith.maximumf %max3A_669, %div3A_610 : vector<16xf32>
      %max3A_671 = arith.maximumf %max3A_670, %div3A_611 : vector<16xf32>
      %max3A_672 = arith.maximumf %max3A_671, %div3A_612 : vector<16xf32>
      %max3A_673 = arith.maximumf %div3A_613, %div3A_614 : vector<16xf32>
      %max3A_674 = arith.maximumf %max3A_673, %div3A_615 : vector<16xf32>
      %max3A_675 = arith.maximumf %max3A_674, %div3A_616 : vector<16xf32>
      %max3A_676 = arith.maximumf %max3A_675, %div3A_617 : vector<16xf32>
      %max3A_677 = arith.maximumf %max3A_676, %div3A_618 : vector<16xf32>
      %max3A_678 = arith.maximumf %max3A_677, %div3A_619 : vector<16xf32>
      %max3A_679 = arith.maximumf %max3A_678, %div3A_620 : vector<16xf32>
      %max3A_680 = arith.maximumf %div3A_621, %div3A_622 : vector<16xf32>
      %max3A_681 = arith.maximumf %max3A_680, %div3A_623 : vector<16xf32>
      %max3A_682 = arith.maximumf %max3A_681, %div3A_624 : vector<16xf32>
      %max3A_683 = arith.maximumf %max3A_682, %div3A_625 : vector<16xf32>
      %max3A_684 = arith.maximumf %max3A_683, %div3A_626 : vector<16xf32>
      %max3A_685 = arith.maximumf %max3A_684, %div3A_627 : vector<16xf32>
      %max3A_686 = arith.maximumf %max3A_685, %div3A_628 : vector<16xf32>
      %max3A_687 = arith.maximumf %div3A_629, %div3A_630 : vector<16xf32>
      %max3A_688 = arith.maximumf %max3A_687, %div3A_631 : vector<16xf32>
      %max3A_689 = arith.maximumf %max3A_688, %div3A_632 : vector<16xf32>
      %max3A_690 = arith.maximumf %max3A_689, %div3A_633 : vector<16xf32>
      %max3A_691 = arith.maximumf %max3A_690, %div3A_634 : vector<16xf32>
      %max3A_692 = arith.maximumf %max3A_691, %div3A_635 : vector<16xf32>
      %max3A_693 = arith.maximumf %max3A_692, %div3A_636 : vector<16xf32>
      %max3A_694 = arith.maximumf %div3A_637, %div3A_638 : vector<16xf32>
      %max3A_695 = arith.maximumf %max3A_694, %div3A_639 : vector<16xf32>
      %max3A_696 = arith.maximumf %max3A_695, %div3A_640 : vector<16xf32>
      %max3A_697 = arith.maximumf %max3A_696, %div3A_641 : vector<16xf32>
      %max3A_698 = arith.maximumf %max3A_697, %div3A_642 : vector<16xf32>
      %max3A_699 = arith.maximumf %max3A_698, %div3A_643 : vector<16xf32>
      %max3A_700 = arith.maximumf %max3A_699, %div3A_644 : vector<16xf32>
      %gt3A = arith.cmpf ogt, %max3A_651, %max3A_651 : vector<16xf32>
      %select_n3A = arith.select %gt3A, %broadcast_in_dim3A_5, %broadcast_in_dim3A_3 : vector<16xi1>, vector<16xf32>
      %add3A_701 = arith.addf %broadcast_in_dim3A_3, %select_n3A : vector<16xf32>
      %gt3A_702 = arith.cmpf ogt, %max3A_658, %max3A_651 : vector<16xf32>
      %select_n3A_703 = arith.select %gt3A_702, %broadcast_in_dim3A_5, %broadcast_in_dim3A_3 : vector<16xi1>, vector<16xf32>
      %add3A_704 = arith.addf %add3A_701, %select_n3A_703 : vector<16xf32>
      %gt3A_705 = arith.cmpf ogt, %max3A_665, %max3A_651 : vector<16xf32>
      %select_n3A_706 = arith.select %gt3A_705, %broadcast_in_dim3A_5, %broadcast_in_dim3A_3 : vector<16xi1>, vector<16xf32>
      %add3A_707 = arith.addf %add3A_704, %select_n3A_706 : vector<16xf32>
      %gt3A_708 = arith.cmpf ogt, %max3A_672, %max3A_651 : vector<16xf32>
      %select_n3A_709 = arith.select %gt3A_708, %broadcast_in_dim3A_5, %broadcast_in_dim3A_3 : vector<16xi1>, vector<16xf32>
      %add3A_710 = arith.addf %add3A_707, %select_n3A_709 : vector<16xf32>
      %gt3A_711 = arith.cmpf ogt, %max3A_679, %max3A_651 : vector<16xf32>
      %select_n3A_712 = arith.select %gt3A_711, %broadcast_in_dim3A_5, %broadcast_in_dim3A_3 : vector<16xi1>, vector<16xf32>
      %add3A_713 = arith.addf %add3A_710, %select_n3A_712 : vector<16xf32>
      %gt3A_714 = arith.cmpf ogt, %max3A_686, %max3A_651 : vector<16xf32>
      %select_n3A_715 = arith.select %gt3A_714, %broadcast_in_dim3A_5, %broadcast_in_dim3A_3 : vector<16xi1>, vector<16xf32>
      %add3A_716 = arith.addf %add3A_713, %select_n3A_715 : vector<16xf32>
      %gt3A_717 = arith.cmpf ogt, %max3A_693, %max3A_651 : vector<16xf32>
      %select_n3A_718 = arith.select %gt3A_717, %broadcast_in_dim3A_5, %broadcast_in_dim3A_3 : vector<16xi1>, vector<16xf32>
      %add3A_719 = arith.addf %add3A_716, %select_n3A_718 : vector<16xf32>
      %gt3A_720 = arith.cmpf ogt, %max3A_700, %max3A_651 : vector<16xf32>
      %select_n3A_721 = arith.select %gt3A_720, %broadcast_in_dim3A_5, %broadcast_in_dim3A_3 : vector<16xi1>, vector<16xf32>
      %add3A_722 = arith.addf %add3A_719, %select_n3A_721 : vector<16xf32>
      %lt3A_723 = arith.cmpf olt, %add3A_722, %broadcast_in_dim3A_11 : vector<16xf32>
      %gt3A_724 = arith.cmpf ogt, %max3A_651, %max3A_658 : vector<16xf32>
      %select_n3A_725 = arith.select %gt3A_724, %broadcast_in_dim3A_5, %broadcast_in_dim3A_3 : vector<16xi1>, vector<16xf32>
      %add3A_726 = arith.addf %broadcast_in_dim3A_3, %select_n3A_725 : vector<16xf32>
      %gt3A_727 = arith.cmpf ogt, %max3A_658, %max3A_658 : vector<16xf32>
      %select_n3A_728 = arith.select %gt3A_727, %broadcast_in_dim3A_5, %broadcast_in_dim3A_3 : vector<16xi1>, vector<16xf32>
      %add3A_729 = arith.addf %add3A_726, %select_n3A_728 : vector<16xf32>
      %gt3A_730 = arith.cmpf ogt, %max3A_665, %max3A_658 : vector<16xf32>
      %select_n3A_731 = arith.select %gt3A_730, %broadcast_in_dim3A_5, %broadcast_in_dim3A_3 : vector<16xi1>, vector<16xf32>
      %add3A_732 = arith.addf %add3A_729, %select_n3A_731 : vector<16xf32>
      %gt3A_733 = arith.cmpf ogt, %max3A_672, %max3A_658 : vector<16xf32>
      %select_n3A_734 = arith.select %gt3A_733, %broadcast_in_dim3A_5, %broadcast_in_dim3A_3 : vector<16xi1>, vector<16xf32>
      %add3A_735 = arith.addf %add3A_732, %select_n3A_734 : vector<16xf32>
      %gt3A_736 = arith.cmpf ogt, %max3A_679, %max3A_658 : vector<16xf32>
      %select_n3A_737 = arith.select %gt3A_736, %broadcast_in_dim3A_5, %broadcast_in_dim3A_3 : vector<16xi1>, vector<16xf32>
      %add3A_738 = arith.addf %add3A_735, %select_n3A_737 : vector<16xf32>
      %gt3A_739 = arith.cmpf ogt, %max3A_686, %max3A_658 : vector<16xf32>
      %select_n3A_740 = arith.select %gt3A_739, %broadcast_in_dim3A_5, %broadcast_in_dim3A_3 : vector<16xi1>, vector<16xf32>
      %add3A_741 = arith.addf %add3A_738, %select_n3A_740 : vector<16xf32>
      %gt3A_742 = arith.cmpf ogt, %max3A_693, %max3A_658 : vector<16xf32>
      %select_n3A_743 = arith.select %gt3A_742, %broadcast_in_dim3A_5, %broadcast_in_dim3A_3 : vector<16xi1>, vector<16xf32>
      %add3A_744 = arith.addf %add3A_741, %select_n3A_743 : vector<16xf32>
      %gt3A_745 = arith.cmpf ogt, %max3A_700, %max3A_658 : vector<16xf32>
      %select_n3A_746 = arith.select %gt3A_745, %broadcast_in_dim3A_5, %broadcast_in_dim3A_3 : vector<16xi1>, vector<16xf32>
      %add3A_747 = arith.addf %add3A_744, %select_n3A_746 : vector<16xf32>
      %lt3A_748 = arith.cmpf olt, %add3A_747, %broadcast_in_dim3A_11 : vector<16xf32>
      %gt3A_749 = arith.cmpf ogt, %max3A_651, %max3A_665 : vector<16xf32>
      %select_n3A_750 = arith.select %gt3A_749, %broadcast_in_dim3A_5, %broadcast_in_dim3A_3 : vector<16xi1>, vector<16xf32>
      %add3A_751 = arith.addf %broadcast_in_dim3A_3, %select_n3A_750 : vector<16xf32>
      %gt3A_752 = arith.cmpf ogt, %max3A_658, %max3A_665 : vector<16xf32>
      %select_n3A_753 = arith.select %gt3A_752, %broadcast_in_dim3A_5, %broadcast_in_dim3A_3 : vector<16xi1>, vector<16xf32>
      %add3A_754 = arith.addf %add3A_751, %select_n3A_753 : vector<16xf32>
      %gt3A_755 = arith.cmpf ogt, %max3A_665, %max3A_665 : vector<16xf32>
      %select_n3A_756 = arith.select %gt3A_755, %broadcast_in_dim3A_5, %broadcast_in_dim3A_3 : vector<16xi1>, vector<16xf32>
      %add3A_757 = arith.addf %add3A_754, %select_n3A_756 : vector<16xf32>
      %gt3A_758 = arith.cmpf ogt, %max3A_672, %max3A_665 : vector<16xf32>
      %select_n3A_759 = arith.select %gt3A_758, %broadcast_in_dim3A_5, %broadcast_in_dim3A_3 : vector<16xi1>, vector<16xf32>
      %add3A_760 = arith.addf %add3A_757, %select_n3A_759 : vector<16xf32>
      %gt3A_761 = arith.cmpf ogt, %max3A_679, %max3A_665 : vector<16xf32>
      %select_n3A_762 = arith.select %gt3A_761, %broadcast_in_dim3A_5, %broadcast_in_dim3A_3 : vector<16xi1>, vector<16xf32>
      %add3A_763 = arith.addf %add3A_760, %select_n3A_762 : vector<16xf32>
      %gt3A_764 = arith.cmpf ogt, %max3A_686, %max3A_665 : vector<16xf32>
      %select_n3A_765 = arith.select %gt3A_764, %broadcast_in_dim3A_5, %broadcast_in_dim3A_3 : vector<16xi1>, vector<16xf32>
      %add3A_766 = arith.addf %add3A_763, %select_n3A_765 : vector<16xf32>
      %gt3A_767 = arith.cmpf ogt, %max3A_693, %max3A_665 : vector<16xf32>
      %select_n3A_768 = arith.select %gt3A_767, %broadcast_in_dim3A_5, %broadcast_in_dim3A_3 : vector<16xi1>, vector<16xf32>
      %add3A_769 = arith.addf %add3A_766, %select_n3A_768 : vector<16xf32>
      %gt3A_770 = arith.cmpf ogt, %max3A_700, %max3A_665 : vector<16xf32>
      %select_n3A_771 = arith.select %gt3A_770, %broadcast_in_dim3A_5, %broadcast_in_dim3A_3 : vector<16xi1>, vector<16xf32>
      %add3A_772 = arith.addf %add3A_769, %select_n3A_771 : vector<16xf32>
      %lt3A_773 = arith.cmpf olt, %add3A_772, %broadcast_in_dim3A_11 : vector<16xf32>
      %gt3A_774 = arith.cmpf ogt, %max3A_651, %max3A_672 : vector<16xf32>
      %select_n3A_775 = arith.select %gt3A_774, %broadcast_in_dim3A_5, %broadcast_in_dim3A_3 : vector<16xi1>, vector<16xf32>
      %add3A_776 = arith.addf %broadcast_in_dim3A_3, %select_n3A_775 : vector<16xf32>
      %gt3A_777 = arith.cmpf ogt, %max3A_658, %max3A_672 : vector<16xf32>
      %select_n3A_778 = arith.select %gt3A_777, %broadcast_in_dim3A_5, %broadcast_in_dim3A_3 : vector<16xi1>, vector<16xf32>
      %add3A_779 = arith.addf %add3A_776, %select_n3A_778 : vector<16xf32>
      %gt3A_780 = arith.cmpf ogt, %max3A_665, %max3A_672 : vector<16xf32>
      %select_n3A_781 = arith.select %gt3A_780, %broadcast_in_dim3A_5, %broadcast_in_dim3A_3 : vector<16xi1>, vector<16xf32>
      %add3A_782 = arith.addf %add3A_779, %select_n3A_781 : vector<16xf32>
      %gt3A_783 = arith.cmpf ogt, %max3A_672, %max3A_672 : vector<16xf32>
      %select_n3A_784 = arith.select %gt3A_783, %broadcast_in_dim3A_5, %broadcast_in_dim3A_3 : vector<16xi1>, vector<16xf32>
      %add3A_785 = arith.addf %add3A_782, %select_n3A_784 : vector<16xf32>
      %gt3A_786 = arith.cmpf ogt, %max3A_679, %max3A_672 : vector<16xf32>
      %select_n3A_787 = arith.select %gt3A_786, %broadcast_in_dim3A_5, %broadcast_in_dim3A_3 : vector<16xi1>, vector<16xf32>
      %add3A_788 = arith.addf %add3A_785, %select_n3A_787 : vector<16xf32>
      %gt3A_789 = arith.cmpf ogt, %max3A_686, %max3A_672 : vector<16xf32>
      %select_n3A_790 = arith.select %gt3A_789, %broadcast_in_dim3A_5, %broadcast_in_dim3A_3 : vector<16xi1>, vector<16xf32>
      %add3A_791 = arith.addf %add3A_788, %select_n3A_790 : vector<16xf32>
      %gt3A_792 = arith.cmpf ogt, %max3A_693, %max3A_672 : vector<16xf32>
      %select_n3A_793 = arith.select %gt3A_792, %broadcast_in_dim3A_5, %broadcast_in_dim3A_3 : vector<16xi1>, vector<16xf32>
      %add3A_794 = arith.addf %add3A_791, %select_n3A_793 : vector<16xf32>
      %gt3A_795 = arith.cmpf ogt, %max3A_700, %max3A_672 : vector<16xf32>
      %select_n3A_796 = arith.select %gt3A_795, %broadcast_in_dim3A_5, %broadcast_in_dim3A_3 : vector<16xi1>, vector<16xf32>
      %add3A_797 = arith.addf %add3A_794, %select_n3A_796 : vector<16xf32>
      %lt3A_798 = arith.cmpf olt, %add3A_797, %broadcast_in_dim3A_11 : vector<16xf32>
      %gt3A_799 = arith.cmpf ogt, %max3A_651, %max3A_679 : vector<16xf32>
      %select_n3A_800 = arith.select %gt3A_799, %broadcast_in_dim3A_5, %broadcast_in_dim3A_3 : vector<16xi1>, vector<16xf32>
      %add3A_801 = arith.addf %broadcast_in_dim3A_3, %select_n3A_800 : vector<16xf32>
      %gt3A_802 = arith.cmpf ogt, %max3A_658, %max3A_679 : vector<16xf32>
      %select_n3A_803 = arith.select %gt3A_802, %broadcast_in_dim3A_5, %broadcast_in_dim3A_3 : vector<16xi1>, vector<16xf32>
      %add3A_804 = arith.addf %add3A_801, %select_n3A_803 : vector<16xf32>
      %gt3A_805 = arith.cmpf ogt, %max3A_665, %max3A_679 : vector<16xf32>
      %select_n3A_806 = arith.select %gt3A_805, %broadcast_in_dim3A_5, %broadcast_in_dim3A_3 : vector<16xi1>, vector<16xf32>
      %add3A_807 = arith.addf %add3A_804, %select_n3A_806 : vector<16xf32>
      %gt3A_808 = arith.cmpf ogt, %max3A_672, %max3A_679 : vector<16xf32>
      %select_n3A_809 = arith.select %gt3A_808, %broadcast_in_dim3A_5, %broadcast_in_dim3A_3 : vector<16xi1>, vector<16xf32>
      %add3A_810 = arith.addf %add3A_807, %select_n3A_809 : vector<16xf32>
      %gt3A_811 = arith.cmpf ogt, %max3A_679, %max3A_679 : vector<16xf32>
      %select_n3A_812 = arith.select %gt3A_811, %broadcast_in_dim3A_5, %broadcast_in_dim3A_3 : vector<16xi1>, vector<16xf32>
      %add3A_813 = arith.addf %add3A_810, %select_n3A_812 : vector<16xf32>
      %gt3A_814 = arith.cmpf ogt, %max3A_686, %max3A_679 : vector<16xf32>
      %select_n3A_815 = arith.select %gt3A_814, %broadcast_in_dim3A_5, %broadcast_in_dim3A_3 : vector<16xi1>, vector<16xf32>
      %add3A_816 = arith.addf %add3A_813, %select_n3A_815 : vector<16xf32>
      %gt3A_817 = arith.cmpf ogt, %max3A_693, %max3A_679 : vector<16xf32>
      %select_n3A_818 = arith.select %gt3A_817, %broadcast_in_dim3A_5, %broadcast_in_dim3A_3 : vector<16xi1>, vector<16xf32>
      %add3A_819 = arith.addf %add3A_816, %select_n3A_818 : vector<16xf32>
      %gt3A_820 = arith.cmpf ogt, %max3A_700, %max3A_679 : vector<16xf32>
      %select_n3A_821 = arith.select %gt3A_820, %broadcast_in_dim3A_5, %broadcast_in_dim3A_3 : vector<16xi1>, vector<16xf32>
      %add3A_822 = arith.addf %add3A_819, %select_n3A_821 : vector<16xf32>
      %lt3A_823 = arith.cmpf olt, %add3A_822, %broadcast_in_dim3A_11 : vector<16xf32>
      %gt3A_824 = arith.cmpf ogt, %max3A_651, %max3A_686 : vector<16xf32>
      %select_n3A_825 = arith.select %gt3A_824, %broadcast_in_dim3A_5, %broadcast_in_dim3A_3 : vector<16xi1>, vector<16xf32>
      %add3A_826 = arith.addf %broadcast_in_dim3A_3, %select_n3A_825 : vector<16xf32>
      %gt3A_827 = arith.cmpf ogt, %max3A_658, %max3A_686 : vector<16xf32>
      %select_n3A_828 = arith.select %gt3A_827, %broadcast_in_dim3A_5, %broadcast_in_dim3A_3 : vector<16xi1>, vector<16xf32>
      %add3A_829 = arith.addf %add3A_826, %select_n3A_828 : vector<16xf32>
      %gt3A_830 = arith.cmpf ogt, %max3A_665, %max3A_686 : vector<16xf32>
      %select_n3A_831 = arith.select %gt3A_830, %broadcast_in_dim3A_5, %broadcast_in_dim3A_3 : vector<16xi1>, vector<16xf32>
      %add3A_832 = arith.addf %add3A_829, %select_n3A_831 : vector<16xf32>
      %gt3A_833 = arith.cmpf ogt, %max3A_672, %max3A_686 : vector<16xf32>
      %select_n3A_834 = arith.select %gt3A_833, %broadcast_in_dim3A_5, %broadcast_in_dim3A_3 : vector<16xi1>, vector<16xf32>
      %add3A_835 = arith.addf %add3A_832, %select_n3A_834 : vector<16xf32>
      %gt3A_836 = arith.cmpf ogt, %max3A_679, %max3A_686 : vector<16xf32>
      %select_n3A_837 = arith.select %gt3A_836, %broadcast_in_dim3A_5, %broadcast_in_dim3A_3 : vector<16xi1>, vector<16xf32>
      %add3A_838 = arith.addf %add3A_835, %select_n3A_837 : vector<16xf32>
      %gt3A_839 = arith.cmpf ogt, %max3A_686, %max3A_686 : vector<16xf32>
      %select_n3A_840 = arith.select %gt3A_839, %broadcast_in_dim3A_5, %broadcast_in_dim3A_3 : vector<16xi1>, vector<16xf32>
      %add3A_841 = arith.addf %add3A_838, %select_n3A_840 : vector<16xf32>
      %gt3A_842 = arith.cmpf ogt, %max3A_693, %max3A_686 : vector<16xf32>
      %select_n3A_843 = arith.select %gt3A_842, %broadcast_in_dim3A_5, %broadcast_in_dim3A_3 : vector<16xi1>, vector<16xf32>
      %add3A_844 = arith.addf %add3A_841, %select_n3A_843 : vector<16xf32>
      %gt3A_845 = arith.cmpf ogt, %max3A_700, %max3A_686 : vector<16xf32>
      %select_n3A_846 = arith.select %gt3A_845, %broadcast_in_dim3A_5, %broadcast_in_dim3A_3 : vector<16xi1>, vector<16xf32>
      %add3A_847 = arith.addf %add3A_844, %select_n3A_846 : vector<16xf32>
      %lt3A_848 = arith.cmpf olt, %add3A_847, %broadcast_in_dim3A_11 : vector<16xf32>
      %gt3A_849 = arith.cmpf ogt, %max3A_651, %max3A_693 : vector<16xf32>
      %select_n3A_850 = arith.select %gt3A_849, %broadcast_in_dim3A_5, %broadcast_in_dim3A_3 : vector<16xi1>, vector<16xf32>
      %add3A_851 = arith.addf %broadcast_in_dim3A_3, %select_n3A_850 : vector<16xf32>
      %gt3A_852 = arith.cmpf ogt, %max3A_658, %max3A_693 : vector<16xf32>
      %select_n3A_853 = arith.select %gt3A_852, %broadcast_in_dim3A_5, %broadcast_in_dim3A_3 : vector<16xi1>, vector<16xf32>
      %add3A_854 = arith.addf %add3A_851, %select_n3A_853 : vector<16xf32>
      %gt3A_855 = arith.cmpf ogt, %max3A_665, %max3A_693 : vector<16xf32>
      %select_n3A_856 = arith.select %gt3A_855, %broadcast_in_dim3A_5, %broadcast_in_dim3A_3 : vector<16xi1>, vector<16xf32>
      %add3A_857 = arith.addf %add3A_854, %select_n3A_856 : vector<16xf32>
      %gt3A_858 = arith.cmpf ogt, %max3A_672, %max3A_693 : vector<16xf32>
      %select_n3A_859 = arith.select %gt3A_858, %broadcast_in_dim3A_5, %broadcast_in_dim3A_3 : vector<16xi1>, vector<16xf32>
      %add3A_860 = arith.addf %add3A_857, %select_n3A_859 : vector<16xf32>
      %gt3A_861 = arith.cmpf ogt, %max3A_679, %max3A_693 : vector<16xf32>
      %select_n3A_862 = arith.select %gt3A_861, %broadcast_in_dim3A_5, %broadcast_in_dim3A_3 : vector<16xi1>, vector<16xf32>
      %add3A_863 = arith.addf %add3A_860, %select_n3A_862 : vector<16xf32>
      %gt3A_864 = arith.cmpf ogt, %max3A_686, %max3A_693 : vector<16xf32>
      %select_n3A_865 = arith.select %gt3A_864, %broadcast_in_dim3A_5, %broadcast_in_dim3A_3 : vector<16xi1>, vector<16xf32>
      %add3A_866 = arith.addf %add3A_863, %select_n3A_865 : vector<16xf32>
      %gt3A_867 = arith.cmpf ogt, %max3A_693, %max3A_693 : vector<16xf32>
      %select_n3A_868 = arith.select %gt3A_867, %broadcast_in_dim3A_5, %broadcast_in_dim3A_3 : vector<16xi1>, vector<16xf32>
      %add3A_869 = arith.addf %add3A_866, %select_n3A_868 : vector<16xf32>
      %gt3A_870 = arith.cmpf ogt, %max3A_700, %max3A_693 : vector<16xf32>
      %select_n3A_871 = arith.select %gt3A_870, %broadcast_in_dim3A_5, %broadcast_in_dim3A_3 : vector<16xi1>, vector<16xf32>
      %add3A_872 = arith.addf %add3A_869, %select_n3A_871 : vector<16xf32>
      %lt3A_873 = arith.cmpf olt, %add3A_872, %broadcast_in_dim3A_11 : vector<16xf32>
      %gt3A_874 = arith.cmpf ogt, %max3A_651, %max3A_700 : vector<16xf32>
      %select_n3A_875 = arith.select %gt3A_874, %broadcast_in_dim3A_5, %broadcast_in_dim3A_3 : vector<16xi1>, vector<16xf32>
      %add3A_876 = arith.addf %broadcast_in_dim3A_3, %select_n3A_875 : vector<16xf32>
      %gt3A_877 = arith.cmpf ogt, %max3A_658, %max3A_700 : vector<16xf32>
      %select_n3A_878 = arith.select %gt3A_877, %broadcast_in_dim3A_5, %broadcast_in_dim3A_3 : vector<16xi1>, vector<16xf32>
      %add3A_879 = arith.addf %add3A_876, %select_n3A_878 : vector<16xf32>
      %gt3A_880 = arith.cmpf ogt, %max3A_665, %max3A_700 : vector<16xf32>
      %select_n3A_881 = arith.select %gt3A_880, %broadcast_in_dim3A_5, %broadcast_in_dim3A_3 : vector<16xi1>, vector<16xf32>
      %add3A_882 = arith.addf %add3A_879, %select_n3A_881 : vector<16xf32>
      %gt3A_883 = arith.cmpf ogt, %max3A_672, %max3A_700 : vector<16xf32>
      %select_n3A_884 = arith.select %gt3A_883, %broadcast_in_dim3A_5, %broadcast_in_dim3A_3 : vector<16xi1>, vector<16xf32>
      %add3A_885 = arith.addf %add3A_882, %select_n3A_884 : vector<16xf32>
      %gt3A_886 = arith.cmpf ogt, %max3A_679, %max3A_700 : vector<16xf32>
      %select_n3A_887 = arith.select %gt3A_886, %broadcast_in_dim3A_5, %broadcast_in_dim3A_3 : vector<16xi1>, vector<16xf32>
      %add3A_888 = arith.addf %add3A_885, %select_n3A_887 : vector<16xf32>
      %gt3A_889 = arith.cmpf ogt, %max3A_686, %max3A_700 : vector<16xf32>
      %select_n3A_890 = arith.select %gt3A_889, %broadcast_in_dim3A_5, %broadcast_in_dim3A_3 : vector<16xi1>, vector<16xf32>
      %add3A_891 = arith.addf %add3A_888, %select_n3A_890 : vector<16xf32>
      %gt3A_892 = arith.cmpf ogt, %max3A_693, %max3A_700 : vector<16xf32>
      %select_n3A_893 = arith.select %gt3A_892, %broadcast_in_dim3A_5, %broadcast_in_dim3A_3 : vector<16xi1>, vector<16xf32>
      %add3A_894 = arith.addf %add3A_891, %select_n3A_893 : vector<16xf32>
      %gt3A_895 = arith.cmpf ogt, %max3A_700, %max3A_700 : vector<16xf32>
      %select_n3A_896 = arith.select %gt3A_895, %broadcast_in_dim3A_5, %broadcast_in_dim3A_3 : vector<16xi1>, vector<16xf32>
      %add3A_897 = arith.addf %add3A_894, %select_n3A_896 : vector<16xf32>
      %lt3A_898 = arith.cmpf olt, %add3A_897, %broadcast_in_dim3A_11 : vector<16xf32>
      %select_n3A_899 = arith.select %lt3A_723, %div3A, %broadcast_in_dim3A_3 : vector<16xi1>, vector<16xf32>
      %select_n3A_900 = arith.select %lt3A_723, %div3A_582, %broadcast_in_dim3A_3 : vector<16xi1>, vector<16xf32>
      %select_n3A_901 = arith.select %lt3A_723, %div3A_583, %broadcast_in_dim3A_3 : vector<16xi1>, vector<16xf32>
      %select_n3A_902 = arith.select %lt3A_723, %div3A_584, %broadcast_in_dim3A_3 : vector<16xi1>, vector<16xf32>
      %select_n3A_903 = arith.select %lt3A_723, %div3A_585, %broadcast_in_dim3A_3 : vector<16xi1>, vector<16xf32>
      %select_n3A_904 = arith.select %lt3A_723, %div3A_586, %broadcast_in_dim3A_3 : vector<16xi1>, vector<16xf32>
      %select_n3A_905 = arith.select %lt3A_723, %div3A_587, %broadcast_in_dim3A_3 : vector<16xi1>, vector<16xf32>
      %select_n3A_906 = arith.select %lt3A_723, %div3A_588, %broadcast_in_dim3A_3 : vector<16xi1>, vector<16xf32>
      %select_n3A_907 = arith.select %lt3A_748, %div3A_589, %broadcast_in_dim3A_3 : vector<16xi1>, vector<16xf32>
      %select_n3A_908 = arith.select %lt3A_748, %div3A_590, %broadcast_in_dim3A_3 : vector<16xi1>, vector<16xf32>
      %select_n3A_909 = arith.select %lt3A_748, %div3A_591, %broadcast_in_dim3A_3 : vector<16xi1>, vector<16xf32>
      %select_n3A_910 = arith.select %lt3A_748, %div3A_592, %broadcast_in_dim3A_3 : vector<16xi1>, vector<16xf32>
      %select_n3A_911 = arith.select %lt3A_748, %div3A_593, %broadcast_in_dim3A_3 : vector<16xi1>, vector<16xf32>
      %select_n3A_912 = arith.select %lt3A_748, %div3A_594, %broadcast_in_dim3A_3 : vector<16xi1>, vector<16xf32>
      %select_n3A_913 = arith.select %lt3A_748, %div3A_595, %broadcast_in_dim3A_3 : vector<16xi1>, vector<16xf32>
      %select_n3A_914 = arith.select %lt3A_748, %div3A_596, %broadcast_in_dim3A_3 : vector<16xi1>, vector<16xf32>
      %select_n3A_915 = arith.select %lt3A_773, %div3A_597, %broadcast_in_dim3A_3 : vector<16xi1>, vector<16xf32>
      %select_n3A_916 = arith.select %lt3A_773, %div3A_598, %broadcast_in_dim3A_3 : vector<16xi1>, vector<16xf32>
      %select_n3A_917 = arith.select %lt3A_773, %div3A_599, %broadcast_in_dim3A_3 : vector<16xi1>, vector<16xf32>
      %select_n3A_918 = arith.select %lt3A_773, %div3A_600, %broadcast_in_dim3A_3 : vector<16xi1>, vector<16xf32>
      %select_n3A_919 = arith.select %lt3A_773, %div3A_601, %broadcast_in_dim3A_3 : vector<16xi1>, vector<16xf32>
      %select_n3A_920 = arith.select %lt3A_773, %div3A_602, %broadcast_in_dim3A_3 : vector<16xi1>, vector<16xf32>
      %select_n3A_921 = arith.select %lt3A_773, %div3A_603, %broadcast_in_dim3A_3 : vector<16xi1>, vector<16xf32>
      %select_n3A_922 = arith.select %lt3A_773, %div3A_604, %broadcast_in_dim3A_3 : vector<16xi1>, vector<16xf32>
      %select_n3A_923 = arith.select %lt3A_798, %div3A_605, %broadcast_in_dim3A_3 : vector<16xi1>, vector<16xf32>
      %select_n3A_924 = arith.select %lt3A_798, %div3A_606, %broadcast_in_dim3A_3 : vector<16xi1>, vector<16xf32>
      %select_n3A_925 = arith.select %lt3A_798, %div3A_607, %broadcast_in_dim3A_3 : vector<16xi1>, vector<16xf32>
      %select_n3A_926 = arith.select %lt3A_798, %div3A_608, %broadcast_in_dim3A_3 : vector<16xi1>, vector<16xf32>
      %select_n3A_927 = arith.select %lt3A_798, %div3A_609, %broadcast_in_dim3A_3 : vector<16xi1>, vector<16xf32>
      %select_n3A_928 = arith.select %lt3A_798, %div3A_610, %broadcast_in_dim3A_3 : vector<16xi1>, vector<16xf32>
      %select_n3A_929 = arith.select %lt3A_798, %div3A_611, %broadcast_in_dim3A_3 : vector<16xi1>, vector<16xf32>
      %select_n3A_930 = arith.select %lt3A_798, %div3A_612, %broadcast_in_dim3A_3 : vector<16xi1>, vector<16xf32>
      %select_n3A_931 = arith.select %lt3A_823, %div3A_613, %broadcast_in_dim3A_3 : vector<16xi1>, vector<16xf32>
      %select_n3A_932 = arith.select %lt3A_823, %div3A_614, %broadcast_in_dim3A_3 : vector<16xi1>, vector<16xf32>
      %select_n3A_933 = arith.select %lt3A_823, %div3A_615, %broadcast_in_dim3A_3 : vector<16xi1>, vector<16xf32>
      %select_n3A_934 = arith.select %lt3A_823, %div3A_616, %broadcast_in_dim3A_3 : vector<16xi1>, vector<16xf32>
      %select_n3A_935 = arith.select %lt3A_823, %div3A_617, %broadcast_in_dim3A_3 : vector<16xi1>, vector<16xf32>
      %select_n3A_936 = arith.select %lt3A_823, %div3A_618, %broadcast_in_dim3A_3 : vector<16xi1>, vector<16xf32>
      %select_n3A_937 = arith.select %lt3A_823, %div3A_619, %broadcast_in_dim3A_3 : vector<16xi1>, vector<16xf32>
      %select_n3A_938 = arith.select %lt3A_823, %div3A_620, %broadcast_in_dim3A_3 : vector<16xi1>, vector<16xf32>
      %select_n3A_939 = arith.select %lt3A_848, %div3A_621, %broadcast_in_dim3A_3 : vector<16xi1>, vector<16xf32>
      %select_n3A_940 = arith.select %lt3A_848, %div3A_622, %broadcast_in_dim3A_3 : vector<16xi1>, vector<16xf32>
      %select_n3A_941 = arith.select %lt3A_848, %div3A_623, %broadcast_in_dim3A_3 : vector<16xi1>, vector<16xf32>
      %select_n3A_942 = arith.select %lt3A_848, %div3A_624, %broadcast_in_dim3A_3 : vector<16xi1>, vector<16xf32>
      %select_n3A_943 = arith.select %lt3A_848, %div3A_625, %broadcast_in_dim3A_3 : vector<16xi1>, vector<16xf32>
      %select_n3A_944 = arith.select %lt3A_848, %div3A_626, %broadcast_in_dim3A_3 : vector<16xi1>, vector<16xf32>
      %select_n3A_945 = arith.select %lt3A_848, %div3A_627, %broadcast_in_dim3A_3 : vector<16xi1>, vector<16xf32>
      %select_n3A_946 = arith.select %lt3A_848, %div3A_628, %broadcast_in_dim3A_3 : vector<16xi1>, vector<16xf32>
      %select_n3A_947 = arith.select %lt3A_873, %div3A_629, %broadcast_in_dim3A_3 : vector<16xi1>, vector<16xf32>
      %select_n3A_948 = arith.select %lt3A_873, %div3A_630, %broadcast_in_dim3A_3 : vector<16xi1>, vector<16xf32>
      %select_n3A_949 = arith.select %lt3A_873, %div3A_631, %broadcast_in_dim3A_3 : vector<16xi1>, vector<16xf32>
      %select_n3A_950 = arith.select %lt3A_873, %div3A_632, %broadcast_in_dim3A_3 : vector<16xi1>, vector<16xf32>
      %select_n3A_951 = arith.select %lt3A_873, %div3A_633, %broadcast_in_dim3A_3 : vector<16xi1>, vector<16xf32>
      %select_n3A_952 = arith.select %lt3A_873, %div3A_634, %broadcast_in_dim3A_3 : vector<16xi1>, vector<16xf32>
      %select_n3A_953 = arith.select %lt3A_873, %div3A_635, %broadcast_in_dim3A_3 : vector<16xi1>, vector<16xf32>
      %select_n3A_954 = arith.select %lt3A_873, %div3A_636, %broadcast_in_dim3A_3 : vector<16xi1>, vector<16xf32>
      %select_n3A_955 = arith.select %lt3A_898, %div3A_637, %broadcast_in_dim3A_3 : vector<16xi1>, vector<16xf32>
      %select_n3A_956 = arith.select %lt3A_898, %div3A_638, %broadcast_in_dim3A_3 : vector<16xi1>, vector<16xf32>
      %select_n3A_957 = arith.select %lt3A_898, %div3A_639, %broadcast_in_dim3A_3 : vector<16xi1>, vector<16xf32>
      %select_n3A_958 = arith.select %lt3A_898, %div3A_640, %broadcast_in_dim3A_3 : vector<16xi1>, vector<16xf32>
      %select_n3A_959 = arith.select %lt3A_898, %div3A_641, %broadcast_in_dim3A_3 : vector<16xi1>, vector<16xf32>
      %select_n3A_960 = arith.select %lt3A_898, %div3A_642, %broadcast_in_dim3A_3 : vector<16xi1>, vector<16xf32>
      %select_n3A_961 = arith.select %lt3A_898, %div3A_643, %broadcast_in_dim3A_3 : vector<16xi1>, vector<16xf32>
      %select_n3A_962 = arith.select %lt3A_898, %div3A_644, %broadcast_in_dim3A_3 : vector<16xi1>, vector<16xf32>
      %scan3A = arith.constant 0 : i32
      %scan3A_963 = arith.constant 8 : i32
      %scan3A_964 = arith.addi %scan3A, %scan3A_963 : i32
      %scan3A_965 = arith.constant 1 : i32
      %scan3A_966:64 = scf.for %scan3A_1479 = %scan3A to %scan3A_964 step %scan3A_965 iter_args(%scan3A_1480 = %select_n3A_899, %scan3A_1481 = %select_n3A_900, %scan3A_1482 = %select_n3A_901, %scan3A_1483 = %select_n3A_902, %scan3A_1484 = %select_n3A_903, %scan3A_1485 = %select_n3A_904, %scan3A_1486 = %select_n3A_905, %scan3A_1487 = %select_n3A_906, %scan3A_1488 = %select_n3A_907, %scan3A_1489 = %select_n3A_908, %scan3A_1490 = %select_n3A_909, %scan3A_1491 = %select_n3A_910, %scan3A_1492 = %select_n3A_911, %scan3A_1493 = %select_n3A_912, %scan3A_1494 = %select_n3A_913, %scan3A_1495 = %select_n3A_914, %scan3A_1496 = %select_n3A_915, %scan3A_1497 = %select_n3A_916, %scan3A_1498 = %select_n3A_917, %scan3A_1499 = %select_n3A_918, %scan3A_1500 = %select_n3A_919, %scan3A_1501 = %select_n3A_920, %scan3A_1502 = %select_n3A_921, %scan3A_1503 = %select_n3A_922, %scan3A_1504 = %select_n3A_923, %scan3A_1505 = %select_n3A_924, %scan3A_1506 = %select_n3A_925, %scan3A_1507 = %select_n3A_926, %scan3A_1508 = %select_n3A_927, %scan3A_1509 = %select_n3A_928, %scan3A_1510 = %select_n3A_929, %scan3A_1511 = %select_n3A_930, %scan3A_1512 = %select_n3A_931, %scan3A_1513 = %select_n3A_932, %scan3A_1514 = %select_n3A_933, %scan3A_1515 = %select_n3A_934, %scan3A_1516 = %select_n3A_935, %scan3A_1517 = %select_n3A_936, %scan3A_1518 = %select_n3A_937, %scan3A_1519 = %select_n3A_938, %scan3A_1520 = %select_n3A_939, %scan3A_1521 = %select_n3A_940, %scan3A_1522 = %select_n3A_941, %scan3A_1523 = %select_n3A_942, %scan3A_1524 = %select_n3A_943, %scan3A_1525 = %select_n3A_944, %scan3A_1526 = %select_n3A_945, %scan3A_1527 = %select_n3A_946, %scan3A_1528 = %select_n3A_947, %scan3A_1529 = %select_n3A_948, %scan3A_1530 = %select_n3A_949, %scan3A_1531 = %select_n3A_950, %scan3A_1532 = %select_n3A_951, %scan3A_1533 = %select_n3A_952, %scan3A_1534 = %select_n3A_953, %scan3A_1535 = %select_n3A_954, %scan3A_1536 = %select_n3A_955, %scan3A_1537 = %select_n3A_956, %scan3A_1538 = %select_n3A_957, %scan3A_1539 = %select_n3A_958, %scan3A_1540 = %select_n3A_959, %scan3A_1541 = %select_n3A_960, %scan3A_1542 = %select_n3A_961, %scan3A_1543 = %select_n3A_962) -> (vector<16xf32>, vector<16xf32>, vector<16xf32>, vector<16xf32>, vector<16xf32>, vector<16xf32>, vector<16xf32>, vector<16xf32>, vector<16xf32>, vector<16xf32>, vector<16xf32>, vector<16xf32>, vector<16xf32>, vector<16xf32>, vector<16xf32>, vector<16xf32>, vector<16xf32>, vector<16xf32>, vector<16xf32>, vector<16xf32>, vector<16xf32>, vector<16xf32>, vector<16xf32>, vector<16xf32>, vector<16xf32>, vector<16xf32>, vector<16xf32>, vector<16xf32>, vector<16xf32>, vector<16xf32>, vector<16xf32>, vector<16xf32>, vector<16xf32>, vector<16xf32>, vector<16xf32>, vector<16xf32>, vector<16xf32>, vector<16xf32>, vector<16xf32>, vector<16xf32>, vector<16xf32>, vector<16xf32>, vector<16xf32>, vector<16xf32>, vector<16xf32>, vector<16xf32>, vector<16xf32>, vector<16xf32>, vector<16xf32>, vector<16xf32>, vector<16xf32>, vector<16xf32>, vector<16xf32>, vector<16xf32>, vector<16xf32>, vector<16xf32>, vector<16xf32>, vector<16xf32>, vector<16xf32>, vector<16xf32>, vector<16xf32>, vector<16xf32>, vector<16xf32>, vector<16xf32>)  : i32 {
        %max3A_1544 = arith.maximumf %scan3A_1480, %scan3A_1481 : vector<16xf32>
        %max3A_1545 = arith.maximumf %max3A_1544, %scan3A_1482 : vector<16xf32>
        %max3A_1546 = arith.maximumf %max3A_1545, %scan3A_1483 : vector<16xf32>
        %max3A_1547 = arith.maximumf %max3A_1546, %scan3A_1484 : vector<16xf32>
        %max3A_1548 = arith.maximumf %max3A_1547, %scan3A_1485 : vector<16xf32>
        %max3A_1549 = arith.maximumf %max3A_1548, %scan3A_1486 : vector<16xf32>
        %max3A_1550 = arith.maximumf %max3A_1549, %scan3A_1487 : vector<16xf32>
        %max3A_1551 = arith.maximumf %max3A_1550, %scan3A_1488 : vector<16xf32>
        %max3A_1552 = arith.maximumf %max3A_1551, %scan3A_1489 : vector<16xf32>
        %max3A_1553 = arith.maximumf %max3A_1552, %scan3A_1490 : vector<16xf32>
        %max3A_1554 = arith.maximumf %max3A_1553, %scan3A_1491 : vector<16xf32>
        %max3A_1555 = arith.maximumf %max3A_1554, %scan3A_1492 : vector<16xf32>
        %max3A_1556 = arith.maximumf %max3A_1555, %scan3A_1493 : vector<16xf32>
        %max3A_1557 = arith.maximumf %max3A_1556, %scan3A_1494 : vector<16xf32>
        %max3A_1558 = arith.maximumf %max3A_1557, %scan3A_1495 : vector<16xf32>
        %max3A_1559 = arith.maximumf %max3A_1558, %scan3A_1496 : vector<16xf32>
        %max3A_1560 = arith.maximumf %max3A_1559, %scan3A_1497 : vector<16xf32>
        %max3A_1561 = arith.maximumf %max3A_1560, %scan3A_1498 : vector<16xf32>
        %max3A_1562 = arith.maximumf %max3A_1561, %scan3A_1499 : vector<16xf32>
        %max3A_1563 = arith.maximumf %max3A_1562, %scan3A_1500 : vector<16xf32>
        %max3A_1564 = arith.maximumf %max3A_1563, %scan3A_1501 : vector<16xf32>
        %max3A_1565 = arith.maximumf %max3A_1564, %scan3A_1502 : vector<16xf32>
        %max3A_1566 = arith.maximumf %max3A_1565, %scan3A_1503 : vector<16xf32>
        %max3A_1567 = arith.maximumf %max3A_1566, %scan3A_1504 : vector<16xf32>
        %max3A_1568 = arith.maximumf %max3A_1567, %scan3A_1505 : vector<16xf32>
        %max3A_1569 = arith.maximumf %max3A_1568, %scan3A_1506 : vector<16xf32>
        %max3A_1570 = arith.maximumf %max3A_1569, %scan3A_1507 : vector<16xf32>
        %max3A_1571 = arith.maximumf %max3A_1570, %scan3A_1508 : vector<16xf32>
        %max3A_1572 = arith.maximumf %max3A_1571, %scan3A_1509 : vector<16xf32>
        %max3A_1573 = arith.maximumf %max3A_1572, %scan3A_1510 : vector<16xf32>
        %max3A_1574 = arith.maximumf %max3A_1573, %scan3A_1511 : vector<16xf32>
        %max3A_1575 = arith.maximumf %max3A_1574, %scan3A_1512 : vector<16xf32>
        %max3A_1576 = arith.maximumf %max3A_1575, %scan3A_1513 : vector<16xf32>
        %max3A_1577 = arith.maximumf %max3A_1576, %scan3A_1514 : vector<16xf32>
        %max3A_1578 = arith.maximumf %max3A_1577, %scan3A_1515 : vector<16xf32>
        %max3A_1579 = arith.maximumf %max3A_1578, %scan3A_1516 : vector<16xf32>
        %max3A_1580 = arith.maximumf %max3A_1579, %scan3A_1517 : vector<16xf32>
        %max3A_1581 = arith.maximumf %max3A_1580, %scan3A_1518 : vector<16xf32>
        %max3A_1582 = arith.maximumf %max3A_1581, %scan3A_1519 : vector<16xf32>
        %max3A_1583 = arith.maximumf %max3A_1582, %scan3A_1520 : vector<16xf32>
        %max3A_1584 = arith.maximumf %max3A_1583, %scan3A_1521 : vector<16xf32>
        %max3A_1585 = arith.maximumf %max3A_1584, %scan3A_1522 : vector<16xf32>
        %max3A_1586 = arith.maximumf %max3A_1585, %scan3A_1523 : vector<16xf32>
        %max3A_1587 = arith.maximumf %max3A_1586, %scan3A_1524 : vector<16xf32>
        %max3A_1588 = arith.maximumf %max3A_1587, %scan3A_1525 : vector<16xf32>
        %max3A_1589 = arith.maximumf %max3A_1588, %scan3A_1526 : vector<16xf32>
        %max3A_1590 = arith.maximumf %max3A_1589, %scan3A_1527 : vector<16xf32>
        %max3A_1591 = arith.maximumf %max3A_1590, %scan3A_1528 : vector<16xf32>
        %max3A_1592 = arith.maximumf %max3A_1591, %scan3A_1529 : vector<16xf32>
        %max3A_1593 = arith.maximumf %max3A_1592, %scan3A_1530 : vector<16xf32>
        %max3A_1594 = arith.maximumf %max3A_1593, %scan3A_1531 : vector<16xf32>
        %max3A_1595 = arith.maximumf %max3A_1594, %scan3A_1532 : vector<16xf32>
        %max3A_1596 = arith.maximumf %max3A_1595, %scan3A_1533 : vector<16xf32>
        %max3A_1597 = arith.maximumf %max3A_1596, %scan3A_1534 : vector<16xf32>
        %max3A_1598 = arith.maximumf %max3A_1597, %scan3A_1535 : vector<16xf32>
        %max3A_1599 = arith.maximumf %max3A_1598, %scan3A_1536 : vector<16xf32>
        %max3A_1600 = arith.maximumf %max3A_1599, %scan3A_1537 : vector<16xf32>
        %max3A_1601 = arith.maximumf %max3A_1600, %scan3A_1538 : vector<16xf32>
        %max3A_1602 = arith.maximumf %max3A_1601, %scan3A_1539 : vector<16xf32>
        %max3A_1603 = arith.maximumf %max3A_1602, %scan3A_1540 : vector<16xf32>
        %max3A_1604 = arith.maximumf %max3A_1603, %scan3A_1541 : vector<16xf32>
        %max3A_1605 = arith.maximumf %max3A_1604, %scan3A_1542 : vector<16xf32>
        %max3A_1606 = arith.maximumf %max3A_1605, %scan3A_1543 : vector<16xf32>
        %eq3A = arith.cmpf oeq, %scan3A_1480, %max3A_1606 : vector<16xf32>
        %select_n3A_1607 = arith.select %eq3A, %broadcast_in_dim3A_7, %scan3A_1480 : vector<16xi1>, vector<16xf32>
        %eq3A_1608 = arith.cmpf oeq, %scan3A_1481, %max3A_1606 : vector<16xf32>
        %select_n3A_1609 = arith.select %eq3A_1608, %broadcast_in_dim3A_7, %scan3A_1481 : vector<16xi1>, vector<16xf32>
        %eq3A_1610 = arith.cmpf oeq, %scan3A_1482, %max3A_1606 : vector<16xf32>
        %select_n3A_1611 = arith.select %eq3A_1610, %broadcast_in_dim3A_7, %scan3A_1482 : vector<16xi1>, vector<16xf32>
        %eq3A_1612 = arith.cmpf oeq, %scan3A_1483, %max3A_1606 : vector<16xf32>
        %select_n3A_1613 = arith.select %eq3A_1612, %broadcast_in_dim3A_7, %scan3A_1483 : vector<16xi1>, vector<16xf32>
        %eq3A_1614 = arith.cmpf oeq, %scan3A_1484, %max3A_1606 : vector<16xf32>
        %select_n3A_1615 = arith.select %eq3A_1614, %broadcast_in_dim3A_7, %scan3A_1484 : vector<16xi1>, vector<16xf32>
        %eq3A_1616 = arith.cmpf oeq, %scan3A_1485, %max3A_1606 : vector<16xf32>
        %select_n3A_1617 = arith.select %eq3A_1616, %broadcast_in_dim3A_7, %scan3A_1485 : vector<16xi1>, vector<16xf32>
        %eq3A_1618 = arith.cmpf oeq, %scan3A_1486, %max3A_1606 : vector<16xf32>
        %select_n3A_1619 = arith.select %eq3A_1618, %broadcast_in_dim3A_7, %scan3A_1486 : vector<16xi1>, vector<16xf32>
        %eq3A_1620 = arith.cmpf oeq, %scan3A_1487, %max3A_1606 : vector<16xf32>
        %select_n3A_1621 = arith.select %eq3A_1620, %broadcast_in_dim3A_7, %scan3A_1487 : vector<16xi1>, vector<16xf32>
        %eq3A_1622 = arith.cmpf oeq, %scan3A_1488, %max3A_1606 : vector<16xf32>
        %select_n3A_1623 = arith.select %eq3A_1622, %broadcast_in_dim3A_7, %scan3A_1488 : vector<16xi1>, vector<16xf32>
        %eq3A_1624 = arith.cmpf oeq, %scan3A_1489, %max3A_1606 : vector<16xf32>
        %select_n3A_1625 = arith.select %eq3A_1624, %broadcast_in_dim3A_7, %scan3A_1489 : vector<16xi1>, vector<16xf32>
        %eq3A_1626 = arith.cmpf oeq, %scan3A_1490, %max3A_1606 : vector<16xf32>
        %select_n3A_1627 = arith.select %eq3A_1626, %broadcast_in_dim3A_7, %scan3A_1490 : vector<16xi1>, vector<16xf32>
        %eq3A_1628 = arith.cmpf oeq, %scan3A_1491, %max3A_1606 : vector<16xf32>
        %select_n3A_1629 = arith.select %eq3A_1628, %broadcast_in_dim3A_7, %scan3A_1491 : vector<16xi1>, vector<16xf32>
        %eq3A_1630 = arith.cmpf oeq, %scan3A_1492, %max3A_1606 : vector<16xf32>
        %select_n3A_1631 = arith.select %eq3A_1630, %broadcast_in_dim3A_7, %scan3A_1492 : vector<16xi1>, vector<16xf32>
        %eq3A_1632 = arith.cmpf oeq, %scan3A_1493, %max3A_1606 : vector<16xf32>
        %select_n3A_1633 = arith.select %eq3A_1632, %broadcast_in_dim3A_7, %scan3A_1493 : vector<16xi1>, vector<16xf32>
        %eq3A_1634 = arith.cmpf oeq, %scan3A_1494, %max3A_1606 : vector<16xf32>
        %select_n3A_1635 = arith.select %eq3A_1634, %broadcast_in_dim3A_7, %scan3A_1494 : vector<16xi1>, vector<16xf32>
        %eq3A_1636 = arith.cmpf oeq, %scan3A_1495, %max3A_1606 : vector<16xf32>
        %select_n3A_1637 = arith.select %eq3A_1636, %broadcast_in_dim3A_7, %scan3A_1495 : vector<16xi1>, vector<16xf32>
        %eq3A_1638 = arith.cmpf oeq, %scan3A_1496, %max3A_1606 : vector<16xf32>
        %select_n3A_1639 = arith.select %eq3A_1638, %broadcast_in_dim3A_7, %scan3A_1496 : vector<16xi1>, vector<16xf32>
        %eq3A_1640 = arith.cmpf oeq, %scan3A_1497, %max3A_1606 : vector<16xf32>
        %select_n3A_1641 = arith.select %eq3A_1640, %broadcast_in_dim3A_7, %scan3A_1497 : vector<16xi1>, vector<16xf32>
        %eq3A_1642 = arith.cmpf oeq, %scan3A_1498, %max3A_1606 : vector<16xf32>
        %select_n3A_1643 = arith.select %eq3A_1642, %broadcast_in_dim3A_7, %scan3A_1498 : vector<16xi1>, vector<16xf32>
        %eq3A_1644 = arith.cmpf oeq, %scan3A_1499, %max3A_1606 : vector<16xf32>
        %select_n3A_1645 = arith.select %eq3A_1644, %broadcast_in_dim3A_7, %scan3A_1499 : vector<16xi1>, vector<16xf32>
        %eq3A_1646 = arith.cmpf oeq, %scan3A_1500, %max3A_1606 : vector<16xf32>
        %select_n3A_1647 = arith.select %eq3A_1646, %broadcast_in_dim3A_7, %scan3A_1500 : vector<16xi1>, vector<16xf32>
        %eq3A_1648 = arith.cmpf oeq, %scan3A_1501, %max3A_1606 : vector<16xf32>
        %select_n3A_1649 = arith.select %eq3A_1648, %broadcast_in_dim3A_7, %scan3A_1501 : vector<16xi1>, vector<16xf32>
        %eq3A_1650 = arith.cmpf oeq, %scan3A_1502, %max3A_1606 : vector<16xf32>
        %select_n3A_1651 = arith.select %eq3A_1650, %broadcast_in_dim3A_7, %scan3A_1502 : vector<16xi1>, vector<16xf32>
        %eq3A_1652 = arith.cmpf oeq, %scan3A_1503, %max3A_1606 : vector<16xf32>
        %select_n3A_1653 = arith.select %eq3A_1652, %broadcast_in_dim3A_7, %scan3A_1503 : vector<16xi1>, vector<16xf32>
        %eq3A_1654 = arith.cmpf oeq, %scan3A_1504, %max3A_1606 : vector<16xf32>
        %select_n3A_1655 = arith.select %eq3A_1654, %broadcast_in_dim3A_7, %scan3A_1504 : vector<16xi1>, vector<16xf32>
        %eq3A_1656 = arith.cmpf oeq, %scan3A_1505, %max3A_1606 : vector<16xf32>
        %select_n3A_1657 = arith.select %eq3A_1656, %broadcast_in_dim3A_7, %scan3A_1505 : vector<16xi1>, vector<16xf32>
        %eq3A_1658 = arith.cmpf oeq, %scan3A_1506, %max3A_1606 : vector<16xf32>
        %select_n3A_1659 = arith.select %eq3A_1658, %broadcast_in_dim3A_7, %scan3A_1506 : vector<16xi1>, vector<16xf32>
        %eq3A_1660 = arith.cmpf oeq, %scan3A_1507, %max3A_1606 : vector<16xf32>
        %select_n3A_1661 = arith.select %eq3A_1660, %broadcast_in_dim3A_7, %scan3A_1507 : vector<16xi1>, vector<16xf32>
        %eq3A_1662 = arith.cmpf oeq, %scan3A_1508, %max3A_1606 : vector<16xf32>
        %select_n3A_1663 = arith.select %eq3A_1662, %broadcast_in_dim3A_7, %scan3A_1508 : vector<16xi1>, vector<16xf32>
        %eq3A_1664 = arith.cmpf oeq, %scan3A_1509, %max3A_1606 : vector<16xf32>
        %select_n3A_1665 = arith.select %eq3A_1664, %broadcast_in_dim3A_7, %scan3A_1509 : vector<16xi1>, vector<16xf32>
        %eq3A_1666 = arith.cmpf oeq, %scan3A_1510, %max3A_1606 : vector<16xf32>
        %select_n3A_1667 = arith.select %eq3A_1666, %broadcast_in_dim3A_7, %scan3A_1510 : vector<16xi1>, vector<16xf32>
        %eq3A_1668 = arith.cmpf oeq, %scan3A_1511, %max3A_1606 : vector<16xf32>
        %select_n3A_1669 = arith.select %eq3A_1668, %broadcast_in_dim3A_7, %scan3A_1511 : vector<16xi1>, vector<16xf32>
        %eq3A_1670 = arith.cmpf oeq, %scan3A_1512, %max3A_1606 : vector<16xf32>
        %select_n3A_1671 = arith.select %eq3A_1670, %broadcast_in_dim3A_7, %scan3A_1512 : vector<16xi1>, vector<16xf32>
        %eq3A_1672 = arith.cmpf oeq, %scan3A_1513, %max3A_1606 : vector<16xf32>
        %select_n3A_1673 = arith.select %eq3A_1672, %broadcast_in_dim3A_7, %scan3A_1513 : vector<16xi1>, vector<16xf32>
        %eq3A_1674 = arith.cmpf oeq, %scan3A_1514, %max3A_1606 : vector<16xf32>
        %select_n3A_1675 = arith.select %eq3A_1674, %broadcast_in_dim3A_7, %scan3A_1514 : vector<16xi1>, vector<16xf32>
        %eq3A_1676 = arith.cmpf oeq, %scan3A_1515, %max3A_1606 : vector<16xf32>
        %select_n3A_1677 = arith.select %eq3A_1676, %broadcast_in_dim3A_7, %scan3A_1515 : vector<16xi1>, vector<16xf32>
        %eq3A_1678 = arith.cmpf oeq, %scan3A_1516, %max3A_1606 : vector<16xf32>
        %select_n3A_1679 = arith.select %eq3A_1678, %broadcast_in_dim3A_7, %scan3A_1516 : vector<16xi1>, vector<16xf32>
        %eq3A_1680 = arith.cmpf oeq, %scan3A_1517, %max3A_1606 : vector<16xf32>
        %select_n3A_1681 = arith.select %eq3A_1680, %broadcast_in_dim3A_7, %scan3A_1517 : vector<16xi1>, vector<16xf32>
        %eq3A_1682 = arith.cmpf oeq, %scan3A_1518, %max3A_1606 : vector<16xf32>
        %select_n3A_1683 = arith.select %eq3A_1682, %broadcast_in_dim3A_7, %scan3A_1518 : vector<16xi1>, vector<16xf32>
        %eq3A_1684 = arith.cmpf oeq, %scan3A_1519, %max3A_1606 : vector<16xf32>
        %select_n3A_1685 = arith.select %eq3A_1684, %broadcast_in_dim3A_7, %scan3A_1519 : vector<16xi1>, vector<16xf32>
        %eq3A_1686 = arith.cmpf oeq, %scan3A_1520, %max3A_1606 : vector<16xf32>
        %select_n3A_1687 = arith.select %eq3A_1686, %broadcast_in_dim3A_7, %scan3A_1520 : vector<16xi1>, vector<16xf32>
        %eq3A_1688 = arith.cmpf oeq, %scan3A_1521, %max3A_1606 : vector<16xf32>
        %select_n3A_1689 = arith.select %eq3A_1688, %broadcast_in_dim3A_7, %scan3A_1521 : vector<16xi1>, vector<16xf32>
        %eq3A_1690 = arith.cmpf oeq, %scan3A_1522, %max3A_1606 : vector<16xf32>
        %select_n3A_1691 = arith.select %eq3A_1690, %broadcast_in_dim3A_7, %scan3A_1522 : vector<16xi1>, vector<16xf32>
        %eq3A_1692 = arith.cmpf oeq, %scan3A_1523, %max3A_1606 : vector<16xf32>
        %select_n3A_1693 = arith.select %eq3A_1692, %broadcast_in_dim3A_7, %scan3A_1523 : vector<16xi1>, vector<16xf32>
        %eq3A_1694 = arith.cmpf oeq, %scan3A_1524, %max3A_1606 : vector<16xf32>
        %select_n3A_1695 = arith.select %eq3A_1694, %broadcast_in_dim3A_7, %scan3A_1524 : vector<16xi1>, vector<16xf32>
        %eq3A_1696 = arith.cmpf oeq, %scan3A_1525, %max3A_1606 : vector<16xf32>
        %select_n3A_1697 = arith.select %eq3A_1696, %broadcast_in_dim3A_7, %scan3A_1525 : vector<16xi1>, vector<16xf32>
        %eq3A_1698 = arith.cmpf oeq, %scan3A_1526, %max3A_1606 : vector<16xf32>
        %select_n3A_1699 = arith.select %eq3A_1698, %broadcast_in_dim3A_7, %scan3A_1526 : vector<16xi1>, vector<16xf32>
        %eq3A_1700 = arith.cmpf oeq, %scan3A_1527, %max3A_1606 : vector<16xf32>
        %select_n3A_1701 = arith.select %eq3A_1700, %broadcast_in_dim3A_7, %scan3A_1527 : vector<16xi1>, vector<16xf32>
        %eq3A_1702 = arith.cmpf oeq, %scan3A_1528, %max3A_1606 : vector<16xf32>
        %select_n3A_1703 = arith.select %eq3A_1702, %broadcast_in_dim3A_7, %scan3A_1528 : vector<16xi1>, vector<16xf32>
        %eq3A_1704 = arith.cmpf oeq, %scan3A_1529, %max3A_1606 : vector<16xf32>
        %select_n3A_1705 = arith.select %eq3A_1704, %broadcast_in_dim3A_7, %scan3A_1529 : vector<16xi1>, vector<16xf32>
        %eq3A_1706 = arith.cmpf oeq, %scan3A_1530, %max3A_1606 : vector<16xf32>
        %select_n3A_1707 = arith.select %eq3A_1706, %broadcast_in_dim3A_7, %scan3A_1530 : vector<16xi1>, vector<16xf32>
        %eq3A_1708 = arith.cmpf oeq, %scan3A_1531, %max3A_1606 : vector<16xf32>
        %select_n3A_1709 = arith.select %eq3A_1708, %broadcast_in_dim3A_7, %scan3A_1531 : vector<16xi1>, vector<16xf32>
        %eq3A_1710 = arith.cmpf oeq, %scan3A_1532, %max3A_1606 : vector<16xf32>
        %select_n3A_1711 = arith.select %eq3A_1710, %broadcast_in_dim3A_7, %scan3A_1532 : vector<16xi1>, vector<16xf32>
        %eq3A_1712 = arith.cmpf oeq, %scan3A_1533, %max3A_1606 : vector<16xf32>
        %select_n3A_1713 = arith.select %eq3A_1712, %broadcast_in_dim3A_7, %scan3A_1533 : vector<16xi1>, vector<16xf32>
        %eq3A_1714 = arith.cmpf oeq, %scan3A_1534, %max3A_1606 : vector<16xf32>
        %select_n3A_1715 = arith.select %eq3A_1714, %broadcast_in_dim3A_7, %scan3A_1534 : vector<16xi1>, vector<16xf32>
        %eq3A_1716 = arith.cmpf oeq, %scan3A_1535, %max3A_1606 : vector<16xf32>
        %select_n3A_1717 = arith.select %eq3A_1716, %broadcast_in_dim3A_7, %scan3A_1535 : vector<16xi1>, vector<16xf32>
        %eq3A_1718 = arith.cmpf oeq, %scan3A_1536, %max3A_1606 : vector<16xf32>
        %select_n3A_1719 = arith.select %eq3A_1718, %broadcast_in_dim3A_7, %scan3A_1536 : vector<16xi1>, vector<16xf32>
        %eq3A_1720 = arith.cmpf oeq, %scan3A_1537, %max3A_1606 : vector<16xf32>
        %select_n3A_1721 = arith.select %eq3A_1720, %broadcast_in_dim3A_7, %scan3A_1537 : vector<16xi1>, vector<16xf32>
        %eq3A_1722 = arith.cmpf oeq, %scan3A_1538, %max3A_1606 : vector<16xf32>
        %select_n3A_1723 = arith.select %eq3A_1722, %broadcast_in_dim3A_7, %scan3A_1538 : vector<16xi1>, vector<16xf32>
        %eq3A_1724 = arith.cmpf oeq, %scan3A_1539, %max3A_1606 : vector<16xf32>
        %select_n3A_1725 = arith.select %eq3A_1724, %broadcast_in_dim3A_7, %scan3A_1539 : vector<16xi1>, vector<16xf32>
        %eq3A_1726 = arith.cmpf oeq, %scan3A_1540, %max3A_1606 : vector<16xf32>
        %select_n3A_1727 = arith.select %eq3A_1726, %broadcast_in_dim3A_7, %scan3A_1540 : vector<16xi1>, vector<16xf32>
        %eq3A_1728 = arith.cmpf oeq, %scan3A_1541, %max3A_1606 : vector<16xf32>
        %select_n3A_1729 = arith.select %eq3A_1728, %broadcast_in_dim3A_7, %scan3A_1541 : vector<16xi1>, vector<16xf32>
        %eq3A_1730 = arith.cmpf oeq, %scan3A_1542, %max3A_1606 : vector<16xf32>
        %select_n3A_1731 = arith.select %eq3A_1730, %broadcast_in_dim3A_7, %scan3A_1542 : vector<16xi1>, vector<16xf32>
        %eq3A_1732 = arith.cmpf oeq, %scan3A_1543, %max3A_1606 : vector<16xf32>
        %select_n3A_1733 = arith.select %eq3A_1732, %broadcast_in_dim3A_7, %scan3A_1543 : vector<16xi1>, vector<16xf32>
        scf.yield %select_n3A_1607, %select_n3A_1609, %select_n3A_1611, %select_n3A_1613, %select_n3A_1615, %select_n3A_1617, %select_n3A_1619, %select_n3A_1621, %select_n3A_1623, %select_n3A_1625, %select_n3A_1627, %select_n3A_1629, %select_n3A_1631, %select_n3A_1633, %select_n3A_1635, %select_n3A_1637, %select_n3A_1639, %select_n3A_1641, %select_n3A_1643, %select_n3A_1645, %select_n3A_1647, %select_n3A_1649, %select_n3A_1651, %select_n3A_1653, %select_n3A_1655, %select_n3A_1657, %select_n3A_1659, %select_n3A_1661, %select_n3A_1663, %select_n3A_1665, %select_n3A_1667, %select_n3A_1669, %select_n3A_1671, %select_n3A_1673, %select_n3A_1675, %select_n3A_1677, %select_n3A_1679, %select_n3A_1681, %select_n3A_1683, %select_n3A_1685, %select_n3A_1687, %select_n3A_1689, %select_n3A_1691, %select_n3A_1693, %select_n3A_1695, %select_n3A_1697, %select_n3A_1699, %select_n3A_1701, %select_n3A_1703, %select_n3A_1705, %select_n3A_1707, %select_n3A_1709, %select_n3A_1711, %select_n3A_1713, %select_n3A_1715, %select_n3A_1717, %select_n3A_1719, %select_n3A_1721, %select_n3A_1723, %select_n3A_1725, %select_n3A_1727, %select_n3A_1729, %select_n3A_1731, %select_n3A_1733 : vector<16xf32>, vector<16xf32>, vector<16xf32>, vector<16xf32>, vector<16xf32>, vector<16xf32>, vector<16xf32>, vector<16xf32>, vector<16xf32>, vector<16xf32>, vector<16xf32>, vector<16xf32>, vector<16xf32>, vector<16xf32>, vector<16xf32>, vector<16xf32>, vector<16xf32>, vector<16xf32>, vector<16xf32>, vector<16xf32>, vector<16xf32>, vector<16xf32>, vector<16xf32>, vector<16xf32>, vector<16xf32>, vector<16xf32>, vector<16xf32>, vector<16xf32>, vector<16xf32>, vector<16xf32>, vector<16xf32>, vector<16xf32>, vector<16xf32>, vector<16xf32>, vector<16xf32>, vector<16xf32>, vector<16xf32>, vector<16xf32>, vector<16xf32>, vector<16xf32>, vector<16xf32>, vector<16xf32>, vector<16xf32>, vector<16xf32>, vector<16xf32>, vector<16xf32>, vector<16xf32>, vector<16xf32>, vector<16xf32>, vector<16xf32>, vector<16xf32>, vector<16xf32>, vector<16xf32>, vector<16xf32>, vector<16xf32>, vector<16xf32>, vector<16xf32>, vector<16xf32>, vector<16xf32>, vector<16xf32>, vector<16xf32>, vector<16xf32>, vector<16xf32>, vector<16xf32>
      }
      %scan3A_967 = arith.constant 8 : i32
      %lt3A_968 = arith.cmpf olt, %scan3A_966#0, %broadcast_in_dim3A_9 : vector<16xf32>
      %select_n3A_969 = arith.select %lt3A_968, %select_n3A_899, %broadcast_in_dim3A_3 : vector<16xi1>, vector<16xf32>
      %swap3A = arith.constant 0 : i32
      %swap3A_970 = arith.index_cast %swap3A : i32 to index
      %swap3A_971 = arith.constant 0 : index
      %swap3A_972 = tpu.vector_load %arg5[%swap3A_970, %swap3A_971] {strides = array<i32>} : memref<64x16xf32, #tpu.memory_space<vmem>>, vector<1x16xf32>,
      %swap3A_973 = vector.shape_cast %swap3A_972 : vector<1x16xf32> to vector<16xf32>
      %swap3A_974 = vector.shape_cast %select_n3A_969 : vector<16xf32> to vector<1x16xf32>
      tpu.vector_store %arg5[%swap3A_970, %swap3A_971], %swap3A_974 {strides = array<i32>} : memref<64x16xf32, #tpu.memory_space<vmem>>, vector<1x16xf32>,
      %lt3A_975 = arith.cmpf olt, %scan3A_966#1, %broadcast_in_dim3A_9 : vector<16xf32>
      %select_n3A_976 = arith.select %lt3A_975, %select_n3A_900, %broadcast_in_dim3A_3 : vector<16xi1>, vector<16xf32>
      %swap3A_977 = arith.constant 1 : i32
      %swap3A_978 = arith.index_cast %swap3A_977 : i32 to index
      %swap3A_979 = arith.constant 0 : index
      %swap3A_980 = tpu.vector_load %arg5[%swap3A_978, %swap3A_979] {strides = array<i32>} : memref<64x16xf32, #tpu.memory_space<vmem>>, vector<1x16xf32>,
      %swap3A_981 = vector.shape_cast %swap3A_980 : vector<1x16xf32> to vector<16xf32>
      %swap3A_982 = vector.shape_cast %select_n3A_976 : vector<16xf32> to vector<1x16xf32>
      tpu.vector_store %arg5[%swap3A_978, %swap3A_979], %swap3A_982 {strides = array<i32>} : memref<64x16xf32, #tpu.memory_space<vmem>>, vector<1x16xf32>,
      %lt3A_983 = arith.cmpf olt, %scan3A_966#2, %broadcast_in_dim3A_9 : vector<16xf32>
      %select_n3A_984 = arith.select %lt3A_983, %select_n3A_901, %broadcast_in_dim3A_3 : vector<16xi1>, vector<16xf32>
      %swap3A_985 = arith.constant 2 : i32
      %swap3A_986 = arith.index_cast %swap3A_985 : i32 to index
      %swap3A_987 = arith.constant 0 : index
      %swap3A_988 = tpu.vector_load %arg5[%swap3A_986, %swap3A_987] {strides = array<i32>} : memref<64x16xf32, #tpu.memory_space<vmem>>, vector<1x16xf32>,
      %swap3A_989 = vector.shape_cast %swap3A_988 : vector<1x16xf32> to vector<16xf32>
      %swap3A_990 = vector.shape_cast %select_n3A_984 : vector<16xf32> to vector<1x16xf32>
      tpu.vector_store %arg5[%swap3A_986, %swap3A_987], %swap3A_990 {strides = array<i32>} : memref<64x16xf32, #tpu.memory_space<vmem>>, vector<1x16xf32>,
      %lt3A_991 = arith.cmpf olt, %scan3A_966#3, %broadcast_in_dim3A_9 : vector<16xf32>
      %select_n3A_992 = arith.select %lt3A_991, %select_n3A_902, %broadcast_in_dim3A_3 : vector<16xi1>, vector<16xf32>
      %swap3A_993 = arith.constant 3 : i32
      %swap3A_994 = arith.index_cast %swap3A_993 : i32 to index
      %swap3A_995 = arith.constant 0 : index
      %swap3A_996 = tpu.vector_load %arg5[%swap3A_994, %swap3A_995] {strides = array<i32>} : memref<64x16xf32, #tpu.memory_space<vmem>>, vector<1x16xf32>,
      %swap3A_997 = vector.shape_cast %swap3A_996 : vector<1x16xf32> to vector<16xf32>
      %swap3A_998 = vector.shape_cast %select_n3A_992 : vector<16xf32> to vector<1x16xf32>
      tpu.vector_store %arg5[%swap3A_994, %swap3A_995], %swap3A_998 {strides = array<i32>} : memref<64x16xf32, #tpu.memory_space<vmem>>, vector<1x16xf32>,
      %lt3A_999 = arith.cmpf olt, %scan3A_966#4, %broadcast_in_dim3A_9 : vector<16xf32>
      %select_n3A_1000 = arith.select %lt3A_999, %select_n3A_903, %broadcast_in_dim3A_3 : vector<16xi1>, vector<16xf32>
      %swap3A_1001 = arith.constant 4 : i32
      %swap3A_1002 = arith.index_cast %swap3A_1001 : i32 to index
      %swap3A_1003 = arith.constant 0 : index
      %swap3A_1004 = tpu.vector_load %arg5[%swap3A_1002, %swap3A_1003] {strides = array<i32>} : memref<64x16xf32, #tpu.memory_space<vmem>>, vector<1x16xf32>,
      %swap3A_1005 = vector.shape_cast %swap3A_1004 : vector<1x16xf32> to vector<16xf32>
      %swap3A_1006 = vector.shape_cast %select_n3A_1000 : vector<16xf32> to vector<1x16xf32>
      tpu.vector_store %arg5[%swap3A_1002, %swap3A_1003], %swap3A_1006 {strides = array<i32>} : memref<64x16xf32, #tpu.memory_space<vmem>>, vector<1x16xf32>,
      %lt3A_1007 = arith.cmpf olt, %scan3A_966#5, %broadcast_in_dim3A_9 : vector<16xf32>
      %select_n3A_1008 = arith.select %lt3A_1007, %select_n3A_904, %broadcast_in_dim3A_3 : vector<16xi1>, vector<16xf32>
      %swap3A_1009 = arith.constant 5 : i32
      %swap3A_1010 = arith.index_cast %swap3A_1009 : i32 to index
      %swap3A_1011 = arith.constant 0 : index
      %swap3A_1012 = tpu.vector_load %arg5[%swap3A_1010, %swap3A_1011] {strides = array<i32>} : memref<64x16xf32, #tpu.memory_space<vmem>>, vector<1x16xf32>,
      %swap3A_1013 = vector.shape_cast %swap3A_1012 : vector<1x16xf32> to vector<16xf32>
      %swap3A_1014 = vector.shape_cast %select_n3A_1008 : vector<16xf32> to vector<1x16xf32>
      tpu.vector_store %arg5[%swap3A_1010, %swap3A_1011], %swap3A_1014 {strides = array<i32>} : memref<64x16xf32, #tpu.memory_space<vmem>>, vector<1x16xf32>,
      %lt3A_1015 = arith.cmpf olt, %scan3A_966#6, %broadcast_in_dim3A_9 : vector<16xf32>
      %select_n3A_1016 = arith.select %lt3A_1015, %select_n3A_905, %broadcast_in_dim3A_3 : vector<16xi1>, vector<16xf32>
      %swap3A_1017 = arith.constant 6 : i32
      %swap3A_1018 = arith.index_cast %swap3A_1017 : i32 to index
      %swap3A_1019 = arith.constant 0 : index
      %swap3A_1020 = tpu.vector_load %arg5[%swap3A_1018, %swap3A_1019] {strides = array<i32>} : memref<64x16xf32, #tpu.memory_space<vmem>>, vector<1x16xf32>,
      %swap3A_1021 = vector.shape_cast %swap3A_1020 : vector<1x16xf32> to vector<16xf32>
      %swap3A_1022 = vector.shape_cast %select_n3A_1016 : vector<16xf32> to vector<1x16xf32>
      tpu.vector_store %arg5[%swap3A_1018, %swap3A_1019], %swap3A_1022 {strides = array<i32>} : memref<64x16xf32, #tpu.memory_space<vmem>>, vector<1x16xf32>,
      %lt3A_1023 = arith.cmpf olt, %scan3A_966#7, %broadcast_in_dim3A_9 : vector<16xf32>
      %select_n3A_1024 = arith.select %lt3A_1023, %select_n3A_906, %broadcast_in_dim3A_3 : vector<16xi1>, vector<16xf32>
      %swap3A_1025 = arith.constant 7 : i32
      %swap3A_1026 = arith.index_cast %swap3A_1025 : i32 to index
      %swap3A_1027 = arith.constant 0 : index
      %swap3A_1028 = tpu.vector_load %arg5[%swap3A_1026, %swap3A_1027] {strides = array<i32>} : memref<64x16xf32, #tpu.memory_space<vmem>>, vector<1x16xf32>,
      %swap3A_1029 = vector.shape_cast %swap3A_1028 : vector<1x16xf32> to vector<16xf32>
      %swap3A_1030 = vector.shape_cast %select_n3A_1024 : vector<16xf32> to vector<1x16xf32>
      tpu.vector_store %arg5[%swap3A_1026, %swap3A_1027], %swap3A_1030 {strides = array<i32>} : memref<64x16xf32, #tpu.memory_space<vmem>>, vector<1x16xf32>,
      %lt3A_1031 = arith.cmpf olt, %scan3A_966#8, %broadcast_in_dim3A_9 : vector<16xf32>
      %select_n3A_1032 = arith.select %lt3A_1031, %select_n3A_907, %broadcast_in_dim3A_3 : vector<16xi1>, vector<16xf32>
      %swap3A_1033 = arith.constant 8 : i32
      %swap3A_1034 = arith.index_cast %swap3A_1033 : i32 to index
      %swap3A_1035 = arith.constant 0 : index
      %swap3A_1036 = tpu.vector_load %arg5[%swap3A_1034, %swap3A_1035] {strides = array<i32>} : memref<64x16xf32, #tpu.memory_space<vmem>>, vector<1x16xf32>,
      %swap3A_1037 = vector.shape_cast %swap3A_1036 : vector<1x16xf32> to vector<16xf32>
      %swap3A_1038 = vector.shape_cast %select_n3A_1032 : vector<16xf32> to vector<1x16xf32>
      tpu.vector_store %arg5[%swap3A_1034, %swap3A_1035], %swap3A_1038 {strides = array<i32>} : memref<64x16xf32, #tpu.memory_space<vmem>>, vector<1x16xf32>,
      %lt3A_1039 = arith.cmpf olt, %scan3A_966#9, %broadcast_in_dim3A_9 : vector<16xf32>
      %select_n3A_1040 = arith.select %lt3A_1039, %select_n3A_908, %broadcast_in_dim3A_3 : vector<16xi1>, vector<16xf32>
      %swap3A_1041 = arith.constant 9 : i32
      %swap3A_1042 = arith.index_cast %swap3A_1041 : i32 to index
      %swap3A_1043 = arith.constant 0 : index
      %swap3A_1044 = tpu.vector_load %arg5[%swap3A_1042, %swap3A_1043] {strides = array<i32>} : memref<64x16xf32, #tpu.memory_space<vmem>>, vector<1x16xf32>,
      %swap3A_1045 = vector.shape_cast %swap3A_1044 : vector<1x16xf32> to vector<16xf32>
      %swap3A_1046 = vector.shape_cast %select_n3A_1040 : vector<16xf32> to vector<1x16xf32>
      tpu.vector_store %arg5[%swap3A_1042, %swap3A_1043], %swap3A_1046 {strides = array<i32>} : memref<64x16xf32, #tpu.memory_space<vmem>>, vector<1x16xf32>,
      %lt3A_1047 = arith.cmpf olt, %scan3A_966#10, %broadcast_in_dim3A_9 : vector<16xf32>
      %select_n3A_1048 = arith.select %lt3A_1047, %select_n3A_909, %broadcast_in_dim3A_3 : vector<16xi1>, vector<16xf32>
      %swap3A_1049 = arith.constant 10 : i32
      %swap3A_1050 = arith.index_cast %swap3A_1049 : i32 to index
      %swap3A_1051 = arith.constant 0 : index
      %swap3A_1052 = tpu.vector_load %arg5[%swap3A_1050, %swap3A_1051] {strides = array<i32>} : memref<64x16xf32, #tpu.memory_space<vmem>>, vector<1x16xf32>,
      %swap3A_1053 = vector.shape_cast %swap3A_1052 : vector<1x16xf32> to vector<16xf32>
      %swap3A_1054 = vector.shape_cast %select_n3A_1048 : vector<16xf32> to vector<1x16xf32>
      tpu.vector_store %arg5[%swap3A_1050, %swap3A_1051], %swap3A_1054 {strides = array<i32>} : memref<64x16xf32, #tpu.memory_space<vmem>>, vector<1x16xf32>,
      %lt3A_1055 = arith.cmpf olt, %scan3A_966#11, %broadcast_in_dim3A_9 : vector<16xf32>
      %select_n3A_1056 = arith.select %lt3A_1055, %select_n3A_910, %broadcast_in_dim3A_3 : vector<16xi1>, vector<16xf32>
      %swap3A_1057 = arith.constant 11 : i32
      %swap3A_1058 = arith.index_cast %swap3A_1057 : i32 to index
      %swap3A_1059 = arith.constant 0 : index
      %swap3A_1060 = tpu.vector_load %arg5[%swap3A_1058, %swap3A_1059] {strides = array<i32>} : memref<64x16xf32, #tpu.memory_space<vmem>>, vector<1x16xf32>,
      %swap3A_1061 = vector.shape_cast %swap3A_1060 : vector<1x16xf32> to vector<16xf32>
      %swap3A_1062 = vector.shape_cast %select_n3A_1056 : vector<16xf32> to vector<1x16xf32>
      tpu.vector_store %arg5[%swap3A_1058, %swap3A_1059], %swap3A_1062 {strides = array<i32>} : memref<64x16xf32, #tpu.memory_space<vmem>>, vector<1x16xf32>,
      %lt3A_1063 = arith.cmpf olt, %scan3A_966#12, %broadcast_in_dim3A_9 : vector<16xf32>
      %select_n3A_1064 = arith.select %lt3A_1063, %select_n3A_911, %broadcast_in_dim3A_3 : vector<16xi1>, vector<16xf32>
      %swap3A_1065 = arith.constant 12 : i32
      %swap3A_1066 = arith.index_cast %swap3A_1065 : i32 to index
      %swap3A_1067 = arith.constant 0 : index
      %swap3A_1068 = tpu.vector_load %arg5[%swap3A_1066, %swap3A_1067] {strides = array<i32>} : memref<64x16xf32, #tpu.memory_space<vmem>>, vector<1x16xf32>,
      %swap3A_1069 = vector.shape_cast %swap3A_1068 : vector<1x16xf32> to vector<16xf32>
      %swap3A_1070 = vector.shape_cast %select_n3A_1064 : vector<16xf32> to vector<1x16xf32>
      tpu.vector_store %arg5[%swap3A_1066, %swap3A_1067], %swap3A_1070 {strides = array<i32>} : memref<64x16xf32, #tpu.memory_space<vmem>>, vector<1x16xf32>,
      %lt3A_1071 = arith.cmpf olt, %scan3A_966#13, %broadcast_in_dim3A_9 : vector<16xf32>
      %select_n3A_1072 = arith.select %lt3A_1071, %select_n3A_912, %broadcast_in_dim3A_3 : vector<16xi1>, vector<16xf32>
      %swap3A_1073 = arith.constant 13 : i32
      %swap3A_1074 = arith.index_cast %swap3A_1073 : i32 to index
      %swap3A_1075 = arith.constant 0 : index
      %swap3A_1076 = tpu.vector_load %arg5[%swap3A_1074, %swap3A_1075] {strides = array<i32>} : memref<64x16xf32, #tpu.memory_space<vmem>>, vector<1x16xf32>,
      %swap3A_1077 = vector.shape_cast %swap3A_1076 : vector<1x16xf32> to vector<16xf32>
      %swap3A_1078 = vector.shape_cast %select_n3A_1072 : vector<16xf32> to vector<1x16xf32>
      tpu.vector_store %arg5[%swap3A_1074, %swap3A_1075], %swap3A_1078 {strides = array<i32>} : memref<64x16xf32, #tpu.memory_space<vmem>>, vector<1x16xf32>,
      %lt3A_1079 = arith.cmpf olt, %scan3A_966#14, %broadcast_in_dim3A_9 : vector<16xf32>
      %select_n3A_1080 = arith.select %lt3A_1079, %select_n3A_913, %broadcast_in_dim3A_3 : vector<16xi1>, vector<16xf32>
      %swap3A_1081 = arith.constant 14 : i32
      %swap3A_1082 = arith.index_cast %swap3A_1081 : i32 to index
      %swap3A_1083 = arith.constant 0 : index
      %swap3A_1084 = tpu.vector_load %arg5[%swap3A_1082, %swap3A_1083] {strides = array<i32>} : memref<64x16xf32, #tpu.memory_space<vmem>>, vector<1x16xf32>,
      %swap3A_1085 = vector.shape_cast %swap3A_1084 : vector<1x16xf32> to vector<16xf32>
      %swap3A_1086 = vector.shape_cast %select_n3A_1080 : vector<16xf32> to vector<1x16xf32>
      tpu.vector_store %arg5[%swap3A_1082, %swap3A_1083], %swap3A_1086 {strides = array<i32>} : memref<64x16xf32, #tpu.memory_space<vmem>>, vector<1x16xf32>,
      %lt3A_1087 = arith.cmpf olt, %scan3A_966#15, %broadcast_in_dim3A_9 : vector<16xf32>
      %select_n3A_1088 = arith.select %lt3A_1087, %select_n3A_914, %broadcast_in_dim3A_3 : vector<16xi1>, vector<16xf32>
      %swap3A_1089 = arith.constant 15 : i32
      %swap3A_1090 = arith.index_cast %swap3A_1089 : i32 to index
      %swap3A_1091 = arith.constant 0 : index
      %swap3A_1092 = tpu.vector_load %arg5[%swap3A_1090, %swap3A_1091] {strides = array<i32>} : memref<64x16xf32, #tpu.memory_space<vmem>>, vector<1x16xf32>,
      %swap3A_1093 = vector.shape_cast %swap3A_1092 : vector<1x16xf32> to vector<16xf32>
      %swap3A_1094 = vector.shape_cast %select_n3A_1088 : vector<16xf32> to vector<1x16xf32>
      tpu.vector_store %arg5[%swap3A_1090, %swap3A_1091], %swap3A_1094 {strides = array<i32>} : memref<64x16xf32, #tpu.memory_space<vmem>>, vector<1x16xf32>,
      %lt3A_1095 = arith.cmpf olt, %scan3A_966#16, %broadcast_in_dim3A_9 : vector<16xf32>
      %select_n3A_1096 = arith.select %lt3A_1095, %select_n3A_915, %broadcast_in_dim3A_3 : vector<16xi1>, vector<16xf32>
      %swap3A_1097 = arith.constant 16 : i32
      %swap3A_1098 = arith.index_cast %swap3A_1097 : i32 to index
      %swap3A_1099 = arith.constant 0 : index
      %swap3A_1100 = tpu.vector_load %arg5[%swap3A_1098, %swap3A_1099] {strides = array<i32>} : memref<64x16xf32, #tpu.memory_space<vmem>>, vector<1x16xf32>,
      %swap3A_1101 = vector.shape_cast %swap3A_1100 : vector<1x16xf32> to vector<16xf32>
      %swap3A_1102 = vector.shape_cast %select_n3A_1096 : vector<16xf32> to vector<1x16xf32>
      tpu.vector_store %arg5[%swap3A_1098, %swap3A_1099], %swap3A_1102 {strides = array<i32>} : memref<64x16xf32, #tpu.memory_space<vmem>>, vector<1x16xf32>,
      %lt3A_1103 = arith.cmpf olt, %scan3A_966#17, %broadcast_in_dim3A_9 : vector<16xf32>
      %select_n3A_1104 = arith.select %lt3A_1103, %select_n3A_916, %broadcast_in_dim3A_3 : vector<16xi1>, vector<16xf32>
      %swap3A_1105 = arith.constant 17 : i32
      %swap3A_1106 = arith.index_cast %swap3A_1105 : i32 to index
      %swap3A_1107 = arith.constant 0 : index
      %swap3A_1108 = tpu.vector_load %arg5[%swap3A_1106, %swap3A_1107] {strides = array<i32>} : memref<64x16xf32, #tpu.memory_space<vmem>>, vector<1x16xf32>,
      %swap3A_1109 = vector.shape_cast %swap3A_1108 : vector<1x16xf32> to vector<16xf32>
      %swap3A_1110 = vector.shape_cast %select_n3A_1104 : vector<16xf32> to vector<1x16xf32>
      tpu.vector_store %arg5[%swap3A_1106, %swap3A_1107], %swap3A_1110 {strides = array<i32>} : memref<64x16xf32, #tpu.memory_space<vmem>>, vector<1x16xf32>,
      %lt3A_1111 = arith.cmpf olt, %scan3A_966#18, %broadcast_in_dim3A_9 : vector<16xf32>
      %select_n3A_1112 = arith.select %lt3A_1111, %select_n3A_917, %broadcast_in_dim3A_3 : vector<16xi1>, vector<16xf32>
      %swap3A_1113 = arith.constant 18 : i32
      %swap3A_1114 = arith.index_cast %swap3A_1113 : i32 to index
      %swap3A_1115 = arith.constant 0 : index
      %swap3A_1116 = tpu.vector_load %arg5[%swap3A_1114, %swap3A_1115] {strides = array<i32>} : memref<64x16xf32, #tpu.memory_space<vmem>>, vector<1x16xf32>,
      %swap3A_1117 = vector.shape_cast %swap3A_1116 : vector<1x16xf32> to vector<16xf32>
      %swap3A_1118 = vector.shape_cast %select_n3A_1112 : vector<16xf32> to vector<1x16xf32>
      tpu.vector_store %arg5[%swap3A_1114, %swap3A_1115], %swap3A_1118 {strides = array<i32>} : memref<64x16xf32, #tpu.memory_space<vmem>>, vector<1x16xf32>,
      %lt3A_1119 = arith.cmpf olt, %scan3A_966#19, %broadcast_in_dim3A_9 : vector<16xf32>
      %select_n3A_1120 = arith.select %lt3A_1119, %select_n3A_918, %broadcast_in_dim3A_3 : vector<16xi1>, vector<16xf32>
      %swap3A_1121 = arith.constant 19 : i32
      %swap3A_1122 = arith.index_cast %swap3A_1121 : i32 to index
      %swap3A_1123 = arith.constant 0 : index
      %swap3A_1124 = tpu.vector_load %arg5[%swap3A_1122, %swap3A_1123] {strides = array<i32>} : memref<64x16xf32, #tpu.memory_space<vmem>>, vector<1x16xf32>,
      %swap3A_1125 = vector.shape_cast %swap3A_1124 : vector<1x16xf32> to vector<16xf32>
      %swap3A_1126 = vector.shape_cast %select_n3A_1120 : vector<16xf32> to vector<1x16xf32>
      tpu.vector_store %arg5[%swap3A_1122, %swap3A_1123], %swap3A_1126 {strides = array<i32>} : memref<64x16xf32, #tpu.memory_space<vmem>>, vector<1x16xf32>,
      %lt3A_1127 = arith.cmpf olt, %scan3A_966#20, %broadcast_in_dim3A_9 : vector<16xf32>
      %select_n3A_1128 = arith.select %lt3A_1127, %select_n3A_919, %broadcast_in_dim3A_3 : vector<16xi1>, vector<16xf32>
      %swap3A_1129 = arith.constant 20 : i32
      %swap3A_1130 = arith.index_cast %swap3A_1129 : i32 to index
      %swap3A_1131 = arith.constant 0 : index
      %swap3A_1132 = tpu.vector_load %arg5[%swap3A_1130, %swap3A_1131] {strides = array<i32>} : memref<64x16xf32, #tpu.memory_space<vmem>>, vector<1x16xf32>,
      %swap3A_1133 = vector.shape_cast %swap3A_1132 : vector<1x16xf32> to vector<16xf32>
      %swap3A_1134 = vector.shape_cast %select_n3A_1128 : vector<16xf32> to vector<1x16xf32>
      tpu.vector_store %arg5[%swap3A_1130, %swap3A_1131], %swap3A_1134 {strides = array<i32>} : memref<64x16xf32, #tpu.memory_space<vmem>>, vector<1x16xf32>,
      %lt3A_1135 = arith.cmpf olt, %scan3A_966#21, %broadcast_in_dim3A_9 : vector<16xf32>
      %select_n3A_1136 = arith.select %lt3A_1135, %select_n3A_920, %broadcast_in_dim3A_3 : vector<16xi1>, vector<16xf32>
      %swap3A_1137 = arith.constant 21 : i32
      %swap3A_1138 = arith.index_cast %swap3A_1137 : i32 to index
      %swap3A_1139 = arith.constant 0 : index
      %swap3A_1140 = tpu.vector_load %arg5[%swap3A_1138, %swap3A_1139] {strides = array<i32>} : memref<64x16xf32, #tpu.memory_space<vmem>>, vector<1x16xf32>,
      %swap3A_1141 = vector.shape_cast %swap3A_1140 : vector<1x16xf32> to vector<16xf32>
      %swap3A_1142 = vector.shape_cast %select_n3A_1136 : vector<16xf32> to vector<1x16xf32>
      tpu.vector_store %arg5[%swap3A_1138, %swap3A_1139], %swap3A_1142 {strides = array<i32>} : memref<64x16xf32, #tpu.memory_space<vmem>>, vector<1x16xf32>,
      %lt3A_1143 = arith.cmpf olt, %scan3A_966#22, %broadcast_in_dim3A_9 : vector<16xf32>
      %select_n3A_1144 = arith.select %lt3A_1143, %select_n3A_921, %broadcast_in_dim3A_3 : vector<16xi1>, vector<16xf32>
      %swap3A_1145 = arith.constant 22 : i32
      %swap3A_1146 = arith.index_cast %swap3A_1145 : i32 to index
      %swap3A_1147 = arith.constant 0 : index
      %swap3A_1148 = tpu.vector_load %arg5[%swap3A_1146, %swap3A_1147] {strides = array<i32>} : memref<64x16xf32, #tpu.memory_space<vmem>>, vector<1x16xf32>,
      %swap3A_1149 = vector.shape_cast %swap3A_1148 : vector<1x16xf32> to vector<16xf32>
      %swap3A_1150 = vector.shape_cast %select_n3A_1144 : vector<16xf32> to vector<1x16xf32>
      tpu.vector_store %arg5[%swap3A_1146, %swap3A_1147], %swap3A_1150 {strides = array<i32>} : memref<64x16xf32, #tpu.memory_space<vmem>>, vector<1x16xf32>,
      %lt3A_1151 = arith.cmpf olt, %scan3A_966#23, %broadcast_in_dim3A_9 : vector<16xf32>
      %select_n3A_1152 = arith.select %lt3A_1151, %select_n3A_922, %broadcast_in_dim3A_3 : vector<16xi1>, vector<16xf32>
      %swap3A_1153 = arith.constant 23 : i32
      %swap3A_1154 = arith.index_cast %swap3A_1153 : i32 to index
      %swap3A_1155 = arith.constant 0 : index
      %swap3A_1156 = tpu.vector_load %arg5[%swap3A_1154, %swap3A_1155] {strides = array<i32>} : memref<64x16xf32, #tpu.memory_space<vmem>>, vector<1x16xf32>,
      %swap3A_1157 = vector.shape_cast %swap3A_1156 : vector<1x16xf32> to vector<16xf32>
      %swap3A_1158 = vector.shape_cast %select_n3A_1152 : vector<16xf32> to vector<1x16xf32>
      tpu.vector_store %arg5[%swap3A_1154, %swap3A_1155], %swap3A_1158 {strides = array<i32>} : memref<64x16xf32, #tpu.memory_space<vmem>>, vector<1x16xf32>,
      %lt3A_1159 = arith.cmpf olt, %scan3A_966#24, %broadcast_in_dim3A_9 : vector<16xf32>
      %select_n3A_1160 = arith.select %lt3A_1159, %select_n3A_923, %broadcast_in_dim3A_3 : vector<16xi1>, vector<16xf32>
      %swap3A_1161 = arith.constant 24 : i32
      %swap3A_1162 = arith.index_cast %swap3A_1161 : i32 to index
      %swap3A_1163 = arith.constant 0 : index
      %swap3A_1164 = tpu.vector_load %arg5[%swap3A_1162, %swap3A_1163] {strides = array<i32>} : memref<64x16xf32, #tpu.memory_space<vmem>>, vector<1x16xf32>,
      %swap3A_1165 = vector.shape_cast %swap3A_1164 : vector<1x16xf32> to vector<16xf32>
      %swap3A_1166 = vector.shape_cast %select_n3A_1160 : vector<16xf32> to vector<1x16xf32>
      tpu.vector_store %arg5[%swap3A_1162, %swap3A_1163], %swap3A_1166 {strides = array<i32>} : memref<64x16xf32, #tpu.memory_space<vmem>>, vector<1x16xf32>,
      %lt3A_1167 = arith.cmpf olt, %scan3A_966#25, %broadcast_in_dim3A_9 : vector<16xf32>
      %select_n3A_1168 = arith.select %lt3A_1167, %select_n3A_924, %broadcast_in_dim3A_3 : vector<16xi1>, vector<16xf32>
      %swap3A_1169 = arith.constant 25 : i32
      %swap3A_1170 = arith.index_cast %swap3A_1169 : i32 to index
      %swap3A_1171 = arith.constant 0 : index
      %swap3A_1172 = tpu.vector_load %arg5[%swap3A_1170, %swap3A_1171] {strides = array<i32>} : memref<64x16xf32, #tpu.memory_space<vmem>>, vector<1x16xf32>,
      %swap3A_1173 = vector.shape_cast %swap3A_1172 : vector<1x16xf32> to vector<16xf32>
      %swap3A_1174 = vector.shape_cast %select_n3A_1168 : vector<16xf32> to vector<1x16xf32>
      tpu.vector_store %arg5[%swap3A_1170, %swap3A_1171], %swap3A_1174 {strides = array<i32>} : memref<64x16xf32, #tpu.memory_space<vmem>>, vector<1x16xf32>,
      %lt3A_1175 = arith.cmpf olt, %scan3A_966#26, %broadcast_in_dim3A_9 : vector<16xf32>
      %select_n3A_1176 = arith.select %lt3A_1175, %select_n3A_925, %broadcast_in_dim3A_3 : vector<16xi1>, vector<16xf32>
      %swap3A_1177 = arith.constant 26 : i32
      %swap3A_1178 = arith.index_cast %swap3A_1177 : i32 to index
      %swap3A_1179 = arith.constant 0 : index
      %swap3A_1180 = tpu.vector_load %arg5[%swap3A_1178, %swap3A_1179] {strides = array<i32>} : memref<64x16xf32, #tpu.memory_space<vmem>>, vector<1x16xf32>,
      %swap3A_1181 = vector.shape_cast %swap3A_1180 : vector<1x16xf32> to vector<16xf32>
      %swap3A_1182 = vector.shape_cast %select_n3A_1176 : vector<16xf32> to vector<1x16xf32>
      tpu.vector_store %arg5[%swap3A_1178, %swap3A_1179], %swap3A_1182 {strides = array<i32>} : memref<64x16xf32, #tpu.memory_space<vmem>>, vector<1x16xf32>,
      %lt3A_1183 = arith.cmpf olt, %scan3A_966#27, %broadcast_in_dim3A_9 : vector<16xf32>
      %select_n3A_1184 = arith.select %lt3A_1183, %select_n3A_926, %broadcast_in_dim3A_3 : vector<16xi1>, vector<16xf32>
      %swap3A_1185 = arith.constant 27 : i32
      %swap3A_1186 = arith.index_cast %swap3A_1185 : i32 to index
      %swap3A_1187 = arith.constant 0 : index
      %swap3A_1188 = tpu.vector_load %arg5[%swap3A_1186, %swap3A_1187] {strides = array<i32>} : memref<64x16xf32, #tpu.memory_space<vmem>>, vector<1x16xf32>,
      %swap3A_1189 = vector.shape_cast %swap3A_1188 : vector<1x16xf32> to vector<16xf32>
      %swap3A_1190 = vector.shape_cast %select_n3A_1184 : vector<16xf32> to vector<1x16xf32>
      tpu.vector_store %arg5[%swap3A_1186, %swap3A_1187], %swap3A_1190 {strides = array<i32>} : memref<64x16xf32, #tpu.memory_space<vmem>>, vector<1x16xf32>,
      %lt3A_1191 = arith.cmpf olt, %scan3A_966#28, %broadcast_in_dim3A_9 : vector<16xf32>
      %select_n3A_1192 = arith.select %lt3A_1191, %select_n3A_927, %broadcast_in_dim3A_3 : vector<16xi1>, vector<16xf32>
      %swap3A_1193 = arith.constant 28 : i32
      %swap3A_1194 = arith.index_cast %swap3A_1193 : i32 to index
      %swap3A_1195 = arith.constant 0 : index
      %swap3A_1196 = tpu.vector_load %arg5[%swap3A_1194, %swap3A_1195] {strides = array<i32>} : memref<64x16xf32, #tpu.memory_space<vmem>>, vector<1x16xf32>,
      %swap3A_1197 = vector.shape_cast %swap3A_1196 : vector<1x16xf32> to vector<16xf32>
      %swap3A_1198 = vector.shape_cast %select_n3A_1192 : vector<16xf32> to vector<1x16xf32>
      tpu.vector_store %arg5[%swap3A_1194, %swap3A_1195], %swap3A_1198 {strides = array<i32>} : memref<64x16xf32, #tpu.memory_space<vmem>>, vector<1x16xf32>,
      %lt3A_1199 = arith.cmpf olt, %scan3A_966#29, %broadcast_in_dim3A_9 : vector<16xf32>
      %select_n3A_1200 = arith.select %lt3A_1199, %select_n3A_928, %broadcast_in_dim3A_3 : vector<16xi1>, vector<16xf32>
      %swap3A_1201 = arith.constant 29 : i32
      %swap3A_1202 = arith.index_cast %swap3A_1201 : i32 to index
      %swap3A_1203 = arith.constant 0 : index
      %swap3A_1204 = tpu.vector_load %arg5[%swap3A_1202, %swap3A_1203] {strides = array<i32>} : memref<64x16xf32, #tpu.memory_space<vmem>>, vector<1x16xf32>,
      %swap3A_1205 = vector.shape_cast %swap3A_1204 : vector<1x16xf32> to vector<16xf32>
      %swap3A_1206 = vector.shape_cast %select_n3A_1200 : vector<16xf32> to vector<1x16xf32>
      tpu.vector_store %arg5[%swap3A_1202, %swap3A_1203], %swap3A_1206 {strides = array<i32>} : memref<64x16xf32, #tpu.memory_space<vmem>>, vector<1x16xf32>,
      %lt3A_1207 = arith.cmpf olt, %scan3A_966#30, %broadcast_in_dim3A_9 : vector<16xf32>
      %select_n3A_1208 = arith.select %lt3A_1207, %select_n3A_929, %broadcast_in_dim3A_3 : vector<16xi1>, vector<16xf32>
      %swap3A_1209 = arith.constant 30 : i32
      %swap3A_1210 = arith.index_cast %swap3A_1209 : i32 to index
      %swap3A_1211 = arith.constant 0 : index
      %swap3A_1212 = tpu.vector_load %arg5[%swap3A_1210, %swap3A_1211] {strides = array<i32>} : memref<64x16xf32, #tpu.memory_space<vmem>>, vector<1x16xf32>,
      %swap3A_1213 = vector.shape_cast %swap3A_1212 : vector<1x16xf32> to vector<16xf32>
      %swap3A_1214 = vector.shape_cast %select_n3A_1208 : vector<16xf32> to vector<1x16xf32>
      tpu.vector_store %arg5[%swap3A_1210, %swap3A_1211], %swap3A_1214 {strides = array<i32>} : memref<64x16xf32, #tpu.memory_space<vmem>>, vector<1x16xf32>,
      %lt3A_1215 = arith.cmpf olt, %scan3A_966#31, %broadcast_in_dim3A_9 : vector<16xf32>
      %select_n3A_1216 = arith.select %lt3A_1215, %select_n3A_930, %broadcast_in_dim3A_3 : vector<16xi1>, vector<16xf32>
      %swap3A_1217 = arith.constant 31 : i32
      %swap3A_1218 = arith.index_cast %swap3A_1217 : i32 to index
      %swap3A_1219 = arith.constant 0 : index
      %swap3A_1220 = tpu.vector_load %arg5[%swap3A_1218, %swap3A_1219] {strides = array<i32>} : memref<64x16xf32, #tpu.memory_space<vmem>>, vector<1x16xf32>,
      %swap3A_1221 = vector.shape_cast %swap3A_1220 : vector<1x16xf32> to vector<16xf32>
      %swap3A_1222 = vector.shape_cast %select_n3A_1216 : vector<16xf32> to vector<1x16xf32>
      tpu.vector_store %arg5[%swap3A_1218, %swap3A_1219], %swap3A_1222 {strides = array<i32>} : memref<64x16xf32, #tpu.memory_space<vmem>>, vector<1x16xf32>,
      %lt3A_1223 = arith.cmpf olt, %scan3A_966#32, %broadcast_in_dim3A_9 : vector<16xf32>
      %select_n3A_1224 = arith.select %lt3A_1223, %select_n3A_931, %broadcast_in_dim3A_3 : vector<16xi1>, vector<16xf32>
      %swap3A_1225 = arith.constant 32 : i32
      %swap3A_1226 = arith.index_cast %swap3A_1225 : i32 to index
      %swap3A_1227 = arith.constant 0 : index
      %swap3A_1228 = tpu.vector_load %arg5[%swap3A_1226, %swap3A_1227] {strides = array<i32>} : memref<64x16xf32, #tpu.memory_space<vmem>>, vector<1x16xf32>,
      %swap3A_1229 = vector.shape_cast %swap3A_1228 : vector<1x16xf32> to vector<16xf32>
      %swap3A_1230 = vector.shape_cast %select_n3A_1224 : vector<16xf32> to vector<1x16xf32>
      tpu.vector_store %arg5[%swap3A_1226, %swap3A_1227], %swap3A_1230 {strides = array<i32>} : memref<64x16xf32, #tpu.memory_space<vmem>>, vector<1x16xf32>,
      %lt3A_1231 = arith.cmpf olt, %scan3A_966#33, %broadcast_in_dim3A_9 : vector<16xf32>
      %select_n3A_1232 = arith.select %lt3A_1231, %select_n3A_932, %broadcast_in_dim3A_3 : vector<16xi1>, vector<16xf32>
      %swap3A_1233 = arith.constant 33 : i32
      %swap3A_1234 = arith.index_cast %swap3A_1233 : i32 to index
      %swap3A_1235 = arith.constant 0 : index
      %swap3A_1236 = tpu.vector_load %arg5[%swap3A_1234, %swap3A_1235] {strides = array<i32>} : memref<64x16xf32, #tpu.memory_space<vmem>>, vector<1x16xf32>,
      %swap3A_1237 = vector.shape_cast %swap3A_1236 : vector<1x16xf32> to vector<16xf32>
      %swap3A_1238 = vector.shape_cast %select_n3A_1232 : vector<16xf32> to vector<1x16xf32>
      tpu.vector_store %arg5[%swap3A_1234, %swap3A_1235], %swap3A_1238 {strides = array<i32>} : memref<64x16xf32, #tpu.memory_space<vmem>>, vector<1x16xf32>,
      %lt3A_1239 = arith.cmpf olt, %scan3A_966#34, %broadcast_in_dim3A_9 : vector<16xf32>
      %select_n3A_1240 = arith.select %lt3A_1239, %select_n3A_933, %broadcast_in_dim3A_3 : vector<16xi1>, vector<16xf32>
      %swap3A_1241 = arith.constant 34 : i32
      %swap3A_1242 = arith.index_cast %swap3A_1241 : i32 to index
      %swap3A_1243 = arith.constant 0 : index
      %swap3A_1244 = tpu.vector_load %arg5[%swap3A_1242, %swap3A_1243] {strides = array<i32>} : memref<64x16xf32, #tpu.memory_space<vmem>>, vector<1x16xf32>,
      %swap3A_1245 = vector.shape_cast %swap3A_1244 : vector<1x16xf32> to vector<16xf32>
      %swap3A_1246 = vector.shape_cast %select_n3A_1240 : vector<16xf32> to vector<1x16xf32>
      tpu.vector_store %arg5[%swap3A_1242, %swap3A_1243], %swap3A_1246 {strides = array<i32>} : memref<64x16xf32, #tpu.memory_space<vmem>>, vector<1x16xf32>,
      %lt3A_1247 = arith.cmpf olt, %scan3A_966#35, %broadcast_in_dim3A_9 : vector<16xf32>
      %select_n3A_1248 = arith.select %lt3A_1247, %select_n3A_934, %broadcast_in_dim3A_3 : vector<16xi1>, vector<16xf32>
      %swap3A_1249 = arith.constant 35 : i32
      %swap3A_1250 = arith.index_cast %swap3A_1249 : i32 to index
      %swap3A_1251 = arith.constant 0 : index
      %swap3A_1252 = tpu.vector_load %arg5[%swap3A_1250, %swap3A_1251] {strides = array<i32>} : memref<64x16xf32, #tpu.memory_space<vmem>>, vector<1x16xf32>,
      %swap3A_1253 = vector.shape_cast %swap3A_1252 : vector<1x16xf32> to vector<16xf32>
      %swap3A_1254 = vector.shape_cast %select_n3A_1248 : vector<16xf32> to vector<1x16xf32>
      tpu.vector_store %arg5[%swap3A_1250, %swap3A_1251], %swap3A_1254 {strides = array<i32>} : memref<64x16xf32, #tpu.memory_space<vmem>>, vector<1x16xf32>,
      %lt3A_1255 = arith.cmpf olt, %scan3A_966#36, %broadcast_in_dim3A_9 : vector<16xf32>
      %select_n3A_1256 = arith.select %lt3A_1255, %select_n3A_935, %broadcast_in_dim3A_3 : vector<16xi1>, vector<16xf32>
      %swap3A_1257 = arith.constant 36 : i32
      %swap3A_1258 = arith.index_cast %swap3A_1257 : i32 to index
      %swap3A_1259 = arith.constant 0 : index
      %swap3A_1260 = tpu.vector_load %arg5[%swap3A_1258, %swap3A_1259] {strides = array<i32>} : memref<64x16xf32, #tpu.memory_space<vmem>>, vector<1x16xf32>,
      %swap3A_1261 = vector.shape_cast %swap3A_1260 : vector<1x16xf32> to vector<16xf32>
      %swap3A_1262 = vector.shape_cast %select_n3A_1256 : vector<16xf32> to vector<1x16xf32>
      tpu.vector_store %arg5[%swap3A_1258, %swap3A_1259], %swap3A_1262 {strides = array<i32>} : memref<64x16xf32, #tpu.memory_space<vmem>>, vector<1x16xf32>,
      %lt3A_1263 = arith.cmpf olt, %scan3A_966#37, %broadcast_in_dim3A_9 : vector<16xf32>
      %select_n3A_1264 = arith.select %lt3A_1263, %select_n3A_936, %broadcast_in_dim3A_3 : vector<16xi1>, vector<16xf32>
      %swap3A_1265 = arith.constant 37 : i32
      %swap3A_1266 = arith.index_cast %swap3A_1265 : i32 to index
      %swap3A_1267 = arith.constant 0 : index
      %swap3A_1268 = tpu.vector_load %arg5[%swap3A_1266, %swap3A_1267] {strides = array<i32>} : memref<64x16xf32, #tpu.memory_space<vmem>>, vector<1x16xf32>,
      %swap3A_1269 = vector.shape_cast %swap3A_1268 : vector<1x16xf32> to vector<16xf32>
      %swap3A_1270 = vector.shape_cast %select_n3A_1264 : vector<16xf32> to vector<1x16xf32>
      tpu.vector_store %arg5[%swap3A_1266, %swap3A_1267], %swap3A_1270 {strides = array<i32>} : memref<64x16xf32, #tpu.memory_space<vmem>>, vector<1x16xf32>,
      %lt3A_1271 = arith.cmpf olt, %scan3A_966#38, %broadcast_in_dim3A_9 : vector<16xf32>
      %select_n3A_1272 = arith.select %lt3A_1271, %select_n3A_937, %broadcast_in_dim3A_3 : vector<16xi1>, vector<16xf32>
      %swap3A_1273 = arith.constant 38 : i32
      %swap3A_1274 = arith.index_cast %swap3A_1273 : i32 to index
      %swap3A_1275 = arith.constant 0 : index
      %swap3A_1276 = tpu.vector_load %arg5[%swap3A_1274, %swap3A_1275] {strides = array<i32>} : memref<64x16xf32, #tpu.memory_space<vmem>>, vector<1x16xf32>,
      %swap3A_1277 = vector.shape_cast %swap3A_1276 : vector<1x16xf32> to vector<16xf32>
      %swap3A_1278 = vector.shape_cast %select_n3A_1272 : vector<16xf32> to vector<1x16xf32>
      tpu.vector_store %arg5[%swap3A_1274, %swap3A_1275], %swap3A_1278 {strides = array<i32>} : memref<64x16xf32, #tpu.memory_space<vmem>>, vector<1x16xf32>,
      %lt3A_1279 = arith.cmpf olt, %scan3A_966#39, %broadcast_in_dim3A_9 : vector<16xf32>
      %select_n3A_1280 = arith.select %lt3A_1279, %select_n3A_938, %broadcast_in_dim3A_3 : vector<16xi1>, vector<16xf32>
      %swap3A_1281 = arith.constant 39 : i32
      %swap3A_1282 = arith.index_cast %swap3A_1281 : i32 to index
      %swap3A_1283 = arith.constant 0 : index
      %swap3A_1284 = tpu.vector_load %arg5[%swap3A_1282, %swap3A_1283] {strides = array<i32>} : memref<64x16xf32, #tpu.memory_space<vmem>>, vector<1x16xf32>,
      %swap3A_1285 = vector.shape_cast %swap3A_1284 : vector<1x16xf32> to vector<16xf32>
      %swap3A_1286 = vector.shape_cast %select_n3A_1280 : vector<16xf32> to vector<1x16xf32>
      tpu.vector_store %arg5[%swap3A_1282, %swap3A_1283], %swap3A_1286 {strides = array<i32>} : memref<64x16xf32, #tpu.memory_space<vmem>>, vector<1x16xf32>,
      %lt3A_1287 = arith.cmpf olt, %scan3A_966#40, %broadcast_in_dim3A_9 : vector<16xf32>
      %select_n3A_1288 = arith.select %lt3A_1287, %select_n3A_939, %broadcast_in_dim3A_3 : vector<16xi1>, vector<16xf32>
      %swap3A_1289 = arith.constant 40 : i32
      %swap3A_1290 = arith.index_cast %swap3A_1289 : i32 to index
      %swap3A_1291 = arith.constant 0 : index
      %swap3A_1292 = tpu.vector_load %arg5[%swap3A_1290, %swap3A_1291] {strides = array<i32>} : memref<64x16xf32, #tpu.memory_space<vmem>>, vector<1x16xf32>,
      %swap3A_1293 = vector.shape_cast %swap3A_1292 : vector<1x16xf32> to vector<16xf32>
      %swap3A_1294 = vector.shape_cast %select_n3A_1288 : vector<16xf32> to vector<1x16xf32>
      tpu.vector_store %arg5[%swap3A_1290, %swap3A_1291], %swap3A_1294 {strides = array<i32>} : memref<64x16xf32, #tpu.memory_space<vmem>>, vector<1x16xf32>,
      %lt3A_1295 = arith.cmpf olt, %scan3A_966#41, %broadcast_in_dim3A_9 : vector<16xf32>
      %select_n3A_1296 = arith.select %lt3A_1295, %select_n3A_940, %broadcast_in_dim3A_3 : vector<16xi1>, vector<16xf32>
      %swap3A_1297 = arith.constant 41 : i32
      %swap3A_1298 = arith.index_cast %swap3A_1297 : i32 to index
      %swap3A_1299 = arith.constant 0 : index
      %swap3A_1300 = tpu.vector_load %arg5[%swap3A_1298, %swap3A_1299] {strides = array<i32>} : memref<64x16xf32, #tpu.memory_space<vmem>>, vector<1x16xf32>,
      %swap3A_1301 = vector.shape_cast %swap3A_1300 : vector<1x16xf32> to vector<16xf32>
      %swap3A_1302 = vector.shape_cast %select_n3A_1296 : vector<16xf32> to vector<1x16xf32>
      tpu.vector_store %arg5[%swap3A_1298, %swap3A_1299], %swap3A_1302 {strides = array<i32>} : memref<64x16xf32, #tpu.memory_space<vmem>>, vector<1x16xf32>,
      %lt3A_1303 = arith.cmpf olt, %scan3A_966#42, %broadcast_in_dim3A_9 : vector<16xf32>
      %select_n3A_1304 = arith.select %lt3A_1303, %select_n3A_941, %broadcast_in_dim3A_3 : vector<16xi1>, vector<16xf32>
      %swap3A_1305 = arith.constant 42 : i32
      %swap3A_1306 = arith.index_cast %swap3A_1305 : i32 to index
      %swap3A_1307 = arith.constant 0 : index
      %swap3A_1308 = tpu.vector_load %arg5[%swap3A_1306, %swap3A_1307] {strides = array<i32>} : memref<64x16xf32, #tpu.memory_space<vmem>>, vector<1x16xf32>,
      %swap3A_1309 = vector.shape_cast %swap3A_1308 : vector<1x16xf32> to vector<16xf32>
      %swap3A_1310 = vector.shape_cast %select_n3A_1304 : vector<16xf32> to vector<1x16xf32>
      tpu.vector_store %arg5[%swap3A_1306, %swap3A_1307], %swap3A_1310 {strides = array<i32>} : memref<64x16xf32, #tpu.memory_space<vmem>>, vector<1x16xf32>,
      %lt3A_1311 = arith.cmpf olt, %scan3A_966#43, %broadcast_in_dim3A_9 : vector<16xf32>
      %select_n3A_1312 = arith.select %lt3A_1311, %select_n3A_942, %broadcast_in_dim3A_3 : vector<16xi1>, vector<16xf32>
      %swap3A_1313 = arith.constant 43 : i32
      %swap3A_1314 = arith.index_cast %swap3A_1313 : i32 to index
      %swap3A_1315 = arith.constant 0 : index
      %swap3A_1316 = tpu.vector_load %arg5[%swap3A_1314, %swap3A_1315] {strides = array<i32>} : memref<64x16xf32, #tpu.memory_space<vmem>>, vector<1x16xf32>,
      %swap3A_1317 = vector.shape_cast %swap3A_1316 : vector<1x16xf32> to vector<16xf32>
      %swap3A_1318 = vector.shape_cast %select_n3A_1312 : vector<16xf32> to vector<1x16xf32>
      tpu.vector_store %arg5[%swap3A_1314, %swap3A_1315], %swap3A_1318 {strides = array<i32>} : memref<64x16xf32, #tpu.memory_space<vmem>>, vector<1x16xf32>,
      %lt3A_1319 = arith.cmpf olt, %scan3A_966#44, %broadcast_in_dim3A_9 : vector<16xf32>
      %select_n3A_1320 = arith.select %lt3A_1319, %select_n3A_943, %broadcast_in_dim3A_3 : vector<16xi1>, vector<16xf32>
      %swap3A_1321 = arith.constant 44 : i32
      %swap3A_1322 = arith.index_cast %swap3A_1321 : i32 to index
      %swap3A_1323 = arith.constant 0 : index
      %swap3A_1324 = tpu.vector_load %arg5[%swap3A_1322, %swap3A_1323] {strides = array<i32>} : memref<64x16xf32, #tpu.memory_space<vmem>>, vector<1x16xf32>,
      %swap3A_1325 = vector.shape_cast %swap3A_1324 : vector<1x16xf32> to vector<16xf32>
      %swap3A_1326 = vector.shape_cast %select_n3A_1320 : vector<16xf32> to vector<1x16xf32>
      tpu.vector_store %arg5[%swap3A_1322, %swap3A_1323], %swap3A_1326 {strides = array<i32>} : memref<64x16xf32, #tpu.memory_space<vmem>>, vector<1x16xf32>,
      %lt3A_1327 = arith.cmpf olt, %scan3A_966#45, %broadcast_in_dim3A_9 : vector<16xf32>
      %select_n3A_1328 = arith.select %lt3A_1327, %select_n3A_944, %broadcast_in_dim3A_3 : vector<16xi1>, vector<16xf32>
      %swap3A_1329 = arith.constant 45 : i32
      %swap3A_1330 = arith.index_cast %swap3A_1329 : i32 to index
      %swap3A_1331 = arith.constant 0 : index
      %swap3A_1332 = tpu.vector_load %arg5[%swap3A_1330, %swap3A_1331] {strides = array<i32>} : memref<64x16xf32, #tpu.memory_space<vmem>>, vector<1x16xf32>,
      %swap3A_1333 = vector.shape_cast %swap3A_1332 : vector<1x16xf32> to vector<16xf32>
      %swap3A_1334 = vector.shape_cast %select_n3A_1328 : vector<16xf32> to vector<1x16xf32>
      tpu.vector_store %arg5[%swap3A_1330, %swap3A_1331], %swap3A_1334 {strides = array<i32>} : memref<64x16xf32, #tpu.memory_space<vmem>>, vector<1x16xf32>,
      %lt3A_1335 = arith.cmpf olt, %scan3A_966#46, %broadcast_in_dim3A_9 : vector<16xf32>
      %select_n3A_1336 = arith.select %lt3A_1335, %select_n3A_945, %broadcast_in_dim3A_3 : vector<16xi1>, vector<16xf32>
      %swap3A_1337 = arith.constant 46 : i32
      %swap3A_1338 = arith.index_cast %swap3A_1337 : i32 to index
      %swap3A_1339 = arith.constant 0 : index
      %swap3A_1340 = tpu.vector_load %arg5[%swap3A_1338, %swap3A_1339] {strides = array<i32>} : memref<64x16xf32, #tpu.memory_space<vmem>>, vector<1x16xf32>,
      %swap3A_1341 = vector.shape_cast %swap3A_1340 : vector<1x16xf32> to vector<16xf32>
      %swap3A_1342 = vector.shape_cast %select_n3A_1336 : vector<16xf32> to vector<1x16xf32>
      tpu.vector_store %arg5[%swap3A_1338, %swap3A_1339], %swap3A_1342 {strides = array<i32>} : memref<64x16xf32, #tpu.memory_space<vmem>>, vector<1x16xf32>,
      %lt3A_1343 = arith.cmpf olt, %scan3A_966#47, %broadcast_in_dim3A_9 : vector<16xf32>
      %select_n3A_1344 = arith.select %lt3A_1343, %select_n3A_946, %broadcast_in_dim3A_3 : vector<16xi1>, vector<16xf32>
      %swap3A_1345 = arith.constant 47 : i32
      %swap3A_1346 = arith.index_cast %swap3A_1345 : i32 to index
      %swap3A_1347 = arith.constant 0 : index
      %swap3A_1348 = tpu.vector_load %arg5[%swap3A_1346, %swap3A_1347] {strides = array<i32>} : memref<64x16xf32, #tpu.memory_space<vmem>>, vector<1x16xf32>,
      %swap3A_1349 = vector.shape_cast %swap3A_1348 : vector<1x16xf32> to vector<16xf32>
      %swap3A_1350 = vector.shape_cast %select_n3A_1344 : vector<16xf32> to vector<1x16xf32>
      tpu.vector_store %arg5[%swap3A_1346, %swap3A_1347], %swap3A_1350 {strides = array<i32>} : memref<64x16xf32, #tpu.memory_space<vmem>>, vector<1x16xf32>,
      %lt3A_1351 = arith.cmpf olt, %scan3A_966#48, %broadcast_in_dim3A_9 : vector<16xf32>
      %select_n3A_1352 = arith.select %lt3A_1351, %select_n3A_947, %broadcast_in_dim3A_3 : vector<16xi1>, vector<16xf32>
      %swap3A_1353 = arith.constant 48 : i32
      %swap3A_1354 = arith.index_cast %swap3A_1353 : i32 to index
      %swap3A_1355 = arith.constant 0 : index
      %swap3A_1356 = tpu.vector_load %arg5[%swap3A_1354, %swap3A_1355] {strides = array<i32>} : memref<64x16xf32, #tpu.memory_space<vmem>>, vector<1x16xf32>,
      %swap3A_1357 = vector.shape_cast %swap3A_1356 : vector<1x16xf32> to vector<16xf32>
      %swap3A_1358 = vector.shape_cast %select_n3A_1352 : vector<16xf32> to vector<1x16xf32>
      tpu.vector_store %arg5[%swap3A_1354, %swap3A_1355], %swap3A_1358 {strides = array<i32>} : memref<64x16xf32, #tpu.memory_space<vmem>>, vector<1x16xf32>,
      %lt3A_1359 = arith.cmpf olt, %scan3A_966#49, %broadcast_in_dim3A_9 : vector<16xf32>
      %select_n3A_1360 = arith.select %lt3A_1359, %select_n3A_948, %broadcast_in_dim3A_3 : vector<16xi1>, vector<16xf32>
      %swap3A_1361 = arith.constant 49 : i32
      %swap3A_1362 = arith.index_cast %swap3A_1361 : i32 to index
      %swap3A_1363 = arith.constant 0 : index
      %swap3A_1364 = tpu.vector_load %arg5[%swap3A_1362, %swap3A_1363] {strides = array<i32>} : memref<64x16xf32, #tpu.memory_space<vmem>>, vector<1x16xf32>,
      %swap3A_1365 = vector.shape_cast %swap3A_1364 : vector<1x16xf32> to vector<16xf32>
      %swap3A_1366 = vector.shape_cast %select_n3A_1360 : vector<16xf32> to vector<1x16xf32>
      tpu.vector_store %arg5[%swap3A_1362, %swap3A_1363], %swap3A_1366 {strides = array<i32>} : memref<64x16xf32, #tpu.memory_space<vmem>>, vector<1x16xf32>,
      %lt3A_1367 = arith.cmpf olt, %scan3A_966#50, %broadcast_in_dim3A_9 : vector<16xf32>
      %select_n3A_1368 = arith.select %lt3A_1367, %select_n3A_949, %broadcast_in_dim3A_3 : vector<16xi1>, vector<16xf32>
      %swap3A_1369 = arith.constant 50 : i32
      %swap3A_1370 = arith.index_cast %swap3A_1369 : i32 to index
      %swap3A_1371 = arith.constant 0 : index
      %swap3A_1372 = tpu.vector_load %arg5[%swap3A_1370, %swap3A_1371] {strides = array<i32>} : memref<64x16xf32, #tpu.memory_space<vmem>>, vector<1x16xf32>,
      %swap3A_1373 = vector.shape_cast %swap3A_1372 : vector<1x16xf32> to vector<16xf32>
      %swap3A_1374 = vector.shape_cast %select_n3A_1368 : vector<16xf32> to vector<1x16xf32>
      tpu.vector_store %arg5[%swap3A_1370, %swap3A_1371], %swap3A_1374 {strides = array<i32>} : memref<64x16xf32, #tpu.memory_space<vmem>>, vector<1x16xf32>,
      %lt3A_1375 = arith.cmpf olt, %scan3A_966#51, %broadcast_in_dim3A_9 : vector<16xf32>
      %select_n3A_1376 = arith.select %lt3A_1375, %select_n3A_950, %broadcast_in_dim3A_3 : vector<16xi1>, vector<16xf32>
      %swap3A_1377 = arith.constant 51 : i32
      %swap3A_1378 = arith.index_cast %swap3A_1377 : i32 to index
      %swap3A_1379 = arith.constant 0 : index
      %swap3A_1380 = tpu.vector_load %arg5[%swap3A_1378, %swap3A_1379] {strides = array<i32>} : memref<64x16xf32, #tpu.memory_space<vmem>>, vector<1x16xf32>,
      %swap3A_1381 = vector.shape_cast %swap3A_1380 : vector<1x16xf32> to vector<16xf32>
      %swap3A_1382 = vector.shape_cast %select_n3A_1376 : vector<16xf32> to vector<1x16xf32>
      tpu.vector_store %arg5[%swap3A_1378, %swap3A_1379], %swap3A_1382 {strides = array<i32>} : memref<64x16xf32, #tpu.memory_space<vmem>>, vector<1x16xf32>,
      %lt3A_1383 = arith.cmpf olt, %scan3A_966#52, %broadcast_in_dim3A_9 : vector<16xf32>
      %select_n3A_1384 = arith.select %lt3A_1383, %select_n3A_951, %broadcast_in_dim3A_3 : vector<16xi1>, vector<16xf32>
      %swap3A_1385 = arith.constant 52 : i32
      %swap3A_1386 = arith.index_cast %swap3A_1385 : i32 to index
      %swap3A_1387 = arith.constant 0 : index
      %swap3A_1388 = tpu.vector_load %arg5[%swap3A_1386, %swap3A_1387] {strides = array<i32>} : memref<64x16xf32, #tpu.memory_space<vmem>>, vector<1x16xf32>,
      %swap3A_1389 = vector.shape_cast %swap3A_1388 : vector<1x16xf32> to vector<16xf32>
      %swap3A_1390 = vector.shape_cast %select_n3A_1384 : vector<16xf32> to vector<1x16xf32>
      tpu.vector_store %arg5[%swap3A_1386, %swap3A_1387], %swap3A_1390 {strides = array<i32>} : memref<64x16xf32, #tpu.memory_space<vmem>>, vector<1x16xf32>,
      %lt3A_1391 = arith.cmpf olt, %scan3A_966#53, %broadcast_in_dim3A_9 : vector<16xf32>
      %select_n3A_1392 = arith.select %lt3A_1391, %select_n3A_952, %broadcast_in_dim3A_3 : vector<16xi1>, vector<16xf32>
      %swap3A_1393 = arith.constant 53 : i32
      %swap3A_1394 = arith.index_cast %swap3A_1393 : i32 to index
      %swap3A_1395 = arith.constant 0 : index
      %swap3A_1396 = tpu.vector_load %arg5[%swap3A_1394, %swap3A_1395] {strides = array<i32>} : memref<64x16xf32, #tpu.memory_space<vmem>>, vector<1x16xf32>,
      %swap3A_1397 = vector.shape_cast %swap3A_1396 : vector<1x16xf32> to vector<16xf32>
      %swap3A_1398 = vector.shape_cast %select_n3A_1392 : vector<16xf32> to vector<1x16xf32>
      tpu.vector_store %arg5[%swap3A_1394, %swap3A_1395], %swap3A_1398 {strides = array<i32>} : memref<64x16xf32, #tpu.memory_space<vmem>>, vector<1x16xf32>,
      %lt3A_1399 = arith.cmpf olt, %scan3A_966#54, %broadcast_in_dim3A_9 : vector<16xf32>
      %select_n3A_1400 = arith.select %lt3A_1399, %select_n3A_953, %broadcast_in_dim3A_3 : vector<16xi1>, vector<16xf32>
      %swap3A_1401 = arith.constant 54 : i32
      %swap3A_1402 = arith.index_cast %swap3A_1401 : i32 to index
      %swap3A_1403 = arith.constant 0 : index
      %swap3A_1404 = tpu.vector_load %arg5[%swap3A_1402, %swap3A_1403] {strides = array<i32>} : memref<64x16xf32, #tpu.memory_space<vmem>>, vector<1x16xf32>,
      %swap3A_1405 = vector.shape_cast %swap3A_1404 : vector<1x16xf32> to vector<16xf32>
      %swap3A_1406 = vector.shape_cast %select_n3A_1400 : vector<16xf32> to vector<1x16xf32>
      tpu.vector_store %arg5[%swap3A_1402, %swap3A_1403], %swap3A_1406 {strides = array<i32>} : memref<64x16xf32, #tpu.memory_space<vmem>>, vector<1x16xf32>,
      %lt3A_1407 = arith.cmpf olt, %scan3A_966#55, %broadcast_in_dim3A_9 : vector<16xf32>
      %select_n3A_1408 = arith.select %lt3A_1407, %select_n3A_954, %broadcast_in_dim3A_3 : vector<16xi1>, vector<16xf32>
      %swap3A_1409 = arith.constant 55 : i32
      %swap3A_1410 = arith.index_cast %swap3A_1409 : i32 to index
      %swap3A_1411 = arith.constant 0 : index
      %swap3A_1412 = tpu.vector_load %arg5[%swap3A_1410, %swap3A_1411] {strides = array<i32>} : memref<64x16xf32, #tpu.memory_space<vmem>>, vector<1x16xf32>,
      %swap3A_1413 = vector.shape_cast %swap3A_1412 : vector<1x16xf32> to vector<16xf32>
      %swap3A_1414 = vector.shape_cast %select_n3A_1408 : vector<16xf32> to vector<1x16xf32>
      tpu.vector_store %arg5[%swap3A_1410, %swap3A_1411], %swap3A_1414 {strides = array<i32>} : memref<64x16xf32, #tpu.memory_space<vmem>>, vector<1x16xf32>,
      %lt3A_1415 = arith.cmpf olt, %scan3A_966#56, %broadcast_in_dim3A_9 : vector<16xf32>
      %select_n3A_1416 = arith.select %lt3A_1415, %select_n3A_955, %broadcast_in_dim3A_3 : vector<16xi1>, vector<16xf32>
      %swap3A_1417 = arith.constant 56 : i32
      %swap3A_1418 = arith.index_cast %swap3A_1417 : i32 to index
      %swap3A_1419 = arith.constant 0 : index
      %swap3A_1420 = tpu.vector_load %arg5[%swap3A_1418, %swap3A_1419] {strides = array<i32>} : memref<64x16xf32, #tpu.memory_space<vmem>>, vector<1x16xf32>,
      %swap3A_1421 = vector.shape_cast %swap3A_1420 : vector<1x16xf32> to vector<16xf32>
      %swap3A_1422 = vector.shape_cast %select_n3A_1416 : vector<16xf32> to vector<1x16xf32>
      tpu.vector_store %arg5[%swap3A_1418, %swap3A_1419], %swap3A_1422 {strides = array<i32>} : memref<64x16xf32, #tpu.memory_space<vmem>>, vector<1x16xf32>,
      %lt3A_1423 = arith.cmpf olt, %scan3A_966#57, %broadcast_in_dim3A_9 : vector<16xf32>
      %select_n3A_1424 = arith.select %lt3A_1423, %select_n3A_956, %broadcast_in_dim3A_3 : vector<16xi1>, vector<16xf32>
      %swap3A_1425 = arith.constant 57 : i32
      %swap3A_1426 = arith.index_cast %swap3A_1425 : i32 to index
      %swap3A_1427 = arith.constant 0 : index
      %swap3A_1428 = tpu.vector_load %arg5[%swap3A_1426, %swap3A_1427] {strides = array<i32>} : memref<64x16xf32, #tpu.memory_space<vmem>>, vector<1x16xf32>,
      %swap3A_1429 = vector.shape_cast %swap3A_1428 : vector<1x16xf32> to vector<16xf32>
      %swap3A_1430 = vector.shape_cast %select_n3A_1424 : vector<16xf32> to vector<1x16xf32>
      tpu.vector_store %arg5[%swap3A_1426, %swap3A_1427], %swap3A_1430 {strides = array<i32>} : memref<64x16xf32, #tpu.memory_space<vmem>>, vector<1x16xf32>,
      %lt3A_1431 = arith.cmpf olt, %scan3A_966#58, %broadcast_in_dim3A_9 : vector<16xf32>
      %select_n3A_1432 = arith.select %lt3A_1431, %select_n3A_957, %broadcast_in_dim3A_3 : vector<16xi1>, vector<16xf32>
      %swap3A_1433 = arith.constant 58 : i32
      %swap3A_1434 = arith.index_cast %swap3A_1433 : i32 to index
      %swap3A_1435 = arith.constant 0 : index
      %swap3A_1436 = tpu.vector_load %arg5[%swap3A_1434, %swap3A_1435] {strides = array<i32>} : memref<64x16xf32, #tpu.memory_space<vmem>>, vector<1x16xf32>,
      %swap3A_1437 = vector.shape_cast %swap3A_1436 : vector<1x16xf32> to vector<16xf32>
      %swap3A_1438 = vector.shape_cast %select_n3A_1432 : vector<16xf32> to vector<1x16xf32>
      tpu.vector_store %arg5[%swap3A_1434, %swap3A_1435], %swap3A_1438 {strides = array<i32>} : memref<64x16xf32, #tpu.memory_space<vmem>>, vector<1x16xf32>,
      %lt3A_1439 = arith.cmpf olt, %scan3A_966#59, %broadcast_in_dim3A_9 : vector<16xf32>
      %select_n3A_1440 = arith.select %lt3A_1439, %select_n3A_958, %broadcast_in_dim3A_3 : vector<16xi1>, vector<16xf32>
      %swap3A_1441 = arith.constant 59 : i32
      %swap3A_1442 = arith.index_cast %swap3A_1441 : i32 to index
      %swap3A_1443 = arith.constant 0 : index
      %swap3A_1444 = tpu.vector_load %arg5[%swap3A_1442, %swap3A_1443] {strides = array<i32>} : memref<64x16xf32, #tpu.memory_space<vmem>>, vector<1x16xf32>,
      %swap3A_1445 = vector.shape_cast %swap3A_1444 : vector<1x16xf32> to vector<16xf32>
      %swap3A_1446 = vector.shape_cast %select_n3A_1440 : vector<16xf32> to vector<1x16xf32>
      tpu.vector_store %arg5[%swap3A_1442, %swap3A_1443], %swap3A_1446 {strides = array<i32>} : memref<64x16xf32, #tpu.memory_space<vmem>>, vector<1x16xf32>,
      %lt3A_1447 = arith.cmpf olt, %scan3A_966#60, %broadcast_in_dim3A_9 : vector<16xf32>
      %select_n3A_1448 = arith.select %lt3A_1447, %select_n3A_959, %broadcast_in_dim3A_3 : vector<16xi1>, vector<16xf32>
      %swap3A_1449 = arith.constant 60 : i32
      %swap3A_1450 = arith.index_cast %swap3A_1449 : i32 to index
      %swap3A_1451 = arith.constant 0 : index
      %swap3A_1452 = tpu.vector_load %arg5[%swap3A_1450, %swap3A_1451] {strides = array<i32>} : memref<64x16xf32, #tpu.memory_space<vmem>>, vector<1x16xf32>,
      %swap3A_1453 = vector.shape_cast %swap3A_1452 : vector<1x16xf32> to vector<16xf32>
      %swap3A_1454 = vector.shape_cast %select_n3A_1448 : vector<16xf32> to vector<1x16xf32>
      tpu.vector_store %arg5[%swap3A_1450, %swap3A_1451], %swap3A_1454 {strides = array<i32>} : memref<64x16xf32, #tpu.memory_space<vmem>>, vector<1x16xf32>,
      %lt3A_1455 = arith.cmpf olt, %scan3A_966#61, %broadcast_in_dim3A_9 : vector<16xf32>
      %select_n3A_1456 = arith.select %lt3A_1455, %select_n3A_960, %broadcast_in_dim3A_3 : vector<16xi1>, vector<16xf32>
      %swap3A_1457 = arith.constant 61 : i32
      %swap3A_1458 = arith.index_cast %swap3A_1457 : i32 to index
      %swap3A_1459 = arith.constant 0 : index
      %swap3A_1460 = tpu.vector_load %arg5[%swap3A_1458, %swap3A_1459] {strides = array<i32>} : memref<64x16xf32, #tpu.memory_space<vmem>>, vector<1x16xf32>,
      %swap3A_1461 = vector.shape_cast %swap3A_1460 : vector<1x16xf32> to vector<16xf32>
      %swap3A_1462 = vector.shape_cast %select_n3A_1456 : vector<16xf32> to vector<1x16xf32>
      tpu.vector_store %arg5[%swap3A_1458, %swap3A_1459], %swap3A_1462 {strides = array<i32>} : memref<64x16xf32, #tpu.memory_space<vmem>>, vector<1x16xf32>,
      %lt3A_1463 = arith.cmpf olt, %scan3A_966#62, %broadcast_in_dim3A_9 : vector<16xf32>
      %select_n3A_1464 = arith.select %lt3A_1463, %select_n3A_961, %broadcast_in_dim3A_3 : vector<16xi1>, vector<16xf32>
      %swap3A_1465 = arith.constant 62 : i32
      %swap3A_1466 = arith.index_cast %swap3A_1465 : i32 to index
      %swap3A_1467 = arith.constant 0 : index
      %swap3A_1468 = tpu.vector_load %arg5[%swap3A_1466, %swap3A_1467] {strides = array<i32>} : memref<64x16xf32, #tpu.memory_space<vmem>>, vector<1x16xf32>,
      %swap3A_1469 = vector.shape_cast %swap3A_1468 : vector<1x16xf32> to vector<16xf32>
      %swap3A_1470 = vector.shape_cast %select_n3A_1464 : vector<16xf32> to vector<1x16xf32>
      tpu.vector_store %arg5[%swap3A_1466, %swap3A_1467], %swap3A_1470 {strides = array<i32>} : memref<64x16xf32, #tpu.memory_space<vmem>>, vector<1x16xf32>,
      %lt3A_1471 = arith.cmpf olt, %scan3A_966#63, %broadcast_in_dim3A_9 : vector<16xf32>
      %select_n3A_1472 = arith.select %lt3A_1471, %select_n3A_962, %broadcast_in_dim3A_3 : vector<16xi1>, vector<16xf32>
      %swap3A_1473 = arith.constant 63 : i32
      %swap3A_1474 = arith.index_cast %swap3A_1473 : i32 to index
      %swap3A_1475 = arith.constant 0 : index
      %swap3A_1476 = tpu.vector_load %arg5[%swap3A_1474, %swap3A_1475] {strides = array<i32>} : memref<64x16xf32, #tpu.memory_space<vmem>>, vector<1x16xf32>,
      %swap3A_1477 = vector.shape_cast %swap3A_1476 : vector<1x16xf32> to vector<16xf32>
      %swap3A_1478 = vector.shape_cast %select_n3A_1472 : vector<16xf32> to vector<1x16xf32>
      tpu.vector_store %arg5[%swap3A_1474, %swap3A_1475], %swap3A_1478 {strides = array<i32>} : memref<64x16xf32, #tpu.memory_space<vmem>>, vector<1x16xf32>,
      "tpu.region"() ({
        %run_scoped3A = tpu.sem_alloc : memref<!tpu.dma_semaphore, #tpu.memory_space<semaphore_mem>>
        %dma_start3A = arith.constant 0 : i32
        %dma_start3A_1479 = arith.constant 0 : i32
        %dma_start3A_1480 = tpu.memref_slice %arg3[%add3A, %dma_start3A, %dma_start3A_1479] : memref<8x64x16xf32, #tpu.memory_space<hbm>> -> memref<1x64x16xf32, #tpu.memory_space<hbm>>
        %dma_start3A_1481 = tpu.memref_squeeze %dma_start3A_1480 : memref<1x64x16xf32, #tpu.memory_space<hbm>> -> memref<64x16xf32, #tpu.memory_space<hbm>>
        %dma_start3A_1482 = arith.constant 0 : i32
        %dma_start3A_1483 = arith.constant 0 : i32
        %dma_start3A_1484 = tpu.memref_slice %arg3[%add3A, %dma_start3A_1482, %dma_start3A_1483] : memref<8x64x16xf32, #tpu.memory_space<hbm>> -> memref<1x64x16xf32, #tpu.memory_space<hbm>>
        %dma_start3A_1485 = tpu.memref_squeeze %dma_start3A_1484 : memref<1x64x16xf32, #tpu.memory_space<hbm>> -> memref<64x16xf32, #tpu.memory_space<hbm>>
        tpu.enqueue_dma source(%arg5 : memref<64x16xf32, #tpu.memory_space<vmem>>) target(%dma_start3A_1485 : memref<64x16xf32, #tpu.memory_space<hbm>>) target_semaphore(%run_scoped3A : memref<!tpu.dma_semaphore, #tpu.memory_space<semaphore_mem>>)
        %dma_wait3A = arith.constant 0 : i32
        %dma_wait3A_1486 = arith.constant 0 : i32
        %dma_wait3A_1487 = tpu.memref_slice %arg3[%add3A, %dma_wait3A, %dma_wait3A_1486] : memref<8x64x16xf32, #tpu.memory_space<hbm>> -> memref<1x64x16xf32, #tpu.memory_space<hbm>>
        %dma_wait3A_1488 = tpu.memref_squeeze %dma_wait3A_1487 : memref<1x64x16xf32, #tpu.memory_space<hbm>> -> memref<64x16xf32, #tpu.memory_space<hbm>>
        %dma_wait3A_1489 = arith.constant 0 : i32
        %dma_wait3A_1490 = arith.constant 0 : i32
        %dma_wait3A_1491 = tpu.memref_slice %arg3[%add3A, %dma_wait3A_1489, %dma_wait3A_1490] : memref<8x64x16xf32, #tpu.memory_space<hbm>> -> memref<1x64x16xf32, #tpu.memory_space<hbm>>
        %dma_wait3A_1492 = tpu.memref_squeeze %dma_wait3A_1491 : memref<1x64x16xf32, #tpu.memory_space<hbm>> -> memref<64x16xf32, #tpu.memory_space<hbm>>
        tpu.wait_dma2 semaphore(%run_scoped3A : memref<!tpu.dma_semaphore, #tpu.memory_space<semaphore_mem>>) src(%arg5 : memref<64x16xf32, #tpu.memory_space<vmem>>) dst(%dma_wait3A_1492 : memref<64x16xf32, #tpu.memory_space<hbm>>)
        tpu.yield
      }) : () -> ()
    } else {
    }
    return
  }
}

module attributes {stable_mosaic.version = 14 : i64} {
  func.func @_expert_body(%arg0: i32, %arg1: memref<128x1024xf32, #tpu.memory_space<vmem>>, %arg2: memref<8x64x16xf32, #tpu.memory_space<vmem>>, %arg3: memref<128x1024xf32, #tpu.memory_space<vmem>>, %arg4: memref<2x512x1024xf32, #tpu.memory_space<vmem>>, %arg5: memref<2x512x1024xf32, #tpu.memory_space<vmem>>, %arg6: memref<2x1024x512xf32, #tpu.memory_space<vmem>>, %arg7: memref<128x1024xf32, #tpu.memory_space<vmem>>, %arg8: memref<64x128xf32, #tpu.memory_space<vmem>>) attributes {dimension_semantics = [#tpu.dimension_semantics<arbitrary>], iteration_bounds = array<i64: 32>, scalar_prefetch = 0 : i64, scratch_operands = 1 : i64, tpu.core_type = #tpu.core_type<tc>, window_params = [{pipeline_mode = #tpu.pipeline_mode<synchronous>, transform_indices = @transform_0, window_bounds = array<i64: 128, 1024>}, {pipeline_mode = #tpu.pipeline_mode<synchronous>, transform_indices = @transform_1, window_bounds = array<i64: 8, 64, 16>}, {pipeline_mode = #tpu.pipeline_mode<synchronous>, transform_indices = @transform_2, window_bounds = array<i64: 128, 1024>}, {transform_indices = @transform_3, window_bounds = array<i64: 2, 512, 1024>}, {transform_indices = @transform_4, window_bounds = array<i64: 2, 512, 1024>}, {transform_indices = @transform_5, window_bounds = array<i64: 2, 1024, 512>}, {pipeline_mode = #tpu.pipeline_mode<synchronous>, transform_indices = @transform_6, window_bounds = array<i64: 128, 1024>}]} {
    %eq3A = arith.constant 0 : i32
    %eq3A_0 = arith.cmpi eq, %arg0, %eq3A : i32
    %convert_element_type3A = arith.extui %eq3A_0 : i1 to i32
    %cond3A = arith.constant 0 : i32
    %cond3A_1 = arith.cmpi ne, %convert_element_type3A, %cond3A : i32
    scf.if %cond3A_1 {
      %get3A_104 = arith.constant 0 : index
      %get3A_105 = arith.constant 0 : index
      %get3A_106 = arith.constant 0 : index
      %get3A_107 = vector.load %arg2[%get3A_104, %get3A_105, %get3A_106] : memref<8x64x16xf32, #tpu.memory_space<vmem>>, vector<1x64x16xf32>
      %get3A_108 = vector.shape_cast %get3A_107 : vector<1x64x16xf32> to vector<64x16xf32>
      %swap3A = arith.constant 0 : index
      %swap3A_109 = arith.constant 0 : index
      %swap3A_110 = vector.load %arg8[%swap3A, %swap3A_109] : memref<64x128xf32, #tpu.memory_space<vmem>>, vector<64x16xf32>
      tpu.vector_store %arg8[%swap3A, %swap3A_109], %get3A_108 {strides = array<i32>} : memref<64x128xf32, #tpu.memory_space<vmem>>, vector<64x16xf32>,
      %get3A_111 = arith.constant 1 : index
      %get3A_112 = arith.constant 0 : index
      %get3A_113 = arith.constant 0 : index
      %get3A_114 = vector.load %arg2[%get3A_111, %get3A_112, %get3A_113] : memref<8x64x16xf32, #tpu.memory_space<vmem>>, vector<1x64x16xf32>
      %get3A_115 = vector.shape_cast %get3A_114 : vector<1x64x16xf32> to vector<64x16xf32>
      %swap3A_116 = arith.constant 0 : index
      %swap3A_117 = arith.constant 16 : index
      %swap3A_118 = vector.load %arg8[%swap3A_116, %swap3A_117] : memref<64x128xf32, #tpu.memory_space<vmem>>, vector<64x16xf32>
      tpu.vector_store %arg8[%swap3A_116, %swap3A_117], %get3A_115 {strides = array<i32>} : memref<64x128xf32, #tpu.memory_space<vmem>>, vector<64x16xf32>,
      %get3A_119 = arith.constant 2 : index
      %get3A_120 = arith.constant 0 : index
      %get3A_121 = arith.constant 0 : index
      %get3A_122 = vector.load %arg2[%get3A_119, %get3A_120, %get3A_121] : memref<8x64x16xf32, #tpu.memory_space<vmem>>, vector<1x64x16xf32>
      %get3A_123 = vector.shape_cast %get3A_122 : vector<1x64x16xf32> to vector<64x16xf32>
      %swap3A_124 = arith.constant 0 : index
      %swap3A_125 = arith.constant 32 : index
      %swap3A_126 = vector.load %arg8[%swap3A_124, %swap3A_125] : memref<64x128xf32, #tpu.memory_space<vmem>>, vector<64x16xf32>
      tpu.vector_store %arg8[%swap3A_124, %swap3A_125], %get3A_123 {strides = array<i32>} : memref<64x128xf32, #tpu.memory_space<vmem>>, vector<64x16xf32>,
      %get3A_127 = arith.constant 3 : index
      %get3A_128 = arith.constant 0 : index
      %get3A_129 = arith.constant 0 : index
      %get3A_130 = vector.load %arg2[%get3A_127, %get3A_128, %get3A_129] : memref<8x64x16xf32, #tpu.memory_space<vmem>>, vector<1x64x16xf32>
      %get3A_131 = vector.shape_cast %get3A_130 : vector<1x64x16xf32> to vector<64x16xf32>
      %swap3A_132 = arith.constant 0 : index
      %swap3A_133 = arith.constant 48 : index
      %swap3A_134 = vector.load %arg8[%swap3A_132, %swap3A_133] : memref<64x128xf32, #tpu.memory_space<vmem>>, vector<64x16xf32>
      tpu.vector_store %arg8[%swap3A_132, %swap3A_133], %get3A_131 {strides = array<i32>} : memref<64x128xf32, #tpu.memory_space<vmem>>, vector<64x16xf32>,
      %get3A_135 = arith.constant 4 : index
      %get3A_136 = arith.constant 0 : index
      %get3A_137 = arith.constant 0 : index
      %get3A_138 = vector.load %arg2[%get3A_135, %get3A_136, %get3A_137] : memref<8x64x16xf32, #tpu.memory_space<vmem>>, vector<1x64x16xf32>
      %get3A_139 = vector.shape_cast %get3A_138 : vector<1x64x16xf32> to vector<64x16xf32>
      %swap3A_140 = arith.constant 0 : index
      %swap3A_141 = arith.constant 64 : index
      %swap3A_142 = vector.load %arg8[%swap3A_140, %swap3A_141] : memref<64x128xf32, #tpu.memory_space<vmem>>, vector<64x16xf32>
      tpu.vector_store %arg8[%swap3A_140, %swap3A_141], %get3A_139 {strides = array<i32>} : memref<64x128xf32, #tpu.memory_space<vmem>>, vector<64x16xf32>,
      %get3A_143 = arith.constant 5 : index
      %get3A_144 = arith.constant 0 : index
      %get3A_145 = arith.constant 0 : index
      %get3A_146 = vector.load %arg2[%get3A_143, %get3A_144, %get3A_145] : memref<8x64x16xf32, #tpu.memory_space<vmem>>, vector<1x64x16xf32>
      %get3A_147 = vector.shape_cast %get3A_146 : vector<1x64x16xf32> to vector<64x16xf32>
      %swap3A_148 = arith.constant 0 : index
      %swap3A_149 = arith.constant 80 : index
      %swap3A_150 = vector.load %arg8[%swap3A_148, %swap3A_149] : memref<64x128xf32, #tpu.memory_space<vmem>>, vector<64x16xf32>
      tpu.vector_store %arg8[%swap3A_148, %swap3A_149], %get3A_147 {strides = array<i32>} : memref<64x128xf32, #tpu.memory_space<vmem>>, vector<64x16xf32>,
      %get3A_151 = arith.constant 6 : index
      %get3A_152 = arith.constant 0 : index
      %get3A_153 = arith.constant 0 : index
      %get3A_154 = vector.load %arg2[%get3A_151, %get3A_152, %get3A_153] : memref<8x64x16xf32, #tpu.memory_space<vmem>>, vector<1x64x16xf32>
      %get3A_155 = vector.shape_cast %get3A_154 : vector<1x64x16xf32> to vector<64x16xf32>
      %swap3A_156 = arith.constant 0 : index
      %swap3A_157 = arith.constant 96 : index
      %swap3A_158 = vector.load %arg8[%swap3A_156, %swap3A_157] : memref<64x128xf32, #tpu.memory_space<vmem>>, vector<64x16xf32>
      tpu.vector_store %arg8[%swap3A_156, %swap3A_157], %get3A_155 {strides = array<i32>} : memref<64x128xf32, #tpu.memory_space<vmem>>, vector<64x16xf32>,
      %get3A_159 = arith.constant 7 : index
      %get3A_160 = arith.constant 0 : index
      %get3A_161 = arith.constant 0 : index
      %get3A_162 = vector.load %arg2[%get3A_159, %get3A_160, %get3A_161] : memref<8x64x16xf32, #tpu.memory_space<vmem>>, vector<1x64x16xf32>
      %get3A_163 = vector.shape_cast %get3A_162 : vector<1x64x16xf32> to vector<64x16xf32>
      %swap3A_164 = arith.constant 0 : index
      %swap3A_165 = arith.constant 112 : index
      %swap3A_166 = vector.load %arg8[%swap3A_164, %swap3A_165] : memref<64x128xf32, #tpu.memory_space<vmem>>, vector<64x16xf32>
      tpu.vector_store %arg8[%swap3A_164, %swap3A_165], %get3A_163 {strides = array<i32>} : memref<64x128xf32, #tpu.memory_space<vmem>>, vector<64x16xf32>,
    } else {
    }
    %get3A = arith.constant 0 : index
    %get3A_2 = arith.constant 0 : index
    %get3A_3 = vector.load %arg1[%get3A, %get3A_2] : memref<128x1024xf32, #tpu.memory_space<vmem>>, vector<128x1024xf32>
    %convert_element_type3A_4 = arith.truncf %get3A_3 : vector<128x1024xf32> to vector<128x1024xbf16>
    %get3A_5 = arith.constant 0 : index
    %get3A_6 = arith.constant 0 : index
    %get3A_7 = vector.load %arg8[%get3A_5, %get3A_6] : memref<64x128xf32, #tpu.memory_space<vmem>>, vector<64x128xf32>
    %iota3A = tpu.iota {dimensions = array<i32: 0>} : vector<64x1xi32>
    %mul3A = arith.constant 2 : i32
    %mul3A_8 = arith.muli %arg0, %mul3A : i32
    %add3A = arith.constant 0 : i32
    %add3A_9 = arith.addi %mul3A_8, %add3A : i32
    %get3A_10 = arith.constant 0 : index
    %get3A_11 = arith.constant 0 : index
    %get3A_12 = arith.constant 0 : index
    %get3A_13 = vector.load %arg4[%get3A_10, %get3A_11, %get3A_12] : memref<2x512x1024xf32, #tpu.memory_space<vmem>>, vector<1x512x1024xf32>
    %get3A_14 = vector.shape_cast %get3A_13 : vector<1x512x1024xf32> to vector<512x1024xf32>
    %convert_element_type3A_15 = arith.truncf %get3A_14 : vector<512x1024xf32> to vector<512x1024xbf16>
    %dot_general3A = arith.constant dense<0.000000e+00> : vector<128x512xf32>
    %dot_general3A_16 = tpu.matmul %convert_element_type3A_4, %convert_element_type3A_15, %dot_general3A {dimension_numbers = #tpu.dot_dimension_numbers<[1], [1], [0], [0], [0, 0, 1, 0], [], []>, transpose_lhs_hint = false} : vector<128x1024xbf16>, vector<512x1024xbf16>, vector<128x512xf32> -> vector<128x512xf32>
    %get3A_17 = arith.constant 0 : index
    %get3A_18 = arith.constant 0 : index
    %get3A_19 = arith.constant 0 : index
    %get3A_20 = vector.load %arg5[%get3A_17, %get3A_18, %get3A_19] : memref<2x512x1024xf32, #tpu.memory_space<vmem>>, vector<1x512x1024xf32>
    %get3A_21 = vector.shape_cast %get3A_20 : vector<1x512x1024xf32> to vector<512x1024xf32>
    %convert_element_type3A_22 = arith.truncf %get3A_21 : vector<512x1024xf32> to vector<512x1024xbf16>
    %dot_general3A_23 = arith.constant dense<0.000000e+00> : vector<128x512xf32>
    %dot_general3A_24 = tpu.matmul %convert_element_type3A_4, %convert_element_type3A_22, %dot_general3A_23 {dimension_numbers = #tpu.dot_dimension_numbers<[1], [1], [0], [0], [0, 0, 1, 0], [], []>, transpose_lhs_hint = false} : vector<128x1024xbf16>, vector<512x1024xbf16>, vector<128x512xf32> -> vector<128x512xf32>
    %logistic3A = arith.negf %dot_general3A_16 : vector<128x512xf32>
    %logistic3A_25 = math.exp %logistic3A : vector<128x512xf32>
    %logistic3A_26 = arith.constant 1.000000e+00 : f32
    %logistic3A_27 = vector.broadcast %logistic3A_26 : f32 to vector<128x512xf32>
    %logistic3A_28 = arith.addf %logistic3A_27, %logistic3A_25 : vector<128x512xf32>
    %logistic3A_29 = arith.divf %logistic3A_27, %logistic3A_28 : vector<128x512xf32>
    %mul3A_30 = arith.mulf %dot_general3A_16, %logistic3A_29 : vector<128x512xf32>
    %mul3A_31 = arith.mulf %mul3A_30, %dot_general3A_24 : vector<128x512xf32>
    %eq3A_32 = vector.broadcast %add3A_9 : i32 to vector<64x1xi32>
    %eq3A_33 = arith.cmpi eq, %iota3A, %eq3A_32 : vector<64x1xi32>
    %convert_element_type3A_34 = arith.extui %eq3A_33 : vector<64x1xi1> to vector<64x1xi32>
    %convert_element_type3A_35 = arith.sitofp %convert_element_type3A_34 : vector<64x1xi32> to vector<64x1xf32>
    %dot_general3A_36 = arith.constant dense<0.000000e+00> : vector<128x1xf32>
    %dot_general3A_37 = tpu.matmul %get3A_7, %convert_element_type3A_35, %dot_general3A_36 {dimension_numbers = #tpu.dot_dimension_numbers<[0], [0], [1], [1], [0, 1, 1, 1], [], []>, transpose_lhs_hint = false} : vector<64x128xf32>, vector<64x1xf32>, vector<128x1xf32> -> vector<128x1xf32>
    %mul3A_38 = vector.broadcast %dot_general3A_37 : vector<128x1xf32> to vector<128x512xf32>
    %mul3A_39 = arith.mulf %mul3A_31, %mul3A_38 : vector<128x512xf32>
    %convert_element_type3A_40 = arith.truncf %mul3A_39 : vector<128x512xf32> to vector<128x512xbf16>
    %get3A_41 = arith.constant 0 : index
    %get3A_42 = arith.constant 0 : index
    %get3A_43 = arith.constant 0 : index
    %get3A_44 = vector.load %arg6[%get3A_41, %get3A_42, %get3A_43] : memref<2x1024x512xf32, #tpu.memory_space<vmem>>, vector<1x1024x512xf32>
    %get3A_45 = vector.shape_cast %get3A_44 : vector<1x1024x512xf32> to vector<1024x512xf32>
    %convert_element_type3A_46 = arith.truncf %get3A_45 : vector<1024x512xf32> to vector<1024x512xbf16>
    %dot_general3A_47 = arith.constant dense<0.000000e+00> : vector<128x1024xf32>
    %dot_general3A_48 = tpu.matmul %convert_element_type3A_40, %convert_element_type3A_46, %dot_general3A_47 {dimension_numbers = #tpu.dot_dimension_numbers<[1], [1], [0], [0], [0, 0, 1, 0], [], []>, transpose_lhs_hint = false} : vector<128x512xbf16>, vector<1024x512xbf16>, vector<128x1024xf32> -> vector<128x1024xf32>
    %mul3A_49 = arith.constant 2 : i32
    %mul3A_50 = arith.muli %arg0, %mul3A_49 : i32
    %add3A_51 = arith.constant 1 : i32
    %add3A_52 = arith.addi %mul3A_50, %add3A_51 : i32
    %get3A_53 = arith.constant 1 : index
    %get3A_54 = arith.constant 0 : index
    %get3A_55 = arith.constant 0 : index
    %get3A_56 = vector.load %arg4[%get3A_53, %get3A_54, %get3A_55] : memref<2x512x1024xf32, #tpu.memory_space<vmem>>, vector<1x512x1024xf32>
    %get3A_57 = vector.shape_cast %get3A_56 : vector<1x512x1024xf32> to vector<512x1024xf32>
    %convert_element_type3A_58 = arith.truncf %get3A_57 : vector<512x1024xf32> to vector<512x1024xbf16>
    %dot_general3A_59 = arith.constant dense<0.000000e+00> : vector<128x512xf32>
    %dot_general3A_60 = tpu.matmul %convert_element_type3A_4, %convert_element_type3A_58, %dot_general3A_59 {dimension_numbers = #tpu.dot_dimension_numbers<[1], [1], [0], [0], [0, 0, 1, 0], [], []>, transpose_lhs_hint = false} : vector<128x1024xbf16>, vector<512x1024xbf16>, vector<128x512xf32> -> vector<128x512xf32>
    %get3A_61 = arith.constant 1 : index
    %get3A_62 = arith.constant 0 : index
    %get3A_63 = arith.constant 0 : index
    %get3A_64 = vector.load %arg5[%get3A_61, %get3A_62, %get3A_63] : memref<2x512x1024xf32, #tpu.memory_space<vmem>>, vector<1x512x1024xf32>
    %get3A_65 = vector.shape_cast %get3A_64 : vector<1x512x1024xf32> to vector<512x1024xf32>
    %convert_element_type3A_66 = arith.truncf %get3A_65 : vector<512x1024xf32> to vector<512x1024xbf16>
    %dot_general3A_67 = arith.constant dense<0.000000e+00> : vector<128x512xf32>
    %dot_general3A_68 = tpu.matmul %convert_element_type3A_4, %convert_element_type3A_66, %dot_general3A_67 {dimension_numbers = #tpu.dot_dimension_numbers<[1], [1], [0], [0], [0, 0, 1, 0], [], []>, transpose_lhs_hint = false} : vector<128x1024xbf16>, vector<512x1024xbf16>, vector<128x512xf32> -> vector<128x512xf32>
    %logistic3A_69 = arith.negf %dot_general3A_60 : vector<128x512xf32>
    %logistic3A_70 = math.exp %logistic3A_69 : vector<128x512xf32>
    %logistic3A_71 = arith.constant 1.000000e+00 : f32
    %logistic3A_72 = vector.broadcast %logistic3A_71 : f32 to vector<128x512xf32>
    %logistic3A_73 = arith.addf %logistic3A_72, %logistic3A_70 : vector<128x512xf32>
    %logistic3A_74 = arith.divf %logistic3A_72, %logistic3A_73 : vector<128x512xf32>
    %mul3A_75 = arith.mulf %dot_general3A_60, %logistic3A_74 : vector<128x512xf32>
    %mul3A_76 = arith.mulf %mul3A_75, %dot_general3A_68 : vector<128x512xf32>
    %eq3A_77 = vector.broadcast %add3A_52 : i32 to vector<64x1xi32>
    %eq3A_78 = arith.cmpi eq, %iota3A, %eq3A_77 : vector<64x1xi32>
    %convert_element_type3A_79 = arith.extui %eq3A_78 : vector<64x1xi1> to vector<64x1xi32>
    %convert_element_type3A_80 = arith.sitofp %convert_element_type3A_79 : vector<64x1xi32> to vector<64x1xf32>
    %dot_general3A_81 = arith.constant dense<0.000000e+00> : vector<128x1xf32>
    %dot_general3A_82 = tpu.matmul %get3A_7, %convert_element_type3A_80, %dot_general3A_81 {dimension_numbers = #tpu.dot_dimension_numbers<[0], [0], [1], [1], [0, 1, 1, 1], [], []>, transpose_lhs_hint = false} : vector<64x128xf32>, vector<64x1xf32>, vector<128x1xf32> -> vector<128x1xf32>
    %mul3A_83 = vector.broadcast %dot_general3A_82 : vector<128x1xf32> to vector<128x512xf32>
    %mul3A_84 = arith.mulf %mul3A_76, %mul3A_83 : vector<128x512xf32>
    %convert_element_type3A_85 = arith.truncf %mul3A_84 : vector<128x512xf32> to vector<128x512xbf16>
    %get3A_86 = arith.constant 1 : index
    %get3A_87 = arith.constant 0 : index
    %get3A_88 = arith.constant 0 : index
    %get3A_89 = vector.load %arg6[%get3A_86, %get3A_87, %get3A_88] : memref<2x1024x512xf32, #tpu.memory_space<vmem>>, vector<1x1024x512xf32>
    %get3A_90 = vector.shape_cast %get3A_89 : vector<1x1024x512xf32> to vector<1024x512xf32>
    %convert_element_type3A_91 = arith.truncf %get3A_90 : vector<1024x512xf32> to vector<1024x512xbf16>
    %dot_general3A_92 = arith.constant dense<0.000000e+00> : vector<128x1024xf32>
    %dot_general3A_93 = tpu.matmul %convert_element_type3A_85, %convert_element_type3A_91, %dot_general3A_92 {dimension_numbers = #tpu.dot_dimension_numbers<[1], [1], [0], [0], [0, 0, 1, 0], [], []>, transpose_lhs_hint = false} : vector<128x512xbf16>, vector<1024x512xbf16>, vector<128x1024xf32> -> vector<128x1024xf32>
    %add3A_94 = arith.addf %dot_general3A_48, %dot_general3A_93 : vector<128x1024xf32>
    %eq3A_95 = arith.constant 0 : i32
    %eq3A_96 = arith.cmpi eq, %arg0, %eq3A_95 : i32
    %convert_element_type3A_97 = arith.extui %eq3A_96 : i1 to i32
    %cond3A_98 = arith.constant 0 : i32
    %cond3A_99 = arith.cmpi ne, %convert_element_type3A_97, %cond3A_98 : i32
    scf.if %cond3A_99 {
      %get3A_104 = arith.constant 0 : index
      %get3A_105 = arith.constant 0 : index
      %get3A_106 = vector.load %arg3[%get3A_104, %get3A_105] : memref<128x1024xf32, #tpu.memory_space<vmem>>, vector<128x1024xf32>
      %add3A_107 = arith.addf %get3A_106, %add3A_94 : vector<128x1024xf32>
      %swap3A = arith.constant 0 : index
      %swap3A_108 = arith.constant 0 : index
      %swap3A_109 = vector.load %arg7[%swap3A, %swap3A_108] : memref<128x1024xf32, #tpu.memory_space<vmem>>, vector<128x1024xf32>
      tpu.vector_store %arg7[%swap3A, %swap3A_108], %add3A_107 {strides = array<i32>} : memref<128x1024xf32, #tpu.memory_space<vmem>>, vector<128x1024xf32>,
    } else {
    }
    %gt3A = arith.constant 0 : i32
    %gt3A_100 = arith.cmpi sgt, %arg0, %gt3A : i32
    %convert_element_type3A_101 = arith.extui %gt3A_100 : i1 to i32
    %cond3A_102 = arith.constant 0 : i32
    %cond3A_103 = arith.cmpi ne, %convert_element_type3A_101, %cond3A_102 : i32
    scf.if %cond3A_103 {
      %get3A_104 = arith.constant 0 : index
      %get3A_105 = arith.constant 0 : index
      %get3A_106 = vector.load %arg7[%get3A_104, %get3A_105] : memref<128x1024xf32, #tpu.memory_space<vmem>>, vector<128x1024xf32>
      %add3A_107 = arith.addf %get3A_106, %add3A_94 : vector<128x1024xf32>
      %swap3A = arith.constant 0 : index
      %swap3A_108 = arith.constant 0 : index
      %swap3A_109 = vector.load %arg7[%swap3A, %swap3A_108] : memref<128x1024xf32, #tpu.memory_space<vmem>>, vector<128x1024xf32>
      tpu.vector_store %arg7[%swap3A, %swap3A_108], %add3A_107 {strides = array<i32>} : memref<128x1024xf32, #tpu.memory_space<vmem>>, vector<128x1024xf32>,
    } else {
    }
    return
  }
  func.func @transform_0(%arg0: i32) -> (i32, i32) {
    %c0_i32 = arith.constant 0 : i32
    %c0_i32_0 = arith.constant 0 : i32
    %c0_i32_1 = arith.constant 0 : i32
    return %c0_i32, %c0_i32_0 : i32, i32
  }
  func.func @transform_1(%arg0: i32) -> (i32, i32, i32) {
    %c0_i32 = arith.constant 0 : i32
    %c0_i32_0 = arith.constant 0 : i32
    %c0_i32_1 = arith.constant 0 : i32
    %c0_i32_2 = arith.constant 0 : i32
    return %c0_i32, %c0_i32_0, %c0_i32_1 : i32, i32, i32
  }
  func.func @transform_2(%arg0: i32) -> (i32, i32) {
    %c0_i32 = arith.constant 0 : i32
    %c0_i32_0 = arith.constant 0 : i32
    %c0_i32_1 = arith.constant 0 : i32
    return %c0_i32, %c0_i32_0 : i32, i32
  }
  func.func @transform_3(%arg0: i32) -> (i32, i32, i32) {
    %c0_i32 = arith.constant 0 : i32
    %c0_i32_0 = arith.constant 0 : i32
    %c0_i32_1 = arith.constant 0 : i32
    return %arg0, %c0_i32, %c0_i32_0 : i32, i32, i32
  }
  func.func @transform_4(%arg0: i32) -> (i32, i32, i32) {
    %c1_i32 = arith.constant 1 : i32
    %c0_i32 = arith.constant 0 : i32
    %c0_i32_0 = arith.constant 0 : i32
    return %arg0, %c1_i32, %c0_i32 : i32, i32, i32
  }
  func.func @transform_5(%arg0: i32) -> (i32, i32, i32) {
    %c0_i32 = arith.constant 0 : i32
    %c0_i32_0 = arith.constant 0 : i32
    %c0_i32_1 = arith.constant 0 : i32
    return %arg0, %c0_i32, %c0_i32_0 : i32, i32, i32
  }
  func.func @transform_6(%arg0: i32) -> (i32, i32) {
    %c0_i32 = arith.constant 0 : i32
    %c0_i32_0 = arith.constant 0 : i32
    %c0_i32_1 = arith.constant 0 : i32
    return %c0_i32, %c0_i32_0 : i32, i32
  }
}

module attributes {stable_mosaic.version = 14 : i64} {
  func.func @_logits_body(%arg0: memref<128x1024xf32, #tpu.memory_space<vmem>>, %arg1: memref<64x1024xf32, #tpu.memory_space<vmem>>, %arg2: memref<8x64x16xf32, #tpu.memory_space<vmem>>) attributes {dimension_semantics = [], scalar_prefetch = 0 : i64, scratch_operands = 0 : i64, tpu.core_type = #tpu.core_type<tc>} {
    %get3A = arith.constant 0 : index
    %get3A_0 = arith.constant 0 : index
    %get3A_1 = vector.load %arg1[%get3A, %get3A_0] : memref<64x1024xf32, #tpu.memory_space<vmem>>, vector<64x1024xf32>
    %get3A_2 = arith.constant 0 : index
    %get3A_3 = arith.constant 0 : index
    %get3A_4 = vector.load %arg0[%get3A_2, %get3A_3] : memref<128x1024xf32, #tpu.memory_space<vmem>>, vector<128x1024xf32>
    %dot_general3A = arith.constant dense<0.000000e+00> : vector<64x128xf32>
    %dot_general3A_5 = tpu.matmul %get3A_1, %get3A_4, %dot_general3A {dimension_numbers = #tpu.dot_dimension_numbers<[1], [1], [0], [0], [0, 0, 1, 0], [], []>, transpose_lhs_hint = false} : vector<64x1024xf32>, vector<128x1024xf32>, vector<64x128xf32> -> vector<64x128xf32>
    %slice3A = vector.extract_strided_slice %dot_general3A_5 {offsets = [0, 0], sizes = [64, 16], strides = [1, 1]} : vector<64x128xf32> to vector<64x16xf32>
    %swap3A = arith.constant 0 : index
    %swap3A_6 = arith.constant 0 : index
    %swap3A_7 = arith.constant 0 : index
    %swap3A_8 = vector.load %arg2[%swap3A, %swap3A_6, %swap3A_7] : memref<8x64x16xf32, #tpu.memory_space<vmem>>, vector<1x64x16xf32>
    %swap3A_9 = vector.shape_cast %swap3A_8 : vector<1x64x16xf32> to vector<64x16xf32>
    %swap3A_10 = vector.shape_cast %slice3A : vector<64x16xf32> to vector<1x64x16xf32>
    tpu.vector_store %arg2[%swap3A, %swap3A_6, %swap3A_7], %swap3A_10 {strides = array<i32>} : memref<8x64x16xf32, #tpu.memory_space<vmem>>, vector<1x64x16xf32>,
    %slice3A_11 = vector.extract_strided_slice %dot_general3A_5 {offsets = [0, 16], sizes = [64, 16], strides = [1, 1]} : vector<64x128xf32> to vector<64x16xf32>
    %swap3A_12 = arith.constant 1 : index
    %swap3A_13 = arith.constant 0 : index
    %swap3A_14 = arith.constant 0 : index
    %swap3A_15 = vector.load %arg2[%swap3A_12, %swap3A_13, %swap3A_14] : memref<8x64x16xf32, #tpu.memory_space<vmem>>, vector<1x64x16xf32>
    %swap3A_16 = vector.shape_cast %swap3A_15 : vector<1x64x16xf32> to vector<64x16xf32>
    %swap3A_17 = vector.shape_cast %slice3A_11 : vector<64x16xf32> to vector<1x64x16xf32>
    tpu.vector_store %arg2[%swap3A_12, %swap3A_13, %swap3A_14], %swap3A_17 {strides = array<i32>} : memref<8x64x16xf32, #tpu.memory_space<vmem>>, vector<1x64x16xf32>,
    %slice3A_18 = vector.extract_strided_slice %dot_general3A_5 {offsets = [0, 32], sizes = [64, 16], strides = [1, 1]} : vector<64x128xf32> to vector<64x16xf32>
    %swap3A_19 = arith.constant 2 : index
    %swap3A_20 = arith.constant 0 : index
    %swap3A_21 = arith.constant 0 : index
    %swap3A_22 = vector.load %arg2[%swap3A_19, %swap3A_20, %swap3A_21] : memref<8x64x16xf32, #tpu.memory_space<vmem>>, vector<1x64x16xf32>
    %swap3A_23 = vector.shape_cast %swap3A_22 : vector<1x64x16xf32> to vector<64x16xf32>
    %swap3A_24 = vector.shape_cast %slice3A_18 : vector<64x16xf32> to vector<1x64x16xf32>
    tpu.vector_store %arg2[%swap3A_19, %swap3A_20, %swap3A_21], %swap3A_24 {strides = array<i32>} : memref<8x64x16xf32, #tpu.memory_space<vmem>>, vector<1x64x16xf32>,
    %slice3A_25 = vector.extract_strided_slice %dot_general3A_5 {offsets = [0, 48], sizes = [64, 16], strides = [1, 1]} : vector<64x128xf32> to vector<64x16xf32>
    %swap3A_26 = arith.constant 3 : index
    %swap3A_27 = arith.constant 0 : index
    %swap3A_28 = arith.constant 0 : index
    %swap3A_29 = vector.load %arg2[%swap3A_26, %swap3A_27, %swap3A_28] : memref<8x64x16xf32, #tpu.memory_space<vmem>>, vector<1x64x16xf32>
    %swap3A_30 = vector.shape_cast %swap3A_29 : vector<1x64x16xf32> to vector<64x16xf32>
    %swap3A_31 = vector.shape_cast %slice3A_25 : vector<64x16xf32> to vector<1x64x16xf32>
    tpu.vector_store %arg2[%swap3A_26, %swap3A_27, %swap3A_28], %swap3A_31 {strides = array<i32>} : memref<8x64x16xf32, #tpu.memory_space<vmem>>, vector<1x64x16xf32>,
    %slice3A_32 = vector.extract_strided_slice %dot_general3A_5 {offsets = [0, 64], sizes = [64, 16], strides = [1, 1]} : vector<64x128xf32> to vector<64x16xf32>
    %swap3A_33 = arith.constant 4 : index
    %swap3A_34 = arith.constant 0 : index
    %swap3A_35 = arith.constant 0 : index
    %swap3A_36 = vector.load %arg2[%swap3A_33, %swap3A_34, %swap3A_35] : memref<8x64x16xf32, #tpu.memory_space<vmem>>, vector<1x64x16xf32>
    %swap3A_37 = vector.shape_cast %swap3A_36 : vector<1x64x16xf32> to vector<64x16xf32>
    %swap3A_38 = vector.shape_cast %slice3A_32 : vector<64x16xf32> to vector<1x64x16xf32>
    tpu.vector_store %arg2[%swap3A_33, %swap3A_34, %swap3A_35], %swap3A_38 {strides = array<i32>} : memref<8x64x16xf32, #tpu.memory_space<vmem>>, vector<1x64x16xf32>,
    %slice3A_39 = vector.extract_strided_slice %dot_general3A_5 {offsets = [0, 80], sizes = [64, 16], strides = [1, 1]} : vector<64x128xf32> to vector<64x16xf32>
    %swap3A_40 = arith.constant 5 : index
    %swap3A_41 = arith.constant 0 : index
    %swap3A_42 = arith.constant 0 : index
    %swap3A_43 = vector.load %arg2[%swap3A_40, %swap3A_41, %swap3A_42] : memref<8x64x16xf32, #tpu.memory_space<vmem>>, vector<1x64x16xf32>
    %swap3A_44 = vector.shape_cast %swap3A_43 : vector<1x64x16xf32> to vector<64x16xf32>
    %swap3A_45 = vector.shape_cast %slice3A_39 : vector<64x16xf32> to vector<1x64x16xf32>
    tpu.vector_store %arg2[%swap3A_40, %swap3A_41, %swap3A_42], %swap3A_45 {strides = array<i32>} : memref<8x64x16xf32, #tpu.memory_space<vmem>>, vector<1x64x16xf32>,
    %slice3A_46 = vector.extract_strided_slice %dot_general3A_5 {offsets = [0, 96], sizes = [64, 16], strides = [1, 1]} : vector<64x128xf32> to vector<64x16xf32>
    %swap3A_47 = arith.constant 6 : index
    %swap3A_48 = arith.constant 0 : index
    %swap3A_49 = arith.constant 0 : index
    %swap3A_50 = vector.load %arg2[%swap3A_47, %swap3A_48, %swap3A_49] : memref<8x64x16xf32, #tpu.memory_space<vmem>>, vector<1x64x16xf32>
    %swap3A_51 = vector.shape_cast %swap3A_50 : vector<1x64x16xf32> to vector<64x16xf32>
    %swap3A_52 = vector.shape_cast %slice3A_46 : vector<64x16xf32> to vector<1x64x16xf32>
    tpu.vector_store %arg2[%swap3A_47, %swap3A_48, %swap3A_49], %swap3A_52 {strides = array<i32>} : memref<8x64x16xf32, #tpu.memory_space<vmem>>, vector<1x64x16xf32>,
    %slice3A_53 = vector.extract_strided_slice %dot_general3A_5 {offsets = [0, 112], sizes = [64, 16], strides = [1, 1]} : vector<64x128xf32> to vector<64x16xf32>
    %swap3A_54 = arith.constant 7 : index
    %swap3A_55 = arith.constant 0 : index
    %swap3A_56 = arith.constant 0 : index
    %swap3A_57 = vector.load %arg2[%swap3A_54, %swap3A_55, %swap3A_56] : memref<8x64x16xf32, #tpu.memory_space<vmem>>, vector<1x64x16xf32>
    %swap3A_58 = vector.shape_cast %swap3A_57 : vector<1x64x16xf32> to vector<64x16xf32>
    %swap3A_59 = vector.shape_cast %slice3A_53 : vector<64x16xf32> to vector<1x64x16xf32>
    tpu.vector_store %arg2[%swap3A_54, %swap3A_55, %swap3A_56], %swap3A_59 {strides = array<i32>} : memref<8x64x16xf32, #tpu.memory_space<vmem>>, vector<1x64x16xf32>,
    return
  }
}

module attributes {stable_mosaic.version = 14 : i64} {
  func.func @_shared_body(%arg0: memref<128x1024xf32, #tpu.memory_space<vmem>>, %arg1: memref<2048x1024xf32, #tpu.memory_space<vmem>>, %arg2: memref<1024x1024xf32, #tpu.memory_space<vmem>>, %arg3: memref<128x1024xf32, #tpu.memory_space<vmem>>) attributes {dimension_semantics = [], scalar_prefetch = 0 : i64, scratch_operands = 0 : i64, tpu.core_type = #tpu.core_type<tc>} {
    %get3A = arith.constant 0 : index
    %get3A_0 = arith.constant 0 : index
    %get3A_1 = vector.load %arg0[%get3A, %get3A_0] : memref<128x1024xf32, #tpu.memory_space<vmem>>, vector<128x1024xf32>
    %convert_element_type3A = arith.truncf %get3A_1 : vector<128x1024xf32> to vector<128x1024xbf16>
    %get3A_2 = arith.constant 0 : index
    %get3A_3 = arith.constant 0 : index
    %get3A_4 = vector.load %arg1[%get3A_2, %get3A_3] : memref<2048x1024xf32, #tpu.memory_space<vmem>>, vector<2048x1024xf32>
    %convert_element_type3A_5 = arith.truncf %get3A_4 : vector<2048x1024xf32> to vector<2048x1024xbf16>
    %dot_general3A = arith.constant dense<0.000000e+00> : vector<128x2048xf32>
    %dot_general3A_6 = tpu.matmul %convert_element_type3A, %convert_element_type3A_5, %dot_general3A {dimension_numbers = #tpu.dot_dimension_numbers<[1], [1], [0], [0], [0, 0, 1, 0], [], []>, transpose_lhs_hint = false} : vector<128x1024xbf16>, vector<2048x1024xbf16>, vector<128x2048xf32> -> vector<128x2048xf32>
    %slice3A = vector.extract_strided_slice %dot_general3A_6 {offsets = [0, 0], sizes = [128, 1024], strides = [1, 1]} : vector<128x2048xf32> to vector<128x1024xf32>
    %logistic3A = arith.negf %slice3A : vector<128x1024xf32>
    %logistic3A_7 = math.exp %logistic3A : vector<128x1024xf32>
    %logistic3A_8 = arith.constant 1.000000e+00 : f32
    %logistic3A_9 = vector.broadcast %logistic3A_8 : f32 to vector<128x1024xf32>
    %logistic3A_10 = arith.addf %logistic3A_9, %logistic3A_7 : vector<128x1024xf32>
    %logistic3A_11 = arith.divf %logistic3A_9, %logistic3A_10 : vector<128x1024xf32>
    %mul3A = arith.mulf %slice3A, %logistic3A_11 : vector<128x1024xf32>
    %slice3A_12 = vector.extract_strided_slice %dot_general3A_6 {offsets = [0, 1024], sizes = [128, 1024], strides = [1, 1]} : vector<128x2048xf32> to vector<128x1024xf32>
    %mul3A_13 = arith.mulf %mul3A, %slice3A_12 : vector<128x1024xf32>
    %convert_element_type3A_14 = arith.truncf %mul3A_13 : vector<128x1024xf32> to vector<128x1024xbf16>
    %get3A_15 = arith.constant 0 : index
    %get3A_16 = arith.constant 0 : index
    %get3A_17 = vector.load %arg2[%get3A_15, %get3A_16] : memref<1024x1024xf32, #tpu.memory_space<vmem>>, vector<1024x1024xf32>
    %convert_element_type3A_18 = arith.truncf %get3A_17 : vector<1024x1024xf32> to vector<1024x1024xbf16>
    %dot_general3A_19 = arith.constant dense<0.000000e+00> : vector<128x1024xf32>
    %dot_general3A_20 = tpu.matmul %convert_element_type3A_14, %convert_element_type3A_18, %dot_general3A_19 {dimension_numbers = #tpu.dot_dimension_numbers<[1], [1], [0], [0], [0, 0, 1, 0], [], []>, transpose_lhs_hint = false} : vector<128x1024xbf16>, vector<1024x1024xbf16>, vector<128x1024xf32> -> vector<128x1024xf32>
    %swap3A = arith.constant 0 : index
    %swap3A_21 = arith.constant 0 : index
    %swap3A_22 = vector.load %arg3[%swap3A, %swap3A_21] : memref<128x1024xf32, #tpu.memory_space<vmem>>, vector<128x1024xf32>
    tpu.vector_store %arg3[%swap3A, %swap3A_21], %dot_general3A_20 {strides = array<i32>} : memref<128x1024xf32, #tpu.memory_space<vmem>>, vector<128x1024xf32>,
    return
  }
}

</mosaic_0001>

<sc_bundles>
// kernel: kernel.6.cloned.1.call-start
scs
__scs_entry_jumppad:
0x0: {  	(pc) =	sbr.rel $0x88, $3  }
0x1: {  	(tag) =	ssettag $0x0;
	lr =	simm.s32 $0x1  }
0x2: {  	[smem:$0x3F9B] =	sst lr;
	_ =	strace $0xD0000000  }
0x3: {  	_ = 	snop  }
0x4: {  	_ = 	snop  }
0x5: {  	_ = 	snop  }
0x6: {  	_ = 	snop  }
0x7: {  	_ = 	snop  }
__scs_overlays_trampoline_lowered:
0x8: {  	[smem:$0x3FAA] =	sst s0  }
0x9: {  	[smem:$0x3FAB] =	sst s1  }
0xa: {  	[smem:$0x3FAC] =	sst s2  }
0xb: {  	[smem:$0x3FAD] =	sst s3  }
0xc: {  	[smem:$0x3FAE] =	sst s4  }
0xd: {  	[smem:$0x3FAF] =	sst s5  }
0xe: {  	[smem:$0x3FB0] =	sst s6  }
0xf: {  	[smem:$0x3FB1] =	sst s7  }
0x10: {  	[smem:$0x3FB2] =	sst s8  }
0x11: {  	[smem:$0x3FB3] =	sst s9;
	s0 =	simm.s32 @!p0 $0x0  }
0x12: {  	s1 =	sld [smem:$0x3F99];
	s0 =	simm.s32 @p0 $0x1  }
0x13: {  	[smem:$0x3FB4] =	sst s0;
	s0 =	simm.s32 @!p1 $0x0  }
0x14: {  	s2 =	sld [smem:$0x3F98];
	s0 =	simm.s32 @p1 $0x1  }
0x15: {  	[smem:$0x3FB5] =	sst s0;
	s0 =	simm.s32 @!p2 $0x0  }
0x16: {  	s3 =	sld [smem:$0x3FDB];
	s0 =	simm.s32 @p2 $0x1  }
0x17: {  	s4 =	simm.s32 $0x1BF5;
	[smem:$0x3FB7] =	sst s0  }
0x18: {  	s0 =	sld [smem:$0x3F9A];
	_ =	swait.ge [sflag:s4], $0x0  }
0x19: {  	s7 =	sld [smem:$0x3F9B]  }
0x1a: {  	s8 =	sadd.s32 $0xFFFFE003, lr  }
0x1b: {  	s9 =	sadd.s32 $0xFFFFFEF7, lr;
	s5 =	simm.s32 $0xFFFFFFFF;
	p2 =	slt.u32 s8, $0xFFFFF086  }
0x1c: {  	p1 =	slt.u32 s9, $0xF7A;
	s5 =	simm.s32 @!p2 $0x0  }
0x1d: {  	s5 =	simm.s32 @p1 $0x1;
	p0 =	seq.s32 s7, s2  }
0x1e: {  	s7 =	smul.u32 @!p0 $0xF7A, s2;
	p2 =	seq.s32 @!p0 s5, $0x0  }
0x1f: {  	s9 =	smul.u32 $0xF7A, s1;
	s8 =	simm.s32 @!p0 $0x1BF5;
	p2 =	por !p2, p0  }
0x20: {  	[sflag:s8] =	ssyncset.s32 @!p0 $0xFFFFF086;
	s6 =	sadd.s32 @!p0 s3, s7;
	s7 =	simm.s32 @!p0 $0x108  }
0x21: {  	s3 =	sadd.s32 s3, s9;
	s6 =	sadd.s32 @!p0 $0x88, s6;
	s7 =	simm.s32 @p2 $0x1082  }
0x22: {  	[simem:s7], [sflag:s8] =	dma.local @!p0 [hbm:s6], $0xF7A  }
0x23: {  	s9 =	sor.u32 $0xD0000000, s2;
	s6 =	simm.s32 $0x108;
	_ =	swait.ge @!p0 [sflag:s8], $0x0  }
0x24: {  	s3 =	sadd.s32 $0x88, s3;
	s6 =	simm.s32 @!p1 $0x1082;
	[sflag:s4] =	ssyncset.s32 $0xFFFFF086  }
0x25: {  	[simem:s6], [sflag:s4] =	dma.local [hbm:s3], $0xF7A  }
0x26: {  	[smem:$0x3F9B] =	sst s1;
	(tag) =	ssettag s2;
	_ =	strace s9  }
0x27: {  	s1 =	sld [smem:$0x3FAB]  }
0x28: {  	s2 =	sld [smem:$0x3FAC]  }
0x29: {  	s4 =	sld [smem:$0x3FAE]  }
0x2a: {  	p0 =	seq.s32 s5, $0x0;
	s5 =	sld [smem:$0x3FAF]  }
0x2b: {  	s6 =	sld [smem:$0x3FB0]  }
0x2c: {  	s7 =	sld [smem:$0x3FB1]  }
0x2d: {  	s3 =	simm.s32 $0x108;
	s8 =	sld [smem:$0x3FB2]  }
0x2e: {  	s3 =	simm.s32 @!p0 $0x1082;
	s9 =	sld [smem:$0x3FB3]  }
0x2f: {  	lr =	sadd.s32 s0, s3;
	s0 =	sld [smem:$0x3FAA]  }
0x30: {  	s3 =	sld [smem:$0x3FAD]  }
0x31: {  	[smem:$0x3FB6] =	sst s10  }
0x32: {  	s10 =	sld [smem:$0x3FB4];
	_ =	sdelay $0x3  }
0x33: {  	p0 =	seq.s32 s10, $0x1;
	s10 =	sld [smem:$0x3FB6];
	_ =	sdelay $0x3  }
0x34: {  	[smem:$0x3FB6] =	sst s10  }
0x35: {  	s10 =	sld [smem:$0x3FB5];
	_ =	sdelay $0x3  }
0x36: {  	p1 =	seq.s32 s10, $0x1;
	s10 =	sld [smem:$0x3FB6];
	_ =	sdelay $0x3  }
0x37: {  	[smem:$0x3FB6] =	sst s10  }
0x38: {  	s10 =	sld [smem:$0x3FB7]  }
0x39: {  	_ = 	snop;
	(pc) =	sbr.ind lr, $3  }
0x3a: {  	_ = 	snop  }
0x3b: {  	_ = 	snop  }
0x3c: {  	p2 =	seq.s32 s10, $0x1;
	s10 =	sld [smem:$0x3FB6]  }
0x3d: {  	_ =	shalt  }
0x3e: {  	_ =	shalt  }
0x3f: {  	_ =	shalt  }
0x40: {  	_ =	shalt  }
0x41: {  	_ =	shalt  }
0x42: {  	_ =	shalt  }
0x43: {  	_ =	shalt  }
0x44: {  	_ =	shalt  }
0x45: {  	_ =	shalt  }
0x46: {  	_ =	shalt  }
0x47: {  	_ =	shalt  }
0x48: {  	_ =	shalt  }
0x49: {  	_ =	shalt  }
0x4a: {  	_ =	shalt  }
0x4b: {  	_ =	shalt  }
0x4c: {  	_ =	shalt  }
0x4d: {  	_ =	shalt  }
0x4e: {  	_ =	shalt  }
0x4f: {  	_ =	shalt  }
0x50: {  	_ =	shalt  }
0x51: {  	_ =	shalt  }
0x52: {  	_ =	shalt  }
0x53: {  	_ =	shalt  }
0x54: {  	_ =	shalt  }
0x55: {  	_ =	shalt  }
0x56: {  	_ =	shalt  }
0x57: {  	_ =	shalt  }
0x58: {  	_ =	shalt  }
0x59: {  	_ =	shalt  }
0x5a: {  	_ =	shalt  }
0x5b: {  	_ =	shalt  }
0x5c: {  	_ =	shalt  }
0x5d: {  	_ =	shalt  }
0x5e: {  	_ =	shalt  }
0x5f: {  	_ =	shalt  }
0x60: {  	_ =	shalt  }
0x61: {  	_ =	shalt  }
0x62: {  	_ =	shalt  }
0x63: {  	_ =	shalt  }
0x64: {  	_ =	shalt  }
0x65: {  	_ =	shalt  }
0x66: {  	_ =	shalt  }
0x67: {  	_ =	shalt  }
0x68: {  	_ =	shalt  }
0x69: {  	_ =	shalt  }
0x6a: {  	_ =	shalt  }
0x6b: {  	_ =	shalt  }
0x6c: {  	_ =	shalt  }
0x6d: {  	_ =	shalt  }
0x6e: {  	_ =	shalt  }
0x6f: {  	_ =	shalt  }
0x70: {  	_ =	shalt  }
0x71: {  	_ =	shalt  }
0x72: {  	_ =	shalt  }
0x73: {  	_ =	shalt  }
0x74: {  	_ =	shalt  }
0x75: {  	_ =	shalt  }
0x76: {  	_ =	shalt  }
0x77: {  	_ =	shalt  }
0x78: {  	_ =	shalt  }
0x79: {  	_ =	shalt  }
0x7a: {  	_ =	shalt  }
0x7b: {  	_ =	shalt  }
0x7c: {  	_ =	shalt  }
0x7d: {  	_ =	shalt  }
0x7e: {  	_ =	shalt  }
0x7f: {  	_ =	shalt  }
0x80: {  	_ =	shalt  }
0x81: {  	_ =	shalt  }
0x82: {  	_ =	shalt  }
0x83: {  	_ =	shalt  }
0x84: {  	_ =	shalt  }
0x85: {  	_ =	shalt  }
0x86: {  	_ =	shalt  }
0x87: {  	_ =	shalt  }
.Lfunc_end0:
.L_simem_size_0:
called_computation_lowered:
.L_overlay_start_0:
0x88: {  	s2 =	sld [smem:$0x3FD9]  }
0x89: {  	s3 =	sld [smem:$0x3FFE];
	_ =	sdelay $0x1  }
0x8a: {  	s1 =	srdreg.scid  }
0x8b: {  	s0 =	sand.u32 $0x1, s1  }
0x8c: {  	s17 =	sshll.u32 s0, $0xA;
	s2 =	sadd.s32 s3, s2  }
0x8d: {  	s2 =	sadd.s32 s2, s17  }
0x8e: {  	[smem:$0x3FC2] =	sst s2  }
0x8f: {  	_ = 	snop  }
0x90: {  	s2 =	sld [smem:$0x3FD0];
	(tm) =	ssettm $0x1  }
0x91: {  	s18 =	sld [smem:$0x3FFB];
	_ =	sdelay $0x3  }
0x92: {  	_ =	strace s18  }
0x93: {  	s3 =	sld [smem:$0x3FFC];
	_ =	sdelay $0x3  }
0x94: {  	_ =	strace s3  }
0x95: {  	s3 =	sld [smem:$0x3FFD];
	_ =	sdelay $0x3  }
0x96: {  	_ =	strace s3  }
0x97: {  	_ =	strace $0x8FFFFFFF  }
0x98: {  	s19 =	sld [smem:$0x3FDB];
	_ =	sdelay $0x1  }
0x99: {  	s4 =	simm.s32 $_scs_section_size  }
0x9a: {  	s5 =	simm.s32 $_size__tile_overlayer_lowered;
	s6 =	simm.s32 $_tile_overlayer_lowered  }
0x9b: {  	s22 =	simm.s32 $0x1BFF;
	s21 =	sshll.u32 s6, $0x1;
	s3 =	sadd.s32 s4, s19  }
0x9c: {  	s7 =	simm.s32 $0x0;
	s20 =	sshll.u32 s5, $0x1;
	s5 =	sadd.s32 s21, s3  }
0x9d: {  	[timem:s7], [sflag:s22] =	dma.local [hbm:s5], s20  }
0x9e: {  	_ =	swait.ge [sflag:s22], s20  }
0x9f: {  	s4 =	ssub.s32 $0x0, s20;
	[sflag:s22] =	ssyncset.done $0x0  }
0xa0: {  	[sflag:s22] =	ssyncadd.s32 s4;
	_ =	sdelay $0x1  }
0xa1: {  	s23 =	simm.s32 $0x1B8B  }
0xa2: {  	_ =	swait.ge [sflag:s23], $0x1  }
0xa3: {  	[sflag:s23] =	ssyncset.done $0x0  }
0xa4: {  	s25 =	simm.s32 $0x1B8E;
	s24 =	sld [smem:$0x3FFE];
	[sflag:s23] =	ssyncadd.s32 $0xFFFFFFFF  }
0xa5: {  	s26 =	simm.s32 $execute0_lowered;
	[smem:$0x3FD2] =	sst s25  }
0xa6: {  	s5 =	sshll.u32 s26, $0x1;
	_ =	strace $0x80000046;
	[dreg:$0x1] =	wrdreg $0xFFFFFFFF  }
0xa7: {  	s28 =	simm.s32 $_size_execute0_lowered;
	s3 =	sadd.s32 s3, s5;
	[dreg:$0x0] =	wrdreg $0x0  }
0xa8: {  	s5 =	sshll.u32 s28, $0x1;
	[dreg:$0x2] =	wrdreg s3  }
0xa9: {  	[dreg:$0x3] =	wrdreg s5  }
0xaa: {  	[dreg:$0x4] =	wrdreg $0xC0  }
0xab: {  	_ =	task [dreg:s7], $0x5FFFF  }
0xac: {  	[dreg:$0x1] =	wrdreg $0xFFFFFFFF  }
0xad: {  	[dreg:$0x0] =	wrdreg $0x60  }
0xae: {  	[dreg:$0x2] =	wrdreg s2  }
0xaf: {  	[dreg:$0x3] =	wrdreg s24  }
0xb0: {  	[dreg:$0x4] =	wrdreg $0x9  }
0xb1: {  	_ =	task.clear_ibuf [dreg:s7], $0x5FFFF;
	_ =	strace $0x90000046  }
0xb2: {  	s29 =	simm.s32 $0x9;
	_ =	strace $0x80000048  }
0xb3: {  	_ =	swait.ge [sflag:s29], $0x1  }
0xb4: {  	[sflag:s29] =	ssyncadd.s32 $0xFFFFFFFF  }
0xb5: {  	_ =	strace $0x90000048  }
0xb6: {  	_ =	sfence  }
0xb7: {  	s30 =	sld [smem:$0x0];
	_ =	sdelay $0x2  }
0xb8: {  	s31 =	sshll.u32 s1, $0xD;
	s1 =	sshrl.u32 s1, $0x2  }
0xb9: {  	s3 =	sand.u32 $0x4000, s31;
	s1 =	sadd.s32 s1, s30  }
0xba: {  	s0 =	sor.u32 s3, s0;
	s1 =	sshll.u32 s1, $0x11  }
0xbb: {  	s0 =	sor.u32 s1, s0  }
0xbc: {  	s0 =	sadd.s32 $0x8F2B, s0  }
0xbd: {  	[sflag:s0] =	ssyncadd.remote.s32 $0x1  }
0xbe: {  	_ =	sfence.sel $0xFFFF  }
0xbf: {  	[dreg:$0x0] =	wrdreg $0xFFFFFFFF;
	(pc) =	sbr.abs _section_cstart, $3  }
0xc0: {  	[dreg:$0x1] =	wrdreg $0xFFFFFFFF  }
0xc1: {  	_ =	task.clear_ibuf [dreg:s7], $0x2FFFF;
	_ =	strace $0x9FFFFFFF  }
0xc2: {  	(tm) =	ssettm $0x7FFFFFFF  }
0xc3: {  	_ =	shalt  }
tec
execute0_lowered:
.L_overlay_start_1:
0x0: {  	(tag) =	ssettag $0x1  }
0x1: {  	s1 =	stileid.u32  }
0x2: {  	p0 =	sgt.u32 s1, $0x3  }
.Ltmp0:
0x3: {  	_ = 	snop;
	(pc) =	sbr.rel @p0 .LBB2_5-.Ltmp0, $4  }
0x4: {  	s4 =	rddreg [dreg:$0x0]  }
0x5: {  	s3 =	rddreg [dreg:$0x1];
	s2 =	simm.s32 $0x0  }
0x6: {  	[smem:$0x7FF] =	sst s2  }
0x7: {  	s0 =	rddreg [dreg:$0x2];
	_ =	strace $0x80000047  }
0x8: {  	s5 =	srdreg.scid  }
0x9: {  	s6 =	sshll.u32 s1, $0xB;
	s5 =	sand.u32 $0x1, s5  }
0xa: {  	s8 =	simm.s32 $0x0;
	s7 =	sshll.u32 s5, $0xA;
	s5 =	ssub.s32 $0x2, s5  }
0xb: {  	s6 =	sor.u32 s7, s6;
	s31 =	sshrl.u32 s5, $0x1;
	s7 =	simm.s32 $0x2000  }
0xc: {  	s3 =	sadd.s32 s6, s3;
	s5 =	ssub.s32 s5, s31;
	s4 =	sadd.s32 s4, s6  }
0xd: {  	s6 =	simm.s32 $0x1;
	s3 =	sadd.s32 $0x1400, s3;
	s5 =	smax.u32 s5, $0x1  }
.LBB2_2:
0xe: {  	[tilespmem:s2], [sflag:$0x1] =	stream.linear.gather [hbm4b:s4+s2], $0x2000, $0x38;
	[tilespmem:$0x4000] =	vst v63  }
0xf: {  	_ =	swait.ge [sflag:s6], $0x2000  }
0x10: {  	[sflag:s6] =	ssyncset.done $0x0  }
0x11: {  	[sflag:s6] =	ssyncadd.s32 $0xFFFFE000  }
0x12: {  	v36 =	vld [tilespmem:$0x0]  }
0x13: {  	v37 =	vld [tilespmem:$0x80]  }
0x14: {  	v35 =	vld [tilespmem:$0x100]  }
0x15: {  	v34 =	vld [tilespmem:$0x180]  }
0x16: {  	v33 =	vld [tilespmem:$0x200]  }
0x17: {  	v31 =	vld [tilespmem:$0x280]  }
0x18: {  	v30 =	vld [tilespmem:$0x300];
	v0 =	vmax.f32 v36, v37  }
0x19: {  	v32 =	vld [tilespmem:$0x380];
	v0 =	vmax.f32 v0, v35  }
0x1a: {  	v29 =	vld [tilespmem:$0x400];
	v0 =	vmax.f32 v0, v34  }
0x1b: {  	v28 =	vld [tilespmem:$0x480];
	v0 =	vmax.f32 v0, v33  }
0x1c: {  	v27 =	vld [tilespmem:$0x500];
	v0 =	vmax.f32 v0, v31  }
0x1d: {  	v26 =	vld [tilespmem:$0x580];
	v0 =	vmax.f32 v0, v30  }
0x1e: {  	v25 =	vld [tilespmem:$0x600];
	v0 =	vmax.f32 v0, v32  }
0x1f: {  	v24 =	vld [tilespmem:$0x680];
	v0 =	vmax.f32 v0, v29  }
0x20: {  	v22 =	vld [tilespmem:$0x700];
	v0 =	vmax.f32 v0, v28  }
0x21: {  	v21 =	vld [tilespmem:$0x780];
	v0 =	vmax.f32 v0, v27  }
0x22: {  	v4 =	vld [tilespmem:$0x800];
	v0 =	vmax.f32 v0, v26  }
0x23: {  	v19 =	vld [tilespmem:$0x880];
	v0 =	vmax.f32 v0, v25  }
0x24: {  	v17 =	vld [tilespmem:$0x900];
	v0 =	vmax.f32 v0, v24  }
0x25: {  	v16 =	vld [tilespmem:$0x980];
	v0 =	vmax.f32 v0, v22  }
0x26: {  	v15 =	vld [tilespmem:$0xA00];
	v0 =	vmax.f32 v0, v21  }
0x27: {  	v14 =	vld [tilespmem:$0xA80];
	v0 =	vmax.f32 v0, v4  }
0x28: {  	v1 =	vld [tilespmem:$0xB00];
	v0 =	vmax.f32 v0, v19  }
0x29: {  	v13 =	vld [tilespmem:$0xB80];
	v0 =	vmax.f32 v0, v17  }
0x2a: {  	v12 =	vld [tilespmem:$0xC00];
	v0 =	vmax.f32 v0, v16  }
0x2b: {  	v11 =	vld [tilespmem:$0xC80];
	v0 =	vmax.f32 v0, v15  }
0x2c: {  	v5 =	vld [tilespmem:$0xD00];
	v0 =	vmax.f32 v0, v14  }
0x2d: {  	v7 =	vld [tilespmem:$0xD80];
	v0 =	vmax.f32 v0, v1  }
0x2e: {  	v9 =	vld [tilespmem:$0xE00];
	v0 =	vmax.f32 v0, v13  }
0x2f: {  	v10 =	vld [tilespmem:$0xE80];
	v0 =	vmax.f32 v0, v12  }
0x30: {  	v2 =	vmax.f32 v0, v11;
	v0 =	vld [tilespmem:$0xF00]  }
0x31: {  	v3 =	vmax.f32 v2, v5;
	v2 =	vld [tilespmem:$0xF80]  }
0x32: {  	v20 =	vld [tilespmem:$0x1000];
	v3 =	vmax.f32 v3, v7  }
0x33: {  	v6 =	vld [tilespmem:$0x1080];
	v3 =	vmax.f32 v3, v9  }
0x34: {  	v8 =	vld [tilespmem:$0x1100];
	v3 =	vmax.f32 v3, v10  }
0x35: {  	v53 =	vld [tilespmem:$0x1180];
	v3 =	vmax.f32 v3, v0  }
0x36: {  	v51 =	vld [tilespmem:$0x1200];
	v3 =	vmax.f32 v3, v2  }
0x37: {  	v46 =	vld [tilespmem:$0x1280];
	v3 =	vmax.f32 v3, v20  }
0x38: {  	v18 =	vld [tilespmem:$0x1300];
	v3 =	vmax.f32 v3, v6  }
0x39: {  	v23 =	vld [tilespmem:$0x1380];
	v3 =	vmax.f32 v3, v8  }
0x3a: {  	v38 =	vld [tilespmem:$0x1400];
	v3 =	vmax.f32 v3, v53  }
0x3b: {  	v39 =	vld [tilespmem:$0x1480];
	v3 =	vmax.f32 v3, v51  }
0x3c: {  	v49 =	vld [tilespmem:$0x1500];
	v3 =	vmax.f32 v3, v46  }
0x3d: {  	v52 =	vld [tilespmem:$0x1580];
	v3 =	vmax.f32 v3, v18  }
0x3e: {  	v56 =	vld [tilespmem:$0x1600];
	v3 =	vmax.f32 v3, v23  }
0x3f: {  	v43 =	vld [tilespmem:$0x1680];
	v3 =	vmax.f32 v3, v38  }
0x40: {  	v42 =	vld [tilespmem:$0x1700];
	v3 =	vmax.f32 v3, v39  }
0x41: {  	v41 =	vld [tilespmem:$0x1780];
	v3 =	vmax.f32 v3, v49  }
0x42: {  	v40 =	vld [tilespmem:$0x1800];
	v3 =	vmax.f32 v3, v52  }
0x43: {  	v44 =	vld [tilespmem:$0x1880];
	v3 =	vmax.f32 v3, v56  }
0x44: {  	v61 =	vld [tilespmem:$0x1900];
	v3 =	vmax.f32 v3, v43  }
0x45: {  	v62 =	vld [tilespmem:$0x1980];
	v3 =	vmax.f32 v3, v42  }
0x46: {  	v63 =	vld [tilespmem:$0x1A00];
	v3 =	vmax.f32 v3, v41  }
0x47: {  	v48 =	vld [tilespmem:$0x1A80];
	v3 =	vmax.f32 v3, v40  }
0x48: {  	v50 =	vld [tilespmem:$0x1B00];
	v3 =	vmax.f32 v3, v44  }
0x49: {  	v54 =	vld [tilespmem:$0x1B80];
	v3 =	vmax.f32 v3, v61  }
0x4a: {  	v55 =	vld [tilespmem:$0x1C00];
	v3 =	vmax.f32 v3, v62  }
0x4b: {  	v57 =	vld [tilespmem:$0x1C80];
	v3 =	vmax.f32 v3, v63  }
0x4c: {  	v58 =	vld [tilespmem:$0x1D00];
	v3 =	vmax.f32 v3, v48  }
0x4d: {  	v59 =	vld [tilespmem:$0x1D80];
	v3 =	vmax.f32 v3, v50  }
0x4e: {  	v60 =	vld [tilespmem:$0x1E00];
	v3 =	vmax.f32 v3, v54  }
0x4f: {  	[tilespmem:$0x1F620] =	vst v61;
	v61 =	vld [tilespmem:$0x1E80];
	v3 =	vmax.f32 v3, v55  }
0x50: {  	[tilespmem:$0x1F630] =	vst v62;
	v62 =	vld [tilespmem:$0x1F00];
	v3 =	vmax.f32 v3, v57  }
0x51: {  	[tilespmem:$0x1F640] =	vst v63;
	v63 =	vld [tilespmem:$0x1F80];
	v3 =	vmax.f32 v3, v58  }
0x52: {  	v3 =	vmax.f32 v3, v59  }
0x53: {  	v3 =	vmax.f32 v3, v60  }
0x54: {  	v3 =	vmax.f32 v3, v61  }
0x55: {  	v3 =	vmax.f32 v3, v62  }
0x56: {  	v3 =	vmax.f32 v3, v63  }
0x57: {  	v36 =	vsub.f32 v36, v3  }
0x58: {  	v37 =	vsub.f32 v37, v3  }
0x59: {  	v36 =	vmul.f32 $1.442695020e+00, v36  }
0x5a: {  	v35 =	vsub.f32 v35, v3;
	v37 =	vmul.f32 $1.442695020e+00, v37  }
0x5b: {  	(erf) = vpow2.f32 v36  }
0x5c: {  	v35 =	vmul.f32 $1.442695020e+00, v35;
	(erf) = vpow2.f32 v37  }
0x5d: {  	v34 =	vsub.f32 v34, v3  }
0x5e: {  	(erf) = vpow2.f32 v35  }
0x5f: {  	v33 =	vsub.f32 v33, v3;
	v34 =	vmul.f32 $1.442695020e+00, v34;
	_ =	sdelay $0x1  }
0x60: {  	v31 =	vsub.f32 v31, v3;
	v33 =	vmul.f32 $1.442695020e+00, v33;
	(erf) = vpow2.f32 v34  }
0x61: {  	v30 =	vsub.f32 v30, v3  }
0x62: {  	v31 =	vmul.f32 $1.442695020e+00, v31;
	(erf) = vpow2.f32 v33  }
0x63: {  	[tilespmem:$0x1F5F0] =	vst v41;
	v32 =	vsub.f32 v32, v3;
	v30 =	vmul.f32 $1.442695020e+00, v30;
	v41 =	vpop (erf)  }
0x64: {  	[tilespmem:$0x1F5E0] =	vst v42;
	(erf) = vpow2.f32 v31;
	v42 =	vpop (erf)  }
0x65: {  	v31 =	vmul.f32 $1.442695020e+00, v32;
	(erf) = vpow2.f32 v30;
	v30 =	vadd.f32 v42, v41  }
0x66: {  	[tilespmem:$0x1F5D0] =	vst v43;
	v29 =	vsub.f32 v29, v3;
	v43 =	vpop (erf)  }
0x67: {  	v30 =	vadd.f32 v30, v43  }
0x68: {  	v28 =	vsub.f32 v28, v3;
	v29 =	vmul.f32 $1.442695020e+00, v29  }
0x69: {  	(erf) = vpow2.f32 v31;
	v31 =	vpop (erf)  }
0x6a: {  	v28 =	vmul.f32 $1.442695020e+00, v28;
	(erf) = vpow2.f32 v29;
	v29 =	vadd.f32 v30, v31  }
0x6b: {  	v27 =	vsub.f32 v27, v3;
	v30 =	vpop (erf)  }
0x6c: {  	(erf) = vpow2.f32 v28;
	v28 =	vadd.f32 v29, v30  }
0x6d: {  	v26 =	vsub.f32 v26, v3;
	v27 =	vmul.f32 $1.442695020e+00, v27  }
0x6e: {  	v29 =	vpop (erf)  }
0x6f: {  	v26 =	vmul.f32 $1.442695020e+00, v26;
	(erf) = vpow2.f32 v27;
	v27 =	vadd.f32 v28, v29  }
0x70: {  	v25 =	vsub.f32 v25, v3;
	v28 =	vpop (erf)  }
0x71: {  	(erf) = vpow2.f32 v26;
	v26 =	vadd.f32 v27, v28  }
0x72: {  	v24 =	vsub.f32 v24, v3;
	v25 =	vmul.f32 $1.442695020e+00, v25  }
0x73: {  	v27 =	vpop (erf)  }
0x74: {  	v24 =	vmul.f32 $1.442695020e+00, v24;
	(erf) = vpow2.f32 v25;
	v25 =	vadd.f32 v26, v27  }
0x75: {  	v22 =	vsub.f32 v22, v3;
	v26 =	vpop (erf)  }
0x76: {  	(erf) = vpow2.f32 v24;
	v24 =	vadd.f32 v25, v26  }
0x77: {  	v21 =	vsub.f32 v21, v3;
	v22 =	vmul.f32 $1.442695020e+00, v22  }
0x78: {  	v25 =	vpop (erf)  }
0x79: {  	v21 =	vmul.f32 $1.442695020e+00, v21;
	(erf) = vpow2.f32 v22;
	v22 =	vadd.f32 v24, v25  }
0x7a: {  	v4 =	vsub.f32 v4, v3;
	v24 =	vpop (erf)  }
0x7b: {  	(erf) = vpow2.f32 v21;
	v21 =	vadd.f32 v22, v24  }
0x7c: {  	v19 =	vsub.f32 v19, v3;
	v4 =	vmul.f32 $1.442695020e+00, v4  }
0x7d: {  	v17 =	vsub.f32 v17, v3;
	v22 =	vpop (erf)  }
0x7e: {  	(erf) = vpow2.f32 v4;
	v4 =	vmul.f32 $1.442695020e+00, v19;
	v19 =	vadd.f32 v21, v22  }
0x7f: {  	v16 =	vsub.f32 v16, v3;
	v21 =	vpop (erf)  }
0x80: {  	(erf) = vpow2.f32 v4;
	v4 =	vmul.f32 $1.442695020e+00, v17;
	v17 =	vadd.f32 v19, v21;
	_ =	sdelay $0x1  }
0x81: {  	v16 =	vmul.f32 $1.442695020e+00, v16;
	v19 =	vpop (erf)  }
0x82: {  	(erf) = vpow2.f32 v4;
	v4 =	vsub.f32 v15, v3;
	v15 =	vadd.f32 v17, v19  }
0x83: {  	v17 =	vpop (erf)  }
0x84: {  	v14 =	vsub.f32 v14, v3;
	v4 =	vmul.f32 $1.442695020e+00, v4;
	v15 =	vadd.f32 v15, v17  }
0x85: {  	v1 =	vsub.f32 v1, v3;
	(erf) = vpow2.f32 v16;
	v16 =	vpop (erf)  }
0x86: {  	(erf) = vpow2.f32 v4;
	v4 =	vmul.f32 $1.442695020e+00, v14;
	v14 =	vadd.f32 v15, v16;
	_ =	sdelay $0x1  }
0x87: {  	v1 =	vmul.f32 $1.442695020e+00, v1;
	v15 =	vpop (erf)  }
0x88: {  	(erf) = vpow2.f32 v4;
	v4 =	vsub.f32 v13, v3;
	v13 =	vadd.f32 v14, v15  }
0x89: {  	v14 =	vpop (erf);
	(erf) = vpow2.f32 v1  }
0x8a: {  	v1 =	vmul.f32 $1.442695020e+00, v4;
	v4 =	vsub.f32 v12, v3;
	v12 =	vadd.f32 v13, v14  }
0x8b: {  	[tilespmem:$0x1F670] =	vst v54;
	v11 =	vsub.f32 v11, v3;
	v54 =	vpop (erf)  }
0x8c: {  	(erf) = vpow2.f32 v1;
	v1 =	vmul.f32 $1.442695020e+00, v4;
	v4 =	vadd.f32 v12, v54  }
0x8d: {  	[tilespmem:$0x1F680] =	vst v55;
	v11 =	vmul.f32 $1.442695020e+00, v11;
	v55 =	vpop (erf)  }
0x8e: {  	(erf) = vpow2.f32 v1;
	v1 =	vsub.f32 v5, v3;
	v4 =	vadd.f32 v4, v55  }
0x8f: {  	[tilespmem:$0x1F650] =	vst v48;
	v48 =	vpop (erf);
	v5 =	vsub.f32 v7, v3  }
0x90: {  	(erf) = vpow2.f32 v11;
	v1 =	vmul.f32 $1.442695020e+00, v1;
	v4 =	vadd.f32 v4, v48  }
0x91: {  	[tilespmem:$0x1F710] =	vst v42;
	v7 =	vsub.f32 v9, v3;
	v42 =	vpop (erf)  }
0x92: {  	(erf) = vpow2.f32 v1;
	v1 =	vmul.f32 $1.442695020e+00, v5;
	v4 =	vadd.f32 v4, v42  }
0x93: {  	v7 =	vmul.f32 $1.442695020e+00, v7;
	v45 =	vpop (erf)  }
0x94: {  	(erf) = vpow2.f32 v1;
	v1 =	vsub.f32 v10, v3;
	v9 =	vadd.f32 v4, v45  }
0x95: {  	v0 =	vsub.f32 v0, v3;
	[tilespmem:$0x1F700] =	vst v41;
	v41 =	vpop (erf)  }
0x96: {  	(erf) = vpow2.f32 v7;
	v1 =	vmul.f32 $1.442695020e+00, v1;
	v7 =	vadd.f32 v9, v41  }
0x97: {  	v2 =	vsub.f32 v2, v3;
	v4 =	vpop (erf)  }
0x98: {  	v0 =	vmul.f32 $1.442695020e+00, v0;
	(erf) = vpow2.f32 v1;
	v1 =	vadd.f32 v7, v4  }
0x99: {  	v2 =	vmul.f32 $1.442695020e+00, v2;
	[tilespmem:$0x1F820] =	vst v4;
	v4 =	vpop (erf)  }
0x9a: {  	(erf) = vpow2.f32 v0;
	v0 =	vsub.f32 v20, v3;
	v1 =	vadd.f32 v1, v4  }
0x9b: {  	[tilespmem:$0x1F830] =	vst v4;
	v4 =	vpop (erf);
	(erf) = vpow2.f32 v2  }
0x9c: {  	v0 =	vmul.f32 $1.442695020e+00, v0;
	v2 =	vsub.f32 v6, v3;
	v1 =	vadd.f32 v1, v4  }
0x9d: {  	[tilespmem:$0x1F6F0] =	vst v63;
	v6 =	vsub.f32 v8, v3;
	v63 =	vpop (erf)  }
0x9e: {  	(erf) = vpow2.f32 v0;
	v0 =	vmul.f32 $1.442695020e+00, v2;
	v1 =	vadd.f32 v1, v63  }
0x9f: {  	v2 =	vmul.f32 $1.442695020e+00, v6;
	v47 =	vpop (erf)  }
0xa0: {  	(erf) = vpow2.f32 v0;
	v0 =	vsub.f32 v53, v3;
	v1 =	vadd.f32 v1, v47  }
0xa1: {  	[tilespmem:$0x1F660] =	vst v50;
	v50 =	vpop (erf);
	(erf) = vpow2.f32 v2  }
0xa2: {  	v0 =	vmul.f32 $1.442695020e+00, v0;
	v2 =	vsub.f32 v51, v3;
	v1 =	vadd.f32 v1, v50  }
0xa3: {  	v6 =	vsub.f32 v46, v3;
	v37 =	vpop (erf)  }
0xa4: {  	(erf) = vpow2.f32 v0;
	v0 =	vmul.f32 $1.442695020e+00, v2;
	v1 =	vadd.f32 v1, v37  }
0xa5: {  	[tilespmem:$0x1F6E0] =	vst v62;
	v2 =	vmul.f32 $1.442695020e+00, v6;
	v62 =	vpop (erf)  }
0xa6: {  	(erf) = vpow2.f32 v0;
	v0 =	vsub.f32 v18, v3;
	v1 =	vadd.f32 v1, v62  }
0xa7: {  	v36 =	vpop (erf);
	(erf) = vpow2.f32 v2  }
0xa8: {  	v2 =	vsub.f32 v23, v3;
	v0 =	vmul.f32 $1.442695020e+00, v0;
	v1 =	vadd.f32 v1, v36  }
0xa9: {  	v6 =	vsub.f32 v38, v3;
	v34 =	vpop (erf)  }
0xaa: {  	(erf) = vpow2.f32 v0;
	v0 =	vmul.f32 $1.442695020e+00, v2;
	v1 =	vadd.f32 v1, v34  }
0xab: {  	v2 =	vmul.f32 $1.442695020e+00, v6;
	v33 =	vpop (erf)  }
0xac: {  	(erf) = vpow2.f32 v0;
	v0 =	vsub.f32 v39, v3;
	v1 =	vadd.f32 v1, v33  }
0xad: {  	v32 =	vpop (erf);
	(erf) = vpow2.f32 v2  }
0xae: {  	v2 =	vsub.f32 v49, v3;
	v0 =	vmul.f32 $1.442695020e+00, v0;
	v1 =	vadd.f32 v1, v32  }
0xaf: {  	[tilespmem:$0x1F730] =	vst v31;
	v31 =	vpop (erf)  }
0xb0: {  	(erf) = vpow2.f32 v0;
	v0 =	vmul.f32 $1.442695020e+00, v2;
	v2 =	vadd.f32 v1, v31;
	v1 =	vld [tilespmem:$0x1F5D0]  }
0xb1: {  	v6 =	vsub.f32 v52, v3;
	_ =	sdelay $0x1  }
0xb2: {  	[tilespmem:$0x1F6D0] =	vst v61;
	v6 =	vmul.f32 $1.442695020e+00, v6;
	v61 =	vpop (erf);
	(erf) = vpow2.f32 v0;
	v0 =	vsub.f32 v56, v3;
	_ =	sdelay $0x1  }
0xb3: {  	[tilespmem:$0x1F6C0] =	vst v60;
	v60 =	vpop (erf);
	(erf) = vpow2.f32 v6;
	v0 =	vmul.f32 $1.442695020e+00, v0;
	v6 =	vsub.f32 v1, v3  }
0xb4: {  	v1 =	vld [tilespmem:$0x1F5E0]  }
0xb5: {  	[tilespmem:$0x1F750] =	vst v29;
	v29 =	vpop (erf);
	(erf) = vpow2.f32 v0;
	v0 =	vmul.f32 $1.442695020e+00, v6;
	_ =	sdelay $0x1  }
0xb6: {  	[tilespmem:$0x1F6B0] =	vst v59;
	v59 =	vpop (erf);
	(erf) = vpow2.f32 v0;
	v0 =	vld [tilespmem:$0x1F5F0]  }
0xb7: {  	[tilespmem:$0x1F600] =	vst v40  }
0xb8: {  	v7 =	vsub.f32 v1, v3;
	v1 =	vld [tilespmem:$0x1F600];
	_ =	sdelay $0x2  }
0xb9: {  	v6 =	vmul.f32 $1.442695020e+00, v7;
	v0 =	vsub.f32 v0, v3  }
0xba: {  	[tilespmem:$0x1F610] =	vst v44  }
0xbb: {  	[tilespmem:$0x1F760] =	vst v28;
	v28 =	vpop (erf);
	(erf) = vpow2.f32 v6;
	v6 =	vsub.f32 v1, v3;
	v0 =	vmul.f32 $1.442695020e+00, v0  }
0xbc: {  	v1 =	vld [tilespmem:$0x1F610]  }
0xbd: {  	v35 =	vpop (erf);
	(erf) = vpow2.f32 v0;
	v0 =	vmul.f32 $1.442695020e+00, v6;
	_ =	sdelay $0x1  }
0xbe: {  	[tilespmem:$0x1F790] =	vst v25;
	v25 =	vpop (erf);
	(erf) = vpow2.f32 v0;
	v0 =	vld [tilespmem:$0x1F620];
	_ =	sdelay $0x1  }
0xbf: {  	v7 =	vsub.f32 v1, v3;
	v1 =	vld [tilespmem:$0x1F630];
	_ =	sdelay $0x1  }
0xc0: {  	v6 =	vmul.f32 $1.442695020e+00, v7;
	v7 =	vld [tilespmem:$0x1F640]  }
0xc1: {  	v0 =	vsub.f32 v0, v3;
	_ =	sdelay $0x1  }
0xc2: {  	[tilespmem:$0x1F780] =	vst v26;
	v26 =	vpop (erf);
	(erf) = vpow2.f32 v6;
	v6 =	vsub.f32 v1, v3;
	v0 =	vmul.f32 $1.442695020e+00, v0;
	_ =	sdelay $0x1  }
0xc3: {  	v23 =	vpop (erf);
	v7 =	vsub.f32 v7, v3;
	(erf) = vpow2.f32 v0;
	v0 =	vmul.f32 $1.442695020e+00, v6;
	_ =	sdelay $0x1  }
0xc4: {  	[tilespmem:$0x1F6A0] =	vst v58;
	v58 =	vpop (erf);
	v6 =	vmul.f32 $1.442695020e+00, v7;
	(erf) = vpow2.f32 v0;
	v0 =	vld [tilespmem:$0x1F650];
	_ =	sdelay $0x1  }
0xc5: {  	[tilespmem:$0x1F690] =	vst v57;
	v57 =	vpop (erf);
	(erf) = vpow2.f32 v6;
	v6 =	vld [tilespmem:$0x1F660];
	_ =	sdelay $0x1  }
0xc6: {  	v2 =	vadd.f32 v2, v61;
	v7 =	vld [tilespmem:$0x1F670]  }
0xc7: {  	v0 =	vsub.f32 v0, v3  }
0xc8: {  	v2 =	vadd.f32 v2, v60  }
0xc9: {  	v6 =	vsub.f32 v6, v3;
	v0 =	vmul.f32 $1.442695020e+00, v0  }
0xca: {  	v2 =	vadd.f32 v2, v29  }
0xcb: {  	[tilespmem:$0x1F7B0] =	vst v22;
	v22 =	vpop (erf);
	v7 =	vsub.f32 v7, v3;
	(erf) = vpow2.f32 v0;
	v0 =	vmul.f32 $1.442695020e+00, v6;
	_ =	sdelay $0x1  }
0xcc: {  	v2 =	vadd.f32 v2, v59;
	v56 =	vpop (erf);
	v6 =	vmul.f32 $1.442695020e+00, v7;
	(erf) = vpow2.f32 v0;
	v0 =	vld [tilespmem:$0x1F680];
	_ =	sdelay $0x1  }
0xcd: {  	v2 =	vadd.f32 v2, v28;
	v53 =	vpop (erf);
	(erf) = vpow2.f32 v6;
	v6 =	vld [tilespmem:$0x1F690];
	_ =	sdelay $0x1  }
0xce: {  	v2 =	vadd.f32 v2, v35;
	v7 =	vld [tilespmem:$0x1F6A0]  }
0xcf: {  	v0 =	vsub.f32 v0, v3  }
0xd0: {  	v2 =	vadd.f32 v2, v25  }
0xd1: {  	v6 =	vsub.f32 v6, v3;
	v0 =	vmul.f32 $1.442695020e+00, v0  }
0xd2: {  	v2 =	vadd.f32 v2, v26  }
0xd3: {  	v52 =	vpop (erf);
	v7 =	vsub.f32 v7, v3;
	(erf) = vpow2.f32 v0;
	v0 =	vmul.f32 $1.442695020e+00, v6  }
0xd4: {  	v2 =	vadd.f32 v2, v23  }
0xd5: {  	v51 =	vpop (erf);
	v6 =	vmul.f32 $1.442695020e+00, v7;
	(erf) = vpow2.f32 v0;
	v0 =	vld [tilespmem:$0x1F6B0]  }
0xd6: {  	v2 =	vadd.f32 v2, v58  }
0xd7: {  	v49 =	vpop (erf);
	(erf) = vpow2.f32 v6;
	v6 =	vld [tilespmem:$0x1F6C0]  }
0xd8: {  	v2 =	vadd.f32 v2, v57;
	_ =	sdelay $0x1  }
0xd9: {  	v2 =	vadd.f32 v2, v22;
	v0 =	vsub.f32 v0, v3;
	_ =	sdelay $0x1  }
0xda: {  	v2 =	vadd.f32 v2, v56;
	v6 =	vsub.f32 v6, v3;
	v0 =	vmul.f32 $1.442695020e+00, v0;
	_ =	sdelay $0x1  }
0xdb: {  	v2 =	vadd.f32 v2, v53;
	v46 =	vpop (erf);
	(erf) = vpow2.f32 v0;
	v0 =	vmul.f32 $1.442695020e+00, v6  }
0xdc: {  	v7 =	vld [tilespmem:$0x1F6D0]  }
0xdd: {  	[tilespmem:$0x1F7C0] =	vst v21;
	v2 =	vadd.f32 v2, v52;
	v21 =	vpop (erf);
	(erf) = vpow2.f32 v0;
	v0 =	vld [tilespmem:$0x1F6E0];
	_ =	sdelay $0x1  }
0xde: {  	v2 =	vadd.f32 v2, v51;
	_ =	sdelay $0x1  }
0xdf: {  	v2 =	vadd.f32 v2, v49  }
0xe0: {  	v44 =	vsub.f32 v7, v3;
	v39 =	vsub.f32 v0, v3;
	v0 =	vld [tilespmem:$0x1F6F0]  }
0xe1: {  	v6 =	vadd.f32 v2, v46  }
0xe2: {  	v38 =	vmul.f32 $1.442695020e+00, v44  }
0xe3: {  	v6 =	vadd.f32 v6, v21  }
0xe4: {  	v44 =	vpop (erf);
	(erf) = vpow2.f32 v38;
	v38 =	vmul.f32 $1.442695020e+00, v39  }
0xe5: {  	v6 =	vadd.f32 v6, v44;
	v3 =	vsub.f32 v0, v3  }
0xe6: {  	[tilespmem:$0x1F720] =	vst v43;
	v43 =	vpop (erf)  }
0xe7: {  	v6 =	vadd.f32 v6, v43;
	(erf) = vpow2.f32 v38;
	v3 =	vmul.f32 $1.442695020e+00, v3  }
0xe8: {  	v38 =	vpop (erf)  }
0xe9: {  	(erf) = vpow2.f32 v3;
	v3 =	vadd.f32 v6, v38  }
0xea: {  	[tilespmem:$0x1F7A0] =	vst v24;
	v24 =	vpop (erf)  }
0xeb: {  	v3 =	vadd.f32 v3, v24  }
0xec: {  	[tilespmem:$0x1F770] =	vst v27;
	v27 =	vpop (erf)  }
0xed: {  	v3 =	vadd.f32 v3, v27  }
0xee: {  	[tilespmem:$0x1F740] =	vst v30;
	v30 =	vpop (erf)  }
0xef: {  	v3 =	vadd.f32 v3, v30  }
0xf0: {  	v39 =	vpop (erf)  }
0xf1: {  	v3 =	vadd.f32 v3, v39  }
0xf2: {  	v40 =	vpop (erf)  }
0xf3: {  	v3 =	vadd.f32 v3, v40;
	_ =	sdelay $0x1  }
0xf4: {  	(erf) = vrcp.f32 v3;
	_ =	sdelay $0x4  }
0xf5: {  	v3 =	vld [tilespmem:$0x1F700];
	_ =	sdelay $0x3  }
0xf6: {  	v0 =	vpop (erf)  }
0xf7: {  	v11 =	vmul.f32 v0, v3;
	v3 =	vld [tilespmem:$0x1F710];
	_ =	sdelay $0x4  }
0xf8: {  	v10 =	vmul.f32 v0, v3;
	v3 =	vld [tilespmem:$0x1F720];
	_ =	sdelay $0x4  }
0xf9: {  	v13 =	vmul.f32 v0, v3;
	v3 =	vld [tilespmem:$0x1F730];
	_ =	sdelay $0x2  }
0xfa: {  	v1 =	vld [tilespmem:$0x1F7B0];
	_ =	sdelay $0x1  }
0xfb: {  	[tilespmem:$0x1F800] =	vst v15;
	v15 =	vmul.f32 v0, v3;
	v3 =	vld [tilespmem:$0x1F740];
	_ =	sdelay $0x2  }
0xfc: {  	v8 =	vmul.f32 v0, v1;
	v1 =	vld [tilespmem:$0x1F7C0];
	_ =	sdelay $0x1  }
0xfd: {  	[tilespmem:$0x1F7E0] =	vst v17;
	v17 =	vmul.f32 v0, v3;
	v3 =	vld [tilespmem:$0x1F750];
	_ =	sdelay $0x1  }
0xfe: {  	[tilespmem:$0x1F7D0] =	vst v19  }
0xff: {  	v9 =	vmul.f32 v0, v1;
	v1 =	vld [tilespmem:$0x1F7D0];
	_ =	sdelay $0x1  }
0x100: {  	v18 =	vmul.f32 v0, v3;
	v3 =	vld [tilespmem:$0x1F760];
	_ =	sdelay $0x2  }
0x101: {  	v12 =	vmul.f32 v0, v1;
	v1 =	vld [tilespmem:$0x1F7E0];
	_ =	sdelay $0x1  }
0x102: {  	v19 =	vmul.f32 v0, v3;
	v3 =	vld [tilespmem:$0x1F770];
	_ =	sdelay $0x1  }
0x103: {  	[tilespmem:$0x1F7F0] =	vst v16  }
0x104: {  	[tilespmem:$0x1F810] =	vst v14;
	v14 =	vmul.f32 v0, v1;
	v1 =	vld [tilespmem:$0x1F7F0];
	_ =	sdelay $0x1  }
0x105: {  	v20 =	vmul.f32 v0, v3;
	v3 =	vld [tilespmem:$0x1F780];
	_ =	sdelay $0x2  }
0x106: {  	v16 =	vmul.f32 v0, v1;
	v1 =	vld [tilespmem:$0x1F800];
	_ =	sdelay $0x1  }
0x107: {  	v5 =	vmul.f32 v0, v3;
	v3 =	vld [tilespmem:$0x1F790];
	_ =	sdelay $0x2  }
0x108: {  	v2 =	vmul.f32 v0, v1;
	v1 =	vld [tilespmem:$0x1F810]  }
0x109: {  	[tilespmem:$0x1F840] =	vst v4;
	v54 =	vmul.f32 v0, v54;
	v55 =	vmul.f32 v0, v55  }
0x10a: {  	v6 =	vmul.f32 v0, v48;
	[tilespmem:$0x1F850] =	vst v11;
	v4 =	vmul.f32 v0, v3;
	v3 =	vld [tilespmem:$0x1F7A0]  }
0x10b: {  	v42 =	vmul.f32 v0, v42;
	v48 =	vmul.f32 v0, v45;
	[tilespmem:$0x1F8E0] =	vst v8  }
0x10c: {  	v45 =	vmul.f32 v0, v41;
	v47 =	vmul.f32 v0, v47;
	[tilespmem:$0x1F950] =	vst v54  }
0x10d: {  	v50 =	vmul.f32 v0, v50;
	[tilespmem:$0x1F960] =	vst v55;
	v1 =	vmul.f32 v0, v1  }
0x10e: {  	v28 =	vmul.f32 v0, v28;
	v25 =	vmul.f32 v0, v25;
	[tilespmem:$0x1F970] =	vst v6  }
0x10f: {  	v26 =	vmul.f32 v0, v26;
	[tilespmem:$0x1F940] =	vst v1;
	v7 =	vmul.f32 v0, v3  }
0x110: {  	v22 =	vmul.f32 v0, v22;
	[tilespmem:$0x1F8B0] =	vst v5;
	v41 =	vmax.f32 v5, v4;
	v5 =	vmax.f32 v2, v1  }
0x111: {  	v21 =	vmul.f32 v0, v21;
	[tilespmem:$0x1F8C0] =	vst v4;
	v1 =	vld [tilespmem:$0x1F820];
	v5 =	vmax.f32 v5, v54;
	v4 =	vmax.f32 v41, v7  }
0x112: {  	[tilespmem:$0x1F930] =	vst v2;
	v2 =	vld [tilespmem:$0x1F840];
	v5 =	vmax.f32 v5, v55;
	v3 =	vmax.f32 v11, v10;
	v4 =	vmax.f32 v4, v8  }
0x113: {  	[tilespmem:$0x1F980] =	vst v42;
	v5 =	vmax.f32 v5, v6;
	v3 =	vmax.f32 v3, v13;
	v4 =	vmax.f32 v4, v9  }
0x114: {  	[tilespmem:$0x1F990] =	vst v48;
	v5 =	vmax.f32 v5, v42;
	v3 =	vmax.f32 v3, v15;
	v4 =	vmax.f32 v4, v12  }
0x115: {  	[tilespmem:$0x1F9A0] =	vst v45;
	v42 =	vmax.f32 v5, v48;
	v3 =	vmax.f32 v3, v17;
	v6 =	vmax.f32 v4, v14  }
0x116: {  	[tilespmem:$0x1F900] =	vst v12;
	v5 =	vmax.f32 v6, v16;
	v6 =	vmax.f32 v42, v45;
	v45 =	vmul.f32 v0, v1;
	v1 =	vld [tilespmem:$0x1F830]  }
0x117: {  	[tilespmem:$0x1F910] =	vst v14;
	v48 =	vimm.f32 $0.0e+00;
	v2 =	vmul.f32 v0, v2;
	v3 =	vmax.f32 v3, v18  }
0x118: {  	[tilespmem:$0x1F8D0] =	vst v7;
	v7 =	vmul.f32 v0, v63;
	v8 =	vmul.f32 v0, v37;
	v3 =	vmax.f32 v3, v19  }
0x119: {  	v54 =	vmovc v20;
	v12 =	vmul.f32 v0, v24;
	v4 =	vmax.f32 v3, v20;
	v20 =	vmul.f32 v0, v53  }
0x11a: {  	[tilespmem:$0x1F920] =	vst v16;
	v14 =	vmul.f32 v0, v51;
	v16 =	vmul.f32 v0, v46;
	vm0 =	vgt.f32 v5, v4  }
0x11b: {  	[tilespmem:$0x1F9E0] =	vst v47;
	vm1 =	vgt.f32 v6, v4;
	vm2 =	vgt.f32 v5, v6;
	v1 =	vmul.f32 v0, v1  }
0x11c: {  	[tilespmem:$0x1F9F0] =	vst v50;
	v55 =	vmovc v19;
	v3 =	vsel vm0, $0x3F800000, v48;
	v42 =	vsel vm1, $0x3F800000, v48;
	vm1 =	vgt.f32 v6, v5  }
0x11d: {  	[tilespmem:$0x1F9D0] =	vst v2;
	v3 =	vadd.f32 v42, v3;
	v42 =	vmul.f32 v0, v36;
	v63 =	vmax.f32 v45, v1  }
0x11e: {  	[tilespmem:$0x1F9B0] =	vst v45;
	v36 =	vmul.f32 v0, v32;
	v45 =	vmax.f32 v63, v2;
	v63 =	vmul.f32 v0, v34  }
0x11f: {  	[tilespmem:$0x1F9C0] =	vst v1;
	v1 =	vmul.f32 v0, v33;
	v33 =	vmul.f32 v0, v60;
	v37 =	vmax.f32 v45, v7  }
0x120: {  	[tilespmem:$0x1FA00] =	vst v8;
	v2 =	vmul.f32 v0, v62;
	v47 =	vmax.f32 v37, v47;
	v62 =	vmax.f32 v42, v63  }
0x121: {  	[tilespmem:$0x1FA20] =	vst v63;
	v63 =	vmul.f32 v0, v31;
	v50 =	vmax.f32 v47, v50;
	v47 =	vmax.f32 v62, v1  }
0x122: {  	v45 =	vmovc v7;
	v7 =	vmul.f32 v0, v59;
	v62 =	vmul.f32 v0, v57;
	v31 =	vmax.f32 v50, v8  }
0x123: {  	[tilespmem:$0x1FA30] =	vst v1;
	v50 =	vmul.f32 v0, v61;
	v32 =	vmax.f32 v47, v36;
	v8 =	vmul.f32 v0, v35  }
0x124: {  	v41 =	vmovc v2;
	v61 =	vmul.f32 v0, v23;
	v1 =	vmax.f32 v31, v2;
	v32 =	vmax.f32 v32, v63  }
0x125: {  	[tilespmem:$0x1FA50] =	vst v63;
	v2 =	vmul.f32 v0, v29;
	v63 =	vmul.f32 v0, v56;
	v19 =	vmax.f32 v7, v28  }
0x126: {  	[tilespmem:$0x1FAA0] =	vst v25;
	v31 =	vmul.f32 v0, v49;
	vm0 =	vgt.f32 v1, v4;
	v29 =	vmax.f32 v32, v50  }
0x127: {  	[tilespmem:$0x1F890] =	vst v17;
	v17 =	vmax.f32 v19, v8;
	v19 =	vmul.f32 v0, v30;
	v60 =	vsel vm0, $0x3F800000, v48  }
0x128: {  	[tilespmem:$0x1F880] =	vst v15;
	v15 =	vmax.f32 v17, v25;
	v25 =	vmul.f32 v0, v44;
	v17 =	vmul.f32 v0, v43  }
0x129: {  	[tilespmem:$0x1F870] =	vst v13;
	v32 =	vadd.f32 v3, v60;
	v3 =	vmax.f32 v29, v33;
	v29 =	vmul.f32 v0, v52  }
0x12a: {  	[tilespmem:$0x1FA70] =	vst v2;
	v13 =	vmax.f32 v15, v26;
	v3 =	vmax.f32 v3, v2;
	v2 =	vmul.f32 v0, v58  }
0x12b: {  	[tilespmem:$0x1F860] =	vst v10;
	v15 =	vmul.f32 v0, v27;
	v11 =	vmax.f32 v13, v61;
	vm0 =	vgt.f32 v3, v4  }
0x12c: {  	[tilespmem:$0x1FA80] =	vst v7;
	v13 =	vmul.f32 v0, v38;
	v23 =	vsel vm0, $0x3F800000, v48;
	v7 =	vmax.f32 v11, v2  }
0x12d: {  	[tilespmem:$0x1FAE0] =	vst v2;
	v23 =	vadd.f32 v32, v23;
	v2 =	vmax.f32 v7, v62;
	v7 =	vmax.f32 v22, v63  }
0x12e: {  	[tilespmem:$0x1FA90] =	vst v8;
	v8 =	vmax.f32 v7, v20;
	vm0 =	vgt.f32 v2, v4;
	v7 =	vmul.f32 v0, v39  }
0x12f: {  	[tilespmem:$0x1F8F0] =	vst v9;
	vm6 =	vgt.f32 v1, v2;
	v9 =	vmax.f32 v8, v29;
	v11 =	vsel vm0, $0x3F800000, v48  }
0x130: {  	[tilespmem:$0x1FB40] =	vst v29;
	v29 =	vmul.f32 v0, v40;
	vm0 =	vgt.f32 v4, v5;
	v10 =	vadd.f32 v23, v11  }
0x131: {  	v0 =	vmax.f32 v9, v14;
	v9 =	vsel vm0, $0x3F800000, v48;
	v11 =	vsel vm1, $0x3F800000, v48  }
0x132: {  	v0 =	vmax.f32 v0, v31;
	v9 =	vadd.f32 v11, v9;
	v11 =	vmax.f32 v25, v17  }
0x133: {  	vm1 =	vgt.f32 v1, v5;
	v0 =	vmax.f32 v0, v16;
	v11 =	vmax.f32 v11, v13  }
0x134: {  	[tilespmem:$0x1FBA0] =	vst v13;
	v13 =	vsel vm1, $0x3F800000, v48;
	vm1 =	vgt.f32 v4, v6;
	v0 =	vmax.f32 v0, v21  }
0x135: {  	v11 =	vmax.f32 v11, v12;
	v9 =	vadd.f32 v9, v13;
	v13 =	vsel vm1, $0x3F800000, v48  }
0x136: {  	vm1 =	vgt.f32 v1, v6;
	vm0 =	vgt.f32 v0, v4;
	v11 =	vmax.f32 v11, v15  }
0x137: {  	[tilespmem:$0x1FBC0] =	vst v15;
	v15 =	vsel vm2, $0x3F800000, v48;
	vm2 =	vgt.f32 v3, v6;
	vm9 =	vgt.f32 v4, v0  }
0x138: {  	[tilespmem:$0x1FBB0] =	vst v12;
	vm7 =	vgt.f32 v1, v0;
	v12 =	vsel vm0, $0x3F800000, v48;
	vm0 =	vgt.f32 v3, v5  }
0x139: {  	v11 =	vmax.f32 v11, v19;
	v10 =	vadd.f32 v10, v12;
	v12 =	vsel vm0, $0x3F800000, v48  }
0x13a: {  	v11 =	vmax.f32 v11, v7;
	vm0 =	vgt.f32 v2, v5;
	v9 =	vadd.f32 v9, v12  }
0x13b: {  	[tilespmem:$0x1FB70] =	vst v21;
	v12 =	vadd.f32 v15, v13;
	v21 =	vmax.f32 v11, v29;
	v11 =	vsel vm0, $0x3F800000, v48  }
0x13c: {  	v13 =	vsel vm1, $0x3F800000, v48;
	vm1 =	vgt.f32 v0, v5;
	vm0 =	vgt.f32 v21, v4  }
0x13d: {  	vm15 =	vgt.f32 v21, v1;
	v9 =	vadd.f32 v9, v11;
	v11 =	vadd.f32 v12, v13  }
0x13e: {  	v12 =	vsel vm0, $0x3F800000, v48;
	v13 =	vsel vm2, $0x3F800000, v48;
	vm0 =	vgt.f32 v2, v6  }
0x13f: {  	vm2 =	vgt.f32 v5, v1;
	v10 =	vadd.f32 v10, v12;
	v12 =	vsel vm1, $0x3F800000, v48  }
0x140: {  	vm1 =	vgt.f32 v4, v1;
	v15 =	vsel vm2, $0x3F800000, v48;
	vm2 =	vgt.f32 v6, v1  }
0x141: {  	v9 =	vadd.f32 v9, v12;
	v11 =	vadd.f32 v11, v13;
	v12 =	vsel vm0, $0x3F800000, v48  }
0x142: {  	v13 =	vsel vm1, $0x3F800000, v48;
	vm0 =	vgt.f32 v21, v5;
	vm1 =	vgt.f32 v0, v6  }
0x143: {  	vm4 =	vlt.f32 v10, $3.000000000e+00;
	v11 =	vadd.f32 v11, v12;
	v12 =	vadd.f32 v15, v13  }
0x144: {  	v13 =	vsel vm0, $0x3F800000, v48;
	v15 =	vsel vm2, $0x3F800000, v48;
	vm0 =	vgt.f32 v3, v1  }
0x145: {  	vm2 =	vgt.f32 v5, v3;
	v9 =	vadd.f32 v9, v13;
	v13 =	vsel vm1, $0x3F800000, v48  }
0x146: {  	vm1 =	vgt.f32 v4, v3;
	v10 =	vadd.f32 v11, v13;
	v11 =	vadd.f32 v12, v15  }
0x147: {  	v12 =	vsel vm0, $0x3F800000, v48;
	v13 =	vsel vm1, $0x3F800000, v48;
	v15 =	vsel vm2, $0x3F800000, v48  }
0x148: {  	vm0 =	vgt.f32 v21, v6;
	vm1 =	vgt.f32 v2, v1;
	vm2 =	vgt.f32 v6, v3  }
0x149: {  	vm5 =	vlt.f32 v9, $3.000000000e+00;
	v11 =	vadd.f32 v11, v12;
	v12 =	vadd.f32 v15, v13  }
0x14a: {  	v13 =	vsel vm0, $0x3F800000, v48;
	v15 =	vsel vm2, $0x3F800000, v48;
	vm0 =	vgt.f32 v1, v3  }
0x14b: {  	vm2 =	vgt.f32 v5, v2;
	v10 =	vadd.f32 v10, v13;
	v13 =	vsel vm1, $0x3F800000, v48  }
0x14c: {  	vm1 =	vgt.f32 v4, v2;
	v9 =	vadd.f32 v11, v13;
	v11 =	vadd.f32 v12, v15  }
0x14d: {  	v12 =	vsel vm0, $0x3F800000, v48;
	v13 =	vsel vm1, $0x3F800000, v48;
	v15 =	vsel vm2, $0x3F800000, v48  }
0x14e: {  	vm0 =	vgt.f32 v0, v1;
	vm2 =	vgt.f32 v6, v2;
	v11 =	vadd.f32 v11, v12  }
0x14f: {  	v12 =	vadd.f32 v15, v13;
	v13 =	vsel vm0, $0x3F800000, v48;
	v15 =	vsel vm2, $0x3F800000, v48  }
0x150: {  	vm2 =	vgt.f32 v4, v21;
	vm0 =	vgt.f32 v6, v21;
	v4 =	vimm.s32 $0x0  }
0x151: {  	v4 =	vsel vm0, $0xFFFFFFFF, v4;
	vm0 =	vgt.f32 v1, v21;
	v1 =	vimm.s32 $0x0  }
0x152: {  	v1 =	vsel vm0, $0xFFFFFFFF, v1  }
0x153: {  	[tilespmem:$0x1FAF0] =	vst v1;
	v1 =	vld [tilespmem:$0x1F850];
	_ =	sdelay $0x4  }
0x154: {  	[tilespmem:$0x1FB50] =	vst v31;
	v31 =	vnsel vm4, $0x0, v1;
	v1 =	vld [tilespmem:$0x1F860];
	_ =	sdelay $0x1  }
0x155: {  	[tilespmem:$0x1FAC0] =	vst v4;
	v4 =	vld [tilespmem:$0x1F890];
	_ =	sdelay $0x2  }
0x156: {  	[tilespmem:$0x1FBD0] =	vst v29;
	v29 =	vnsel vm4, $0x0, v1;
	v1 =	vld [tilespmem:$0x1F870]  }
0x157: {  	[tilespmem:$0x1F8A0] =	vst v18  }
0x158: {  	v37 =	vnsel vm4, $0x0, v4;
	v4 =	vld [tilespmem:$0x1F8A0];
	_ =	sdelay $0x2  }
0x159: {  	v38 =	vnsel vm4, $0x0, v1;
	v1 =	vld [tilespmem:$0x1F880]  }
0x15a: {  	vm14 =	vgt.f32 v3, v2;
	vm10 =	vgt.f32 v5, v0  }
0x15b: {  	vm11 =	vgt.f32 v3, v0;
	vm3 =	vgt.f32 v5, v21;
	v5 =	vnsel vm4, $0x0, v4;
	v4 =	vld [tilespmem:$0x1F8B0]  }
0x15c: {  	[tilespmem:$0x1FAD0] =	vst v61;
	vm13 =	vgt.f32 v21, v3;
	v61 =	vnsel vm4, $0x0, v55;
	vm1 =	vgt.f32 v2, v3  }
0x15d: {  	v60 =	vnsel vm4, $0x0, v54;
	v9 =	vadd.f32 v9, v13;
	v13 =	vsel vm1, $0x3F800000, v48  }
0x15e: {  	[tilespmem:$0x1FA10] =	vst v42;
	vm1 =	vgt.f32 v0, v3;
	v42 =	vnsel vm4, $0x0, v1;
	vm4 =	vgt.f32 v3, v21;
	v3 =	vld [tilespmem:$0x1F930];
	_ =	sdelay $0x1  }
0x15f: {  	[tilespmem:$0x1FB20] =	vst v63;
	v63 =	vnsel vm5, $0x0, v4;
	v4 =	vld [tilespmem:$0x1F8C0];
	_ =	sdelay $0x1  }
0x160: {  	vm12 =	vlt.f32 v10, $3.000000000e+00  }
0x161: {  	v51 =	vnsel vm12, $0x0, v3;
	v3 =	vld [tilespmem:$0x1F940];
	_ =	sdelay $0x1  }
0x162: {  	[tilespmem:$0x1FB00] =	vst v62;
	v62 =	vnsel vm5, $0x0, v4;
	v4 =	vld [tilespmem:$0x1F8D0];
	_ =	sdelay $0x2  }
0x163: {  	vm8 =	vgt.f32 v6, v0;
	v6 =	vnsel vm12, $0x0, v3;
	v3 =	vld [tilespmem:$0x1F950];
	_ =	sdelay $0x1  }
0x164: {  	v59 =	vnsel vm5, $0x0, v4;
	v4 =	vld [tilespmem:$0x1F8E0];
	_ =	sdelay $0x2  }
0x165: {  	v10 =	vadd.f32 v11, v13;
	v11 =	vadd.f32 v12, v15;
	v12 =	vnsel vm12, $0x0, v3;
	v3 =	vld [tilespmem:$0x1F960];
	_ =	sdelay $0x1  }
0x166: {  	v58 =	vnsel vm5, $0x0, v4;
	v4 =	vld [tilespmem:$0x1F8F0];
	_ =	sdelay $0x2  }
0x167: {  	[tilespmem:$0x1FA60] =	vst v50;
	v50 =	vnsel vm12, $0x0, v3;
	v3 =	vld [tilespmem:$0x1F970];
	_ =	sdelay $0x1  }
0x168: {  	v57 =	vnsel vm5, $0x0, v4;
	v4 =	vld [tilespmem:$0x1F900];
	_ =	sdelay $0x1  }
0x169: {  	v1 =	vmax.f32 v31, v29  }
0x16a: {  	v1 =	vmax.f32 v1, v38;
	v15 =	vnsel vm12, $0x0, v3;
	v3 =	vld [tilespmem:$0x1F980]  }
0x16b: {  	v1 =	vmax.f32 v1, v42  }
0x16c: {  	v1 =	vmax.f32 v1, v37;
	v56 =	vnsel vm5, $0x0, v4;
	v4 =	vld [tilespmem:$0x1F910]  }
0x16d: {  	v1 =	vmax.f32 v1, v5  }
0x16e: {  	v1 =	vmax.f32 v1, v61  }
0x16f: {  	v1 =	vmax.f32 v1, v60;
	v13 =	vnsel vm12, $0x0, v3;
	v3 =	vld [tilespmem:$0x1F990]  }
0x170: {  	v1 =	vmax.f32 v1, v63  }
0x171: {  	v1 =	vmax.f32 v1, v62;
	v55 =	vnsel vm5, $0x0, v4;
	v4 =	vld [tilespmem:$0x1F920]  }
0x172: {  	v1 =	vmax.f32 v1, v59  }
0x173: {  	v1 =	vmax.f32 v1, v58  }
0x174: {  	v1 =	vmax.f32 v1, v57;
	v47 =	vnsel vm12, $0x0, v3;
	v3 =	vld [tilespmem:$0x1F9A0]  }
0x175: {  	v1 =	vmax.f32 v1, v56  }
0x176: {  	vm0 =	vgt.f32 v21, v2;
	v1 =	vmax.f32 v1, v55;
	v54 =	vnsel vm5, $0x0, v4  }
0x177: {  	[tilespmem:$0x1FC50] =	vst v5;
	v5 =	vsel vm13, $0x3F800000, v48;
	vm13 =	vgt.f32 v21, v0;
	v1 =	vmax.f32 v1, v54  }
0x178: {  	vm5 =	vgt.f32 v0, v2;
	v4 =	vsel vm1, $0x3F800000, v48;
	v1 =	vmax.f32 v1, v51  }
0x179: {  	[tilespmem:$0x1FB60] =	vst v16;
	v1 =	vmax.f32 v1, v6;
	v16 =	vnsel vm12, $0x0, v3;
	v3 =	vsel vm15, $0x3F800000, v48  }
0x17a: {  	vm12 =	vgt.f32 v2, v0;
	vm15 =	vgt.f32 v2, v21;
	v2 =	vsel vm6, $0x3F800000, v48  }
0x17b: {  	[tilespmem:$0x1FD10] =	vst v6;
	v6 =	vsel vm14, $0x3F800000, v48;
	vm14 =	vgt.f32 v0, v21;
	v0 =	vadd.f32 v11, v2  }
0x17c: {  	v2 =	vadd.f32 v9, v3;
	v3 =	vadd.f32 v10, v4;
	_ =	sdelay $0x1  }
0x17d: {  	vm1 =	vlt.f32 v2, $3.000000000e+00;
	v2 =	vadd.f32 v3, v5;
	_ =	sdelay $0x1  }
0x17e: {  	v3 =	vsel vm0, $0x3F800000, v48;
	vm0 =	vlt.f32 v2, $3.000000000e+00;
	v2 =	vld [tilespmem:$0x1F9B0];
	_ =	sdelay $0x4  }
0x17f: {  	v52 =	vnsel vm1, $0x0, v2;
	v2 =	vld [tilespmem:$0x1F9C0];
	_ =	sdelay $0x2  }
0x180: {  	v1 =	vmax.f32 v1, v12  }
0x181: {  	v1 =	vmax.f32 v1, v50  }
0x182: {  	v1 =	vmax.f32 v1, v15;
	v53 =	vnsel vm1, $0x0, v2;
	v2 =	vld [tilespmem:$0x1F9D0]  }
0x183: {  	v1 =	vmax.f32 v1, v13;
	v0 =	vadd.f32 v0, v6  }
0x184: {  	v1 =	vmax.f32 v1, v47;
	v4 =	vsel vm5, $0x3F800000, v48  }
0x185: {  	v1 =	vmax.f32 v1, v16;
	v0 =	vadd.f32 v0, v4  }
0x186: {  	v1 =	vmax.f32 v1, v52  }
0x187: {  	v0 =	vadd.f32 v0, v3;
	v1 =	vmax.f32 v1, v53;
	v2 =	vnsel vm1, $0x0, v2  }
0x188: {  	v3 =	vsel vm10, $0x3F800000, v48;
	[tilespmem:$0x1FDA0] =	vst v2;
	v1 =	vmax.f32 v1, v2;
	v2 =	vsel vm9, $0x3F800000, v48  }
0x189: {  	v2 =	vadd.f32 v3, v2;
	v3 =	vld [tilespmem:$0x1F9E0];
	_ =	sdelay $0x4  }
0x18a: {  	v49 =	vnsel vm1, $0x0, v3;
	v3 =	vld [tilespmem:$0x1F9F0];
	_ =	sdelay $0x4  }
0x18b: {  	v44 =	vnsel vm1, $0x0, v45;
	v45 =	vnsel vm1, $0x0, v3;
	v3 =	vsel vm8, $0x3F800000, v48  }
0x18c: {  	v2 =	vadd.f32 v2, v3;
	v3 =	vld [tilespmem:$0x1FA00];
	_ =	sdelay $0x4  }
0x18d: {  	v46 =	vnsel vm1, $0x0, v3;
	v3 =	vsel vm7, $0x3F800000, v48  }
0x18e: {  	v2 =	vadd.f32 v2, v3;
	v3 =	vld [tilespmem:$0x1FA10];
	_ =	sdelay $0x4  }
0x18f: {  	v43 =	vnsel vm1, $0x0, v41;
	v41 =	vnsel vm0, $0x0, v3;
	v3 =	vld [tilespmem:$0x1FA20];
	_ =	sdelay $0x4  }
0x190: {  	v39 =	vnsel vm0, $0x0, v3;
	v3 =	vsel vm11, $0x3F800000, v48  }
0x191: {  	v2 =	vadd.f32 v2, v3;
	v3 =	vld [tilespmem:$0x1FA30];
	_ =	sdelay $0x3  }
0x192: {  	[tilespmem:$0x1FA40] =	vst v36  }
0x193: {  	v40 =	vnsel vm0, $0x0, v3;
	v3 =	vld [tilespmem:$0x1FA40];
	_ =	sdelay $0x4  }
0x194: {  	v35 =	vnsel vm0, $0x0, v3;
	v3 =	vsel vm12, $0x3F800000, v48  }
0x195: {  	v2 =	vadd.f32 v2, v3;
	v3 =	vld [tilespmem:$0x1FA50]  }
0x196: {  	v1 =	vmax.f32 v1, v44  }
0x197: {  	v1 =	vmax.f32 v1, v49  }
0x198: {  	v1 =	vmax.f32 v1, v45  }
0x199: {  	v1 =	vmax.f32 v1, v46  }
0x19a: {  	v1 =	vmax.f32 v1, v43;
	v36 =	vnsel vm0, $0x0, v3;
	v3 =	vld [tilespmem:$0x1FA60]  }
0x19b: {  	v1 =	vmax.f32 v1, v41  }
0x19c: {  	vm1 =	vlt.f32 v0, $3.000000000e+00;
	v0 =	vld [tilespmem:$0x1FA70];
	v1 =	vmax.f32 v1, v39  }
0x19d: {  	v1 =	vmax.f32 v1, v40  }
0x19e: {  	v1 =	vmax.f32 v1, v35  }
0x19f: {  	v1 =	vmax.f32 v1, v36;
	v34 =	vnsel vm0, $0x0, v3  }
0x1a0: {  	v32 =	vnsel vm0, $0x0, v33;
	v1 =	vmax.f32 v1, v34  }
0x1a1: {  	v33 =	vnsel vm0, $0x0, v0;
	v0 =	vmax.f32 v1, v32;
	v1 =	vld [tilespmem:$0x1FA80];
	_ =	sdelay $0x4  }
0x1a2: {  	v30 =	vnsel vm1, $0x0, v1;
	v1 =	vld [tilespmem:$0x1FA90]  }
0x1a3: {  	v3 =	vsel vm13, $0x3F800000, v48  }
0x1a4: {  	v2 =	vadd.f32 v2, v3;
	_ =	sdelay $0x1  }
0x1a5: {  	vm0 =	vlt.f32 v2, $3.000000000e+00  }
0x1a6: {  	[tilespmem:$0x1FAB0] =	vst v26;
	v2 =	vsel vm3, $0x3F800000, v48;
	v26 =	vnsel vm1, $0x0, v1;
	v1 =	vsel vm2, $0x3F800000, v48  }
0x1a7: {  	v1 =	vadd.f32 v2, v1;
	v2 =	vld [tilespmem:$0x1FAA0];
	_ =	sdelay $0x4  }
0x1a8: {  	v27 =	vnsel vm1, $0x0, v2;
	v2 =	vld [tilespmem:$0x1FAB0];
	_ =	sdelay $0x4  }
0x1a9: {  	v24 =	vnsel vm1, $0x0, v2;
	v2 =	vld [tilespmem:$0x1FAC0];
	_ =	sdelay $0x4  }
0x1aa: {  	vm2 =	vnez.u8 v2  }
0x1ab: {  	v2 =	vsel vm2, $0x3F800000, v48  }
0x1ac: {  	v1 =	vadd.f32 v1, v2;
	v2 =	vld [tilespmem:$0x1FAD0];
	_ =	sdelay $0x4  }
0x1ad: {  	[tilespmem:$0x1FB80] =	vst v25;
	v25 =	vnsel vm1, $0x0, v2;
	v2 =	vld [tilespmem:$0x1FAE0];
	_ =	sdelay $0x4  }
0x1ae: {  	v23 =	vnsel vm1, $0x0, v2;
	v2 =	vld [tilespmem:$0x1FAF0];
	_ =	sdelay $0x4  }
0x1af: {  	vm2 =	vnez.u8 v2  }
0x1b0: {  	v2 =	vsel vm2, $0x3F800000, v48  }
0x1b1: {  	v1 =	vadd.f32 v1, v2;
	v2 =	vld [tilespmem:$0x1FB00];
	_ =	sdelay $0x3  }
0x1b2: {  	[tilespmem:$0x1FB10] =	vst v22  }
0x1b3: {  	v22 =	vnsel vm1, $0x0, v2;
	v2 =	vld [tilespmem:$0x1FB10];
	_ =	sdelay $0x2  }
0x1b4: {  	[tilespmem:$0x1FB30] =	vst v20  }
0x1b5: {  	[tilespmem:$0x1FB90] =	vst v17  }
0x1b6: {  	[tilespmem:$0x1FC60] =	vst v61;
	v21 =	vnsel vm0, $0x0, v2;
	v2 =	vsel vm4, $0x3F800000, v48  }
0x1b7: {  	[tilespmem:$0x1FC70] =	vst v60;
	v1 =	vadd.f32 v1, v2;
	v2 =	vld [tilespmem:$0x1FB20]  }
0x1b8: {  	[tilespmem:$0x1FC40] =	vst v37  }
0x1b9: {  	[tilespmem:$0x1FBE0] =	vst v31  }
0x1ba: {  	[tilespmem:$0x1FBF0] =	vst v29  }
0x1bb: {  	[tilespmem:$0x1FC80] =	vst v63  }
0x1bc: {  	[tilespmem:$0x1FC00] =	vst v38;
	v20 =	vnsel vm0, $0x0, v2;
	v2 =	vld [tilespmem:$0x1FB30]  }
0x1bd: {  	[tilespmem:$0x1FC90] =	vst v62  }
0x1be: {  	[tilespmem:$0x1FC30] =	vst v42  }
0x1bf: {  	[tilespmem:$0x1FCA0] =	vst v59  }
0x1c0: {  	[tilespmem:$0x1FD00] =	vst v51  }
0x1c1: {  	v8 =	vmov v19;
	[tilespmem:$0x1FCB0] =	vst v58;
	v19 =	vnsel vm0, $0x0, v2;
	v2 =	vsel vm15, $0x3F800000, v48  }
0x1c2: {  	[tilespmem:$0x1FCC0] =	vst v57;
	v1 =	vadd.f32 v1, v2;
	v2 =	vld [tilespmem:$0x1FB40]  }
0x1c3: {  	[tilespmem:$0x1FD20] =	vst v12  }
0x1c4: {  	[tilespmem:$0x1FCD0] =	vst v56  }
0x1c5: {  	[tilespmem:$0x1FD30] =	vst v50  }
0x1c6: {  	[tilespmem:$0x1FCE0] =	vst v55  }
0x1c7: {  	[tilespmem:$0x1FD40] =	vst v15;
	v18 =	vnsel vm0, $0x0, v2;
	v2 =	vsel vm14, $0x3F800000, v48  }
0x1c8: {  	[tilespmem:$0x1FCF0] =	vst v54;
	v1 =	vadd.f32 v1, v2  }
0x1c9: {  	[tilespmem:$0x1FD50] =	vst v13  }
0x1ca: {  	[tilespmem:$0x1FD60] =	vst v47;
	v28 =	vnsel vm1, $0x0, v28;
	vm1 =	vlt.f32 v1, $3.000000000e+00;
	v1 =	vld [tilespmem:$0x1FB70]  }
0x1cb: {  	[tilespmem:$0x1FD70] =	vst v16  }
0x1cc: {  	[tilespmem:$0x1FDB0] =	vst v44  }
0x1cd: {  	[tilespmem:$0x1FDF0] =	vst v43  }
0x1ce: {  	[tilespmem:$0x1FE60] =	vst v32  }
0x1cf: {  	[tilespmem:$0x1FD80] =	vst v52;
	v17 =	vnsel vm0, $0x0, v14;
	v14 =	vnsel vm0, $0x0, v1;
	v1 =	vld [tilespmem:$0x1FB80]  }
0x1d0: {  	[tilespmem:$0x1FD90] =	vst v53  }
0x1d1: {  	[tilespmem:$0x1FDC0] =	vst v49  }
0x1d2: {  	[tilespmem:$0x1FDD0] =	vst v45  }
0x1d3: {  	[tilespmem:$0x1FDE0] =	vst v46  }
0x1d4: {  	[tilespmem:$0x1FE90] =	vst v28;
	v13 =	vnsel vm1, $0x0, v1;
	v1 =	vld [tilespmem:$0x1FB90]  }
0x1d5: {  	[tilespmem:$0x1FE70] =	vst v33  }
0x1d6: {  	[tilespmem:$0x1FE00] =	vst v41;
	v0 =	vmax.f32 v0, v33  }
0x1d7: {  	[tilespmem:$0x1FE10] =	vst v39;
	v0 =	vmax.f32 v0, v30  }
0x1d8: {  	[tilespmem:$0x1FE20] =	vst v40;
	v0 =	vmax.f32 v0, v28  }
0x1d9: {  	[tilespmem:$0x1FE30] =	vst v35;
	v0 =	vmax.f32 v0, v26;
	v12 =	vnsel vm1, $0x0, v1;
	v1 =	vld [tilespmem:$0x1FBA0]  }
0x1da: {  	[tilespmem:$0x1FE40] =	vst v36;
	v0 =	vmax.f32 v0, v27;
	v2 =	vld [tilespmem:$0x1FB50]  }
0x1db: {  	[tilespmem:$0x1FE50] =	vst v34;
	v0 =	vmax.f32 v0, v24  }
0x1dc: {  	[tilespmem:$0x1FF40] =	vst v17;
	v0 =	vmax.f32 v0, v25  }
0x1dd: {  	[tilespmem:$0x1FE80] =	vst v30;
	v0 =	vmax.f32 v0, v23  }
0x1de: {  	[tilespmem:$0x1FEA0] =	vst v26;
	v0 =	vmax.f32 v0, v22;
	v11 =	vnsel vm1, $0x0, v1;
	v1 =	vld [tilespmem:$0x1FBB0]  }
0x1df: {  	[tilespmem:$0x1FEB0] =	vst v27;
	v0 =	vmax.f32 v0, v21;
	v16 =	vnsel vm0, $0x0, v2;
	v2 =	vld [tilespmem:$0x1FB60]  }
0x1e0: {  	[tilespmem:$0x1FEC0] =	vst v24;
	v0 =	vmax.f32 v0, v20  }
0x1e1: {  	[tilespmem:$0x1FED0] =	vst v25;
	v0 =	vmax.f32 v0, v19  }
0x1e2: {  	[tilespmem:$0x1FEE0] =	vst v23;
	v0 =	vmax.f32 v0, v18  }
0x1e3: {  	[tilespmem:$0x1FEF0] =	vst v22;
	v0 =	vmax.f32 v0, v17;
	v10 =	vnsel vm1, $0x0, v1;
	v1 =	vld [tilespmem:$0x1FBC0]  }
0x1e4: {  	[tilespmem:$0x1FF00] =	vst v21;
	v0 =	vmax.f32 v0, v16;
	v15 =	vnsel vm0, $0x0, v2  }
0x1e5: {  	[tilespmem:$0x1FF10] =	vst v20;
	v0 =	vmax.f32 v0, v15  }
0x1e6: {  	[tilespmem:$0x1FF20] =	vst v19;
	v0 =	vmax.f32 v0, v14  }
0x1e7: {  	[tilespmem:$0x1FF30] =	vst v18;
	v8 =	vnsel vm1, $0x0, v8;
	v0 =	vmax.f32 v0, v13  }
0x1e8: {  	v7 =	vnsel vm1, $0x0, v7;
	[tilespmem:$0x1FFD0] =	vst v8;
	v0 =	vmax.f32 v0, v12;
	v9 =	vnsel vm1, $0x0, v1;
	v1 =	vld [tilespmem:$0x1FBD0]  }
0x1e9: {  	[tilespmem:$0x1FFE0] =	vst v7;
	v0 =	vmax.f32 v0, v11  }
0x1ea: {  	[tilespmem:$0x1FF50] =	vst v16;
	v0 =	vmax.f32 v0, v10  }
0x1eb: {  	[tilespmem:$0x1FF70] =	vst v14;
	v0 =	vmax.f32 v0, v9  }
0x1ec: {  	[tilespmem:$0x1FF60] =	vst v15;
	v0 =	vmax.f32 v0, v8  }
0x1ed: {  	[tilespmem:$0x1FF80] =	vst v13;
	v0 =	vmax.f32 v0, v7;
	v6 =	vnsel vm1, $0x0, v1  }
0x1ee: {  	v48 =	vld [tilespmem:$0x1FDA0];
	[tilespmem:$0x1FF90] =	vst v12;
	v5 =	vmax.f32 v0, v6  }
0x1ef: {  	v2 =	vmov v42;
	[tilespmem:$0x1FFA0] =	vst v11;
	vm2 =	veq.f32 v29, v5;
	vm0 =	veq.f32 v42, v5;
	v42 =	vld [tilespmem:$0x1FD40]  }
0x1f0: {  	[tilespmem:$0x1FFB0] =	vst v10;
	vm1 =	veq.f32 v31, v5;
	v1 =	vsel vm2, $0xBF800000, v29;
	v29 =	vld [tilespmem:$0x1FD20]  }
0x1f1: {  	[tilespmem:$0x1FFC0] =	vst v9;
	vm3 =	veq.f32 v38, v5;
	v0 =	vsel vm1, $0xBF800000, v31;
	v31 =	vld [tilespmem:$0x1FD50]  }
0x1f2: {  	[tilespmem:$0x1FFF0] =	vst v6;
	v4 =	vsel vm3, $0xBF800000, v38;
	v38 =	vld [tilespmem:$0x1FD70]  }
0x1f3: {  	[tilespmem:$0x1FC20] =	vst v1;
	v3 =	vmax.f32 v0, v1;
	v1 =	vld [tilespmem:$0x1FC50]  }
0x1f4: {  	s9 =	simm.s32 $0x6;
	vm1 =	veq.f32 v37, v5;
	[tilespmem:$0x1FC10] =	vst v0;
	v0 =	vmov v37;
	v37 =	vld [tilespmem:$0x1FD10]  }
.LBB2_3:
0x1f5: {  	_ =	sdelay $0x1  }
0x1f6: {  	v3 =	vmax.f32 v3, v4;
	v2 =	vsel vm0, $0xBF800000, v2  }
0x1f7: {  	v0 =	vsel vm1, $0xBF800000, v0;
	vm0 =	veq.f32 v1, v5;
	v3 =	vmax.f32 v3, v2  }
0x1f8: {  	v1 =	vsel vm0, $0xBF800000, v1;
	v3 =	vmax.f32 v3, v0;
	vm1 =	veq.f32 v61, v5  }
0x1f9: {  	v3 =	vmax.f32 v3, v1;
	v61 =	vsel vm1, $0xBF800000, v61  }
0x1fa: {  	vm0 =	veq.f32 v60, v5;
	vm1 =	veq.f32 v63, v5;
	v3 =	vmax.f32 v3, v61  }
0x1fb: {  	[tilespmem:$0x1F5C0] =	vst v61;
	v61 =	vsel vm0, $0xBF800000, v60;
	v60 =	vsel vm1, $0xBF800000, v63;
	vm0 =	veq.f32 v62, v5  }
0x1fc: {  	vm1 =	veq.f32 v59, v5;
	v3 =	vmax.f32 v3, v61;
	v62 =	vsel vm0, $0xBF800000, v62  }
0x1fd: {  	v59 =	vsel vm1, $0xBF800000, v59;
	vm0 =	veq.f32 v58, v5;
	vm1 =	veq.f32 v57, v5  }
0x1fe: {  	v3 =	vmax.f32 v3, v60;
	v58 =	vsel vm0, $0xBF800000, v58;
	v57 =	vsel vm1, $0xBF800000, v57  }
0x1ff: {  	vm0 =	veq.f32 v56, v5;
	vm1 =	veq.f32 v55, v5;
	v3 =	vmax.f32 v3, v62  }
0x200: {  	v56 =	vsel vm0, $0xBF800000, v56;
	v55 =	vsel vm1, $0xBF800000, v55;
	vm0 =	veq.f32 v54, v5  }
0x201: {  	vm1 =	veq.f32 v51, v5;
	v3 =	vmax.f32 v3, v59;
	v54 =	vsel vm0, $0xBF800000, v54  }
0x202: {  	v51 =	vsel vm1, $0xBF800000, v51;
	vm0 =	veq.f32 v37, v5;
	vm1 =	veq.f32 v29, v5  }
0x203: {  	v3 =	vmax.f32 v3, v58;
	v37 =	vsel vm0, $0xBF800000, v37;
	v29 =	vsel vm1, $0xBF800000, v29  }
0x204: {  	vm0 =	veq.f32 v50, v5;
	vm1 =	veq.f32 v42, v5;
	v3 =	vmax.f32 v3, v57  }
0x205: {  	v50 =	vsel vm0, $0xBF800000, v50;
	v42 =	vsel vm1, $0xBF800000, v42;
	v3 =	vmax.f32 v3, v56  }
0x206: {  	vm0 =	veq.f32 v31, v5;
	vm1 =	veq.f32 v47, v5;
	v3 =	vmax.f32 v3, v55  }
0x207: {  	v31 =	vsel vm0, $0xBF800000, v31;
	v47 =	vsel vm1, $0xBF800000, v47;
	v3 =	vmax.f32 v3, v54  }
0x208: {  	vm0 =	veq.f32 v38, v5;
	vm1 =	veq.f32 v52, v5;
	v3 =	vmax.f32 v3, v51  }
0x209: {  	v38 =	vsel vm0, $0xBF800000, v38;
	v52 =	vsel vm1, $0xBF800000, v52;
	v3 =	vmax.f32 v3, v37  }
0x20a: {  	vm0 =	veq.f32 v53, v5;
	vm1 =	veq.f32 v48, v5;
	v3 =	vmax.f32 v3, v29  }
0x20b: {  	v53 =	vsel vm0, $0xBF800000, v53;
	v48 =	vsel vm1, $0xBF800000, v48;
	v3 =	vmax.f32 v3, v50  }
0x20c: {  	vm0 =	veq.f32 v44, v5;
	vm1 =	veq.f32 v49, v5;
	v3 =	vmax.f32 v3, v42  }
0x20d: {  	v44 =	vsel vm0, $0xBF800000, v44;
	v49 =	vsel vm1, $0xBF800000, v49;
	v3 =	vmax.f32 v3, v31  }
0x20e: {  	vm0 =	veq.f32 v45, v5;
	vm1 =	veq.f32 v46, v5;
	v3 =	vmax.f32 v3, v47  }
0x20f: {  	v45 =	vsel vm0, $0xBF800000, v45;
	v46 =	vsel vm1, $0xBF800000, v46;
	v3 =	vmax.f32 v3, v38  }
0x210: {  	vm0 =	veq.f32 v43, v5;
	vm1 =	veq.f32 v41, v5;
	v3 =	vmax.f32 v3, v52  }
0x211: {  	v43 =	vsel vm0, $0xBF800000, v43;
	v41 =	vsel vm1, $0xBF800000, v41;
	v3 =	vmax.f32 v3, v53  }
0x212: {  	vm0 =	veq.f32 v39, v5;
	vm1 =	veq.f32 v40, v5;
	v3 =	vmax.f32 v3, v48  }
0x213: {  	v39 =	vsel vm0, $0xBF800000, v39;
	v40 =	vsel vm1, $0xBF800000, v40;
	v3 =	vmax.f32 v3, v44  }
0x214: {  	vm0 =	veq.f32 v35, v5;
	vm1 =	veq.f32 v36, v5;
	v3 =	vmax.f32 v3, v49  }
0x215: {  	v35 =	vsel vm0, $0xBF800000, v35;
	v36 =	vsel vm1, $0xBF800000, v36;
	v3 =	vmax.f32 v3, v45  }
0x216: {  	vm0 =	veq.f32 v34, v5;
	vm1 =	veq.f32 v32, v5;
	v3 =	vmax.f32 v3, v46  }
0x217: {  	v34 =	vsel vm0, $0xBF800000, v34;
	v32 =	vsel vm1, $0xBF800000, v32;
	v3 =	vmax.f32 v3, v43  }
0x218: {  	vm0 =	veq.f32 v33, v5;
	vm1 =	veq.f32 v30, v5;
	v3 =	vmax.f32 v3, v41  }
0x219: {  	v33 =	vsel vm0, $0xBF800000, v33;
	v30 =	vsel vm1, $0xBF800000, v30;
	v3 =	vmax.f32 v3, v39  }
0x21a: {  	vm0 =	veq.f32 v28, v5;
	vm1 =	veq.f32 v26, v5;
	v3 =	vmax.f32 v3, v40  }
0x21b: {  	v28 =	vsel vm0, $0xBF800000, v28;
	v26 =	vsel vm1, $0xBF800000, v26;
	v3 =	vmax.f32 v3, v35  }
0x21c: {  	vm0 =	veq.f32 v27, v5;
	vm1 =	veq.f32 v24, v5;
	v3 =	vmax.f32 v3, v36  }
0x21d: {  	v27 =	vsel vm0, $0xBF800000, v27;
	v24 =	vsel vm1, $0xBF800000, v24;
	v3 =	vmax.f32 v3, v34  }
0x21e: {  	vm0 =	veq.f32 v25, v5;
	vm1 =	veq.f32 v23, v5;
	v3 =	vmax.f32 v3, v32  }
0x21f: {  	v63 =	vmovc v62;
	v25 =	vsel vm0, $0xBF800000, v25;
	v23 =	vsel vm1, $0xBF800000, v23;
	v3 =	vmax.f32 v3, v33  }
0x220: {  	v62 =	vmovc v59;
	vm0 =	veq.f32 v22, v5;
	vm1 =	veq.f32 v21, v5;
	v3 =	vmax.f32 v3, v30  }
0x221: {  	v59 =	vmovc v58;
	v58 =	vmovc v57;
	v22 =	vsel vm0, $0xBF800000, v22;
	v21 =	vsel vm1, $0xBF800000, v21;
	v3 =	vmax.f32 v3, v28  }
0x222: {  	v57 =	vmovc v56;
	vm0 =	veq.f32 v20, v5;
	vm1 =	veq.f32 v19, v5;
	v3 =	vmax.f32 v3, v26  }
0x223: {  	v56 =	vmovc v55;
	v55 =	vmovc v54;
	v20 =	vsel vm0, $0xBF800000, v20;
	v19 =	vsel vm1, $0xBF800000, v19;
	v3 =	vmax.f32 v3, v27  }
0x224: {  	v54 =	vmovc v51;
	vm0 =	veq.f32 v18, v5;
	vm1 =	veq.f32 v17, v5;
	v3 =	vmax.f32 v3, v24  }
0x225: {  	v51 =	vmovc v37;
	v37 =	vmovc v29;
	v18 =	vsel vm0, $0xBF800000, v18;
	v17 =	vsel vm1, $0xBF800000, v17;
	v3 =	vmax.f32 v3, v25  }
0x226: {  	v29 =	vmovc v50;
	vm0 =	veq.f32 v16, v5;
	vm1 =	veq.f32 v15, v5;
	v3 =	vmax.f32 v3, v23  }
0x227: {  	v50 =	vmovc v42;
	v42 =	vmovc v31;
	v16 =	vsel vm0, $0xBF800000, v16;
	v15 =	vsel vm1, $0xBF800000, v15;
	v3 =	vmax.f32 v3, v22  }
0x228: {  	v31 =	vmovc v47;
	vm0 =	veq.f32 v14, v5;
	vm1 =	veq.f32 v13, v5;
	v3 =	vmax.f32 v3, v21  }
0x229: {  	v47 =	vmovc v38;
	v38 =	vmovc v52;
	v14 =	vsel vm0, $0xBF800000, v14;
	v13 =	vsel vm1, $0xBF800000, v13;
	v3 =	vmax.f32 v3, v20  }
0x22a: {  	v52 =	vmovc v53;
	vm0 =	veq.f32 v12, v5;
	vm1 =	veq.f32 v11, v5;
	v3 =	vmax.f32 v3, v19  }
0x22b: {  	v53 =	vmovc v48;
	v48 =	vmovc v44;
	v12 =	vsel vm0, $0xBF800000, v12;
	v11 =	vsel vm1, $0xBF800000, v11;
	v3 =	vmax.f32 v3, v18  }
0x22c: {  	v44 =	vmovc v49;
	vm0 =	veq.f32 v10, v5;
	vm1 =	veq.f32 v9, v5;
	v3 =	vmax.f32 v3, v17  }
0x22d: {  	v49 =	vmovc v45;
	v45 =	vmovc v46;
	v10 =	vsel vm0, $0xBF800000, v10;
	v9 =	vsel vm1, $0xBF800000, v9;
	v3 =	vmax.f32 v3, v16  }
0x22e: {  	v46 =	vmovc v43;
	vm0 =	veq.f32 v8, v5;
	vm1 =	veq.f32 v7, v5;
	v3 =	vmax.f32 v3, v15  }
0x22f: {  	v43 =	vmovc v41;
	v41 =	vmovc v39;
	v8 =	vsel vm0, $0xBF800000, v8;
	vm0 =	veq.f32 v6, v5;
	v3 =	vmax.f32 v3, v14  }
0x230: {  	v7 =	vsel vm1, $0xBF800000, v7;
	v39 =	vmovc v40;
	v6 =	vsel vm0, $0xBF800000, v6;
	v40 =	vmovc v35;
	v3 =	vmax.f32 v3, v13  }
0x231: {  	v35 =	vmovc v36;
	v36 =	vmovc v34;
	v34 =	vmov v32;
	v32 =	vmov v33;
	v3 =	vmax.f32 v3, v12  }
0x232: {  	v33 =	vmovc v30;
	v30 =	vmovc v28;
	v28 =	vmov v26;
	v26 =	vmov v27;
	v3 =	vmax.f32 v3, v11  }
0x233: {  	v27 =	vmovc v24;
	v24 =	vmovc v25;
	v25 =	vmov v23;
	v23 =	vmov v22;
	v3 =	vmax.f32 v3, v10  }
0x234: {  	v22 =	vmovc v21;
	v21 =	vmovc v20;
	v20 =	vmov v19;
	v19 =	vmov v18;
	v3 =	vmax.f32 v3, v9  }
0x235: {  	v18 =	vmovc v17;
	v17 =	vmovc v16;
	v16 =	vmov v15;
	v15 =	vmov v14;
	v3 =	vmax.f32 v3, v8  }
0x236: {  	v14 =	vmovc v13;
	v13 =	vmovc v12;
	v12 =	vmov v11;
	v11 =	vmov v10;
	v3 =	vmax.f32 v3, v7  }
0x237: {  	v10 =	vmovc v9;
	v9 =	vmovc v8;
	v8 =	vmov v7;
	v7 =	vmov v6;
	v5 =	vmax.f32 v3, v6;
	v6 =	vld [tilespmem:$0x1FC20]  }
0x238: {  	v3 =	vld [tilespmem:$0x1FC10];
	_ =	sdelay $0x3  }
0x239: {  	vm1 =	veq.f32 v6, v5  }
0x23a: {  	vm0 =	veq.f32 v3, v5;
	v6 =	vsel vm1, $0xBF800000, v6  }
0x23b: {  	vm2 =	veq.f32 v4, v5;
	v3 =	vsel vm0, $0xBF800000, v3  }
0x23c: {  	v4 =	vsel vm2, $0xBF800000, v4;
	vm0 =	veq.f32 v2, v5;
	[tilespmem:$0x1FC10] =	vst v3  }
0x23d: {  	vm1 =	veq.f32 v0, v5;
	[tilespmem:$0x1FC20] =	vst v6;
	v3 =	vmax.f32 v3, v6;
	v6 =	vmovc v7;
	v7 =	vmov v8  }
0x23e: {  	v8 =	vmovc v9;
	v9 =	vmovc v10;
	v10 =	vmov v11;
	v11 =	vmov v12;
	v12 =	vmov v13  }
0x23f: {  	v13 =	vmovc v14;
	v14 =	vmovc v15;
	v15 =	vmov v16;
	v16 =	vmov v17;
	v17 =	vmov v18  }
0x240: {  	v18 =	vmovc v19;
	v19 =	vmovc v20;
	v20 =	vmov v21;
	v21 =	vmov v22;
	v22 =	vmov v23  }
0x241: {  	v23 =	vmovc v25;
	v25 =	vmovc v24;
	v24 =	vmov v27;
	v27 =	vmov v26;
	v26 =	vmov v28  }
0x242: {  	v28 =	vmovc v30;
	v30 =	vmovc v33;
	v33 =	vmov v32;
	v32 =	vmov v34;
	v34 =	vmov v36  }
0x243: {  	p0 =	sne.s32 s9, $0x1;
	v36 =	vmovc v35;
	v35 =	vmovc v40;
	v40 =	vmov v39;
	v39 =	vmov v41;
	v41 =	vmov v43  }
.Ltmp1:
0x244: {  	v43 =	vmovc v46;
	v46 =	vmovc v45;
	v45 =	vmov v49;
	v49 =	vmov v44;
	v44 =	vmov v48;
	(pc) =	sbr.rel @p0 .LBB2_3-.Ltmp1, $4  }
0x245: {  	v48 =	vmovc v53;
	v53 =	vmovc v52;
	v52 =	vmov v38;
	v38 =	vmov v47;
	v47 =	vmov v31  }
0x246: {  	v31 =	vmovc v42;
	v42 =	vmovc v50;
	v50 =	vmov v29;
	v29 =	vmov v37;
	v37 =	vmov v51  }
0x247: {  	v51 =	vmovc v54;
	v54 =	vmovc v55;
	v55 =	vmov v56;
	v56 =	vmov v57;
	v57 =	vmov v58  }
0x248: {  	s9 =	sadd.s32 $0xFFFFFFFF, s9;
	v58 =	vmovc v59;
	v59 =	vmovc v62;
	v62 =	vmov v63;
	v63 =	vmov v60;
	v60 =	vmov v61;
	v61 =	vld [tilespmem:$0x1F5C0]  }
0x249: {  	_ =	sdelay $0x1  }
0x24a: {  	v2 =	vsel vm0, $0xBF800000, v2;
	v3 =	vmax.f32 v3, v4  }
0x24b: {  	[tilespmem:$0x1F550] =	vst v4;
	v4 =	vsel vm1, $0xBF800000, v0;
	vm7 =	veq.f32 v1, v5;
	v0 =	vmax.f32 v3, v2  }
0x24c: {  	v3 =	vsel vm7, $0xBF800000, v1;
	v0 =	vmax.f32 v0, v4;
	vm8 =	veq.f32 v61, v5  }
0x24d: {  	vm9 =	veq.f32 v60, v5;
	v0 =	vmax.f32 v0, v3;
	v61 =	vsel vm8, $0xBF800000, v61  }
0x24e: {  	vm10 =	veq.f32 v63, v5;
	v60 =	vsel vm9, $0xBF800000, v60;
	v0 =	vmax.f32 v0, v61  }
0x24f: {  	vm11 =	veq.f32 v62, v5;
	v63 =	vsel vm10, $0xBF800000, v63;
	v0 =	vmax.f32 v0, v60  }
0x250: {  	vm12 =	veq.f32 v59, v5;
	v62 =	vsel vm11, $0xBF800000, v62;
	v0 =	vmax.f32 v0, v63  }
0x251: {  	vm13 =	veq.f32 v58, v5;
	v59 =	vsel vm12, $0xBF800000, v59;
	v0 =	vmax.f32 v0, v62  }
0x252: {  	vm14 =	veq.f32 v57, v5;
	v58 =	vsel vm13, $0xBF800000, v58;
	v0 =	vmax.f32 v0, v59  }
0x253: {  	vm15 =	veq.f32 v56, v5;
	v57 =	vsel vm14, $0xBF800000, v57;
	v0 =	vmax.f32 v0, v58  }
0x254: {  	vm4 =	veq.f32 v55, v5;
	v56 =	vsel vm15, $0xBF800000, v56;
	v0 =	vmax.f32 v0, v57  }
0x255: {  	vm5 =	veq.f32 v54, v5;
	v55 =	vsel vm4, $0xBF800000, v55;
	v0 =	vmax.f32 v0, v56  }
0x256: {  	vm6 =	veq.f32 v51, v5;
	v54 =	vsel vm5, $0xBF800000, v54;
	v0 =	vmax.f32 v0, v55  }
0x257: {  	v51 =	vsel vm6, $0xBF800000, v51;
	vm7 =	veq.f32 v37, v5;
	v0 =	vmax.f32 v0, v54  }
0x258: {  	v37 =	vsel vm7, $0xBF800000, v37;
	vm8 =	veq.f32 v29, v5;
	v0 =	vmax.f32 v0, v51  }
0x259: {  	vm9 =	veq.f32 v50, v5;
	v29 =	vsel vm8, $0xBF800000, v29;
	v0 =	vmax.f32 v0, v37  }
0x25a: {  	vm10 =	veq.f32 v42, v5;
	v50 =	vsel vm9, $0xBF800000, v50;
	v0 =	vmax.f32 v0, v29  }
0x25b: {  	vm11 =	veq.f32 v31, v5;
	v42 =	vsel vm10, $0xBF800000, v42;
	v0 =	vmax.f32 v0, v50  }
0x25c: {  	vm12 =	veq.f32 v47, v5;
	v31 =	vsel vm11, $0xBF800000, v31;
	v0 =	vmax.f32 v0, v42  }
0x25d: {  	vm13 =	veq.f32 v38, v5;
	v47 =	vsel vm12, $0xBF800000, v47;
	v0 =	vmax.f32 v0, v31  }
0x25e: {  	vm14 =	veq.f32 v52, v5;
	[tilespmem:$0x1F570] =	vst v3;
	v38 =	vsel vm13, $0xBF800000, v38;
	v3 =	vmax.f32 v0, v47  }
0x25f: {  	vm15 =	veq.f32 v53, v5;
	v0 =	vsel vm14, $0xBF800000, v52;
	v3 =	vmax.f32 v3, v38  }
0x260: {  	vm4 =	veq.f32 v48, v5;
	v53 =	vsel vm15, $0xBF800000, v53;
	v3 =	vmax.f32 v3, v0  }
0x261: {  	vm5 =	veq.f32 v44, v5;
	v52 =	vsel vm4, $0xBF800000, v48;
	v3 =	vmax.f32 v3, v53  }
0x262: {  	vm6 =	veq.f32 v49, v5;
	v48 =	vsel vm5, $0xBF800000, v44;
	v3 =	vmax.f32 v3, v52  }
0x263: {  	v49 =	vsel vm6, $0xBF800000, v49;
	vm7 =	veq.f32 v45, v5;
	v3 =	vmax.f32 v3, v48  }
0x264: {  	v45 =	vsel vm7, $0xBF800000, v45;
	vm8 =	veq.f32 v46, v5;
	v3 =	vmax.f32 v3, v49  }
0x265: {  	vm9 =	veq.f32 v43, v5;
	v44 =	vsel vm8, $0xBF800000, v46;
	v3 =	vmax.f32 v3, v45  }
0x266: {  	vm10 =	veq.f32 v41, v5;
	v43 =	vsel vm9, $0xBF800000, v43;
	v3 =	vmax.f32 v3, v44  }
0x267: {  	vm11 =	veq.f32 v39, v5;
	v41 =	vsel vm10, $0xBF800000, v41;
	v3 =	vmax.f32 v3, v43  }
0x268: {  	vm12 =	veq.f32 v40, v5;
	v39 =	vsel vm11, $0xBF800000, v39;
	v3 =	vmax.f32 v3, v41  }
0x269: {  	vm13 =	veq.f32 v35, v5;
	v46 =	vsel vm12, $0xBF800000, v40;
	v3 =	vmax.f32 v3, v39  }
0x26a: {  	v40 =	vsel vm13, $0xBF800000, v35;
	vm14 =	veq.f32 v36, v5;
	v3 =	vmax.f32 v3, v46  }
0x26b: {  	vm15 =	veq.f32 v34, v5;
	v35 =	vsel vm14, $0xBF800000, v36;
	v3 =	vmax.f32 v3, v40  }
0x26c: {  	v34 =	vsel vm15, $0xBF800000, v34;
	vm4 =	veq.f32 v32, v5;
	v3 =	vmax.f32 v3, v35  }
0x26d: {  	vm5 =	veq.f32 v33, v5;
	v32 =	vsel vm4, $0xBF800000, v32;
	v3 =	vmax.f32 v3, v34  }
0x26e: {  	vm6 =	veq.f32 v30, v5;
	v36 =	vsel vm5, $0xBF800000, v33;
	v3 =	vmax.f32 v3, v32  }
0x26f: {  	v30 =	vsel vm6, $0xBF800000, v30;
	vm7 =	veq.f32 v28, v5;
	v3 =	vmax.f32 v3, v36  }
0x270: {  	v28 =	vsel vm7, $0xBF800000, v28;
	vm8 =	veq.f32 v26, v5;
	v3 =	vmax.f32 v3, v30  }
0x271: {  	vm9 =	veq.f32 v27, v5;
	v33 =	vsel vm8, $0xBF800000, v26;
	v3 =	vmax.f32 v3, v28  }
0x272: {  	vm10 =	veq.f32 v24, v5;
	v26 =	vsel vm9, $0xBF800000, v27;
	v3 =	vmax.f32 v3, v33  }
0x273: {  	vm11 =	veq.f32 v25, v5;
	v27 =	vsel vm10, $0xBF800000, v24;
	v3 =	vmax.f32 v3, v26  }
0x274: {  	vm12 =	veq.f32 v23, v5;
	v24 =	vsel vm11, $0xBF800000, v25;
	v3 =	vmax.f32 v3, v27  }
0x275: {  	vm13 =	veq.f32 v22, v5;
	v23 =	vsel vm12, $0xBF800000, v23;
	v3 =	vmax.f32 v3, v24  }
0x276: {  	v22 =	vsel vm13, $0xBF800000, v22;
	vm14 =	veq.f32 v21, v5;
	v3 =	vmax.f32 v3, v23  }
0x277: {  	vm15 =	veq.f32 v20, v5;
	v21 =	vsel vm14, $0xBF800000, v21;
	v3 =	vmax.f32 v3, v22  }
0x278: {  	v20 =	vsel vm15, $0xBF800000, v20;
	vm4 =	veq.f32 v19, v5;
	v3 =	vmax.f32 v3, v21  }
0x279: {  	vm5 =	veq.f32 v18, v5;
	v19 =	vsel vm4, $0xBF800000, v19;
	v3 =	vmax.f32 v3, v20  }
0x27a: {  	vm6 =	veq.f32 v17, v5;
	v18 =	vsel vm5, $0xBF800000, v18;
	v3 =	vmax.f32 v3, v19  }
0x27b: {  	v17 =	vsel vm6, $0xBF800000, v17;
	vm7 =	veq.f32 v16, v5;
	v3 =	vmax.f32 v3, v18  }
0x27c: {  	v16 =	vsel vm7, $0xBF800000, v16;
	vm8 =	veq.f32 v15, v5;
	v3 =	vmax.f32 v3, v17  }
0x27d: {  	vm9 =	veq.f32 v14, v5;
	v15 =	vsel vm8, $0xBF800000, v15;
	v3 =	vmax.f32 v3, v16  }
0x27e: {  	vm10 =	veq.f32 v13, v5;
	v14 =	vsel vm9, $0xBF800000, v14;
	v3 =	vmax.f32 v3, v15  }
0x27f: {  	vm11 =	veq.f32 v12, v5;
	v13 =	vsel vm10, $0xBF800000, v13;
	v3 =	vmax.f32 v3, v14  }
0x280: {  	vm12 =	veq.f32 v11, v5;
	v12 =	vsel vm11, $0xBF800000, v12;
	v3 =	vmax.f32 v3, v13  }
0x281: {  	vm13 =	veq.f32 v10, v5;
	v11 =	vsel vm12, $0xBF800000, v11;
	v3 =	vmax.f32 v3, v12  }
0x282: {  	v10 =	vsel vm13, $0xBF800000, v10;
	vm14 =	veq.f32 v9, v5;
	v3 =	vmax.f32 v3, v11  }
0x283: {  	vm15 =	veq.f32 v8, v5;
	v25 =	vld [tilespmem:$0x1FC20];
	v9 =	vsel vm14, $0xBF800000, v9;
	v3 =	vmax.f32 v3, v10  }
0x284: {  	v8 =	vsel vm15, $0xBF800000, v8;
	vm4 =	veq.f32 v7, v5;
	v3 =	vmax.f32 v3, v9  }
0x285: {  	vm5 =	veq.f32 v6, v5;
	v7 =	vsel vm4, $0xBF800000, v7;
	v3 =	vmax.f32 v3, v8  }
0x286: {  	v6 =	vsel vm5, $0xBF800000, v6;
	v3 =	vmax.f32 v3, v7  }
0x287: {  	v5 =	vmax.f32 v3, v6  }
0x288: {  	vm7 =	veq.f32 v25, v5  }
0x289: {  	v1 =	vmov v4;
	v4 =	vsel vm7, $0xBF800000, v25  }
0x28a: {  	vm10 =	vlt.f32 v4, $-5.000000000e-01;
	v4 =	vld [tilespmem:$0x1F550];
	_ =	sdelay $0x4  }
0x28b: {  	[tilespmem:$0x1F560] =	vst v2;
	vm8 =	veq.f32 v4, v5  }
0x28c: {  	v25 =	vsel vm8, $0xBF800000, v4;
	v4 =	vld [tilespmem:$0x1F560];
	_ =	sdelay $0x2  }
0x28d: {  	v3 =	vld [tilespmem:$0x1FC10];
	_ =	sdelay $0x1  }
0x28e: {  	vm9 =	veq.f32 v4, v5  }
0x28f: {  	vm11 =	veq.f32 v1, v5;
	vm12 =	vlt.f32 v25, $-5.000000000e-01;
	v25 =	vsel vm9, $0xBF800000, v4  }
0x290: {  	v4 =	vsel vm11, $0xBF800000, v1;
	vm11 =	vlt.f32 v25, $-5.000000000e-01;
	v25 =	vld [tilespmem:$0x1F570]  }
0x291: {  	vm4 =	veq.f32 v61, v5;
	vm6 =	veq.f32 v3, v5  }
0x292: {  	vm5 =	veq.f32 v60, v5;
	vm14 =	veq.f32 v63, v5;
	v3 =	vsel vm6, $0xBF800000, v3  }
0x293: {  	vm2 =	veq.f32 v59, v5;
	vm3 =	veq.f32 v57, v5;
	vm13 =	vlt.f32 v3, $-5.000000000e-01  }
0x294: {  	vm9 =	veq.f32 v58, v5;
	vm7 =	vlt.f32 v4, $-5.000000000e-01;
	v4 =	vsel vm4, $0xBF800000, v61  }
0x295: {  	vm0 =	vlt.f32 v4, $-5.000000000e-01;
	v4 =	vsel vm3, $0xBF800000, v57;
	vm15 =	veq.f32 v25, v5  }
0x296: {  	v1 =	vsel vm15, $0xBF800000, v25;
	v25 =	vsel vm5, $0xBF800000, v60;
	v60 =	vsel vm14, $0xBF800000, v63  }
0x297: {  	vm15 =	veq.f32 v62, v5;
	v63 =	vsel vm9, $0xBF800000, v58;
	vm9 =	veq.f32 v56, v5  }
0x298: {  	vm14 =	veq.f32 v55, v5;
	vm8 =	vlt.f32 v1, $-5.000000000e-01;
	vm4 =	vlt.f32 v25, $-5.000000000e-01  }
0x299: {  	vm6 =	vlt.f32 v60, $-5.000000000e-01;
	v61 =	vsel vm15, $0xBF800000, v62;
	v62 =	vsel vm2, $0xBF800000, v59  }
0x29a: {  	vm2 =	vlt.f32 v63, $-5.000000000e-01;
	v25 =	vsel vm9, $0xBF800000, v56;
	v56 =	vimm.s32 $0x0  }
0x29b: {  	v57 =	vsel vm14, $0xBF800000, v55;
	vm14 =	veq.f32 v51, v5;
	vm15 =	veq.f32 v37, v5  }
0x29c: {  	vm5 =	vlt.f32 v61, $-5.000000000e-01;
	vm1 =	vlt.f32 v62, $-5.000000000e-01;
	vm9 =	vlt.f32 v25, $-5.000000000e-01  }
0x29d: {  	v59 =	vsel vm14, $0xBF800000, v51;
	v60 =	vsel vm15, $0xBF800000, v37;
	vm14 =	veq.f32 v50, v5  }
0x29e: {  	vm15 =	veq.f32 v38, v5;
	v1 =	vsel vm9, $0xFFFFFFFF, v56;
	vm9 =	veq.f32 v54, v5  }
0x29f: {  	v51 =	vld [tilespmem:$0x1FBE0];
	v62 =	vsel vm14, $0xBF800000, v50;
	vm14 =	veq.f32 v42, v5;
	v38 =	vsel vm15, $0xBF800000, v38  }
0x2a0: {  	v58 =	vsel vm9, $0xBF800000, v54;
	vm9 =	veq.f32 v29, v5;
	v63 =	vsel vm14, $0xBF800000, v42;
	v54 =	vld [tilespmem:$0x1FBF0]  }
0x2a1: {  	v55 =	vld [tilespmem:$0x1FC00];
	vm14 =	veq.f32 v47, v5;
	v61 =	vsel vm9, $0xBF800000, v29;
	vm9 =	veq.f32 v31, v5  }
0x2a2: {  	v47 =	vsel vm14, $0xBF800000, v47;
	vm14 =	veq.f32 v53, v5;
	v31 =	vsel vm9, $0xBF800000, v31  }
0x2a3: {  	vm9 =	veq.f32 v0, v5;
	v50 =	vsel vm14, $0xBF800000, v53;
	vm14 =	vlt.f32 v58, $-5.000000000e-01;
	v58 =	vld [tilespmem:$0x1FC40]  }
0x2a4: {  	vm15 =	vlt.f32 v61, $-5.000000000e-01;
	v0 =	vsel vm9, $0xBF800000, v0;
	vm9 =	vlt.f32 v57, $-5.000000000e-01;
	v57 =	vld [tilespmem:$0x1FC30]  }
0x2a5: {  	v2 =	vnsel vm13, $0x0, v51;
	v3 =	vnsel vm10, $0x0, v54;
	vm10 =	vlt.f32 v60, $-5.000000000e-01;
	v60 =	vld [tilespmem:$0x1FC50]  }
0x2a6: {  	v61 =	vld [tilespmem:$0x1FC60];
	vm13 =	veq.f32 v52, v5;
	[tilespmem:$0x2080] =	vst v3;
	v3 =	vnsel vm12, $0x0, v55;
	vm12 =	veq.f32 v48, v5  }
0x2a7: {  	v37 =	vld [tilespmem:$0x1FC80];
	[tilespmem:$0x1F580] =	vst v1;
	v53 =	vsel vm13, $0xBF800000, v52;
	v56 =	vsel vm12, $0xBF800000, v48;
	vm12 =	veq.f32 v49, v5  }
0x2a8: {  	[tilespmem:$0x2000] =	vst v2;
	vm13 =	vlt.f32 v59, $-5.000000000e-01;
	v59 =	vsel vm12, $0xBF800000, v49;
	vm12 =	vlt.f32 v63, $-5.000000000e-01;
	v63 =	vld [tilespmem:$0x1FC70]  }
0x2a9: {  	vm3 =	vlt.f32 v4, $-5.000000000e-01;
	v42 =	vld [tilespmem:$0x1FC90];
	[tilespmem:$0x2100] =	vst v3;
	v4 =	vnsel vm11, $0x0, v57  }
0x2aa: {  	v52 =	vld [tilespmem:$0x1F580];
	[tilespmem:$0x2180] =	vst v4;
	v4 =	vnsel vm7, $0x0, v58;
	v25 =	vnsel vm8, $0x0, v60  }
0x2ab: {  	vm8 =	veq.f32 v45, v5;
	[tilespmem:$0x2280] =	vst v25;
	v25 =	vnsel vm0, $0x0, v61;
	vm0 =	vlt.f32 v47, $-5.000000000e-01;
	v47 =	vld [tilespmem:$0x1FCB0]  }
0x2ac: {  	v51 =	vld [tilespmem:$0x1FCD0];
	vm11 =	vlt.f32 v62, $-5.000000000e-01;
	[tilespmem:$0x2200] =	vst v4;
	v62 =	vsel vm8, $0xBF800000, v45;
	vm8 =	veq.f32 v43, v5  }
0x2ad: {  	v54 =	vld [tilespmem:$0x1FCE0];
	[tilespmem:$0x2300] =	vst v25;
	v45 =	vsel vm8, $0xBF800000, v43;
	v29 =	vnsel vm4, $0x0, v63  }
0x2ae: {  	v49 =	vld [tilespmem:$0x1FCC0];
	vm4 =	vlt.f32 v38, $-5.000000000e-01;
	[tilespmem:$0x2380] =	vst v29;
	v29 =	vnsel vm6, $0x0, v37;
	vm6 =	veq.f32 v44, v5  }
0x2af: {  	[tilespmem:$0x2400] =	vst v29;
	v38 =	vsel vm6, $0xBF800000, v44;
	vm6 =	vlt.f32 v0, $-5.000000000e-01;
	v0 =	vnsel vm5, $0x0, v42;
	v44 =	vld [tilespmem:$0x1FCA0]  }
0x2b0: {  	vm8 =	vlt.f32 v53, $-5.000000000e-01;
	v63 =	vld [tilespmem:$0x1FD30];
	[tilespmem:$0x2480] =	vst v0;
	v1 =	vnsel vm2, $0x0, v47;
	vm2 =	vnez.u8 v52  }
0x2b1: {  	v58 =	vld [tilespmem:$0x1FD00];
	v53 =	vimm.s32 $0x0;
	[tilespmem:$0x2580] =	vst v1;
	v2 =	vnsel vm2, $0x0, v51;
	vm2 =	vlt.f32 v62, $-5.000000000e-01  }
0x2b2: {  	v48 =	vimm.s32 $0x0;
	v57 =	vimm.s32 $0x0;
	v25 =	vld [tilespmem:$0x1FD40];
	[tilespmem:$0x2680] =	vst v2;
	v2 =	vsel vm2, $0xFFFFFFFF, v53  }
0x2b3: {  	vm7 =	vlt.f32 v31, $-5.000000000e-01;
	v31 =	vld [tilespmem:$0x1FD60];
	vm5 =	vlt.f32 v50, $-5.000000000e-01;
	[tilespmem:$0x1F5A0] =	vst v2;
	v2 =	vnsel vm9, $0x0, v54  }
0x2b4: {  	v60 =	vld [tilespmem:$0x1FD10];
	vm9 =	veq.f32 v39, v5;
	v0 =	vnsel vm1, $0x0, v44;
	vm1 =	vlt.f32 v56, $-5.000000000e-01;
	[tilespmem:$0x2700] =	vst v2  }
0x2b5: {  	v61 =	vld [tilespmem:$0x1FD20];
	v55 =	vsel vm9, $0xBF800000, v39;
	vm9 =	vlt.f32 v45, $-5.000000000e-01;
	v2 =	vnsel vm11, $0x0, v63;
	[tilespmem:$0x2500] =	vst v0  }
0x2b6: {  	v29 =	vld [tilespmem:$0x1FD50];
	v1 =	vsel vm1, $0xFFFFFFFF, v48;
	vm1 =	veq.f32 v41, v5;
	v0 =	vsel vm9, $0xFFFFFFFF, v57;
	[tilespmem:$0x2980] =	vst v2  }
0x2b7: {  	v43 =	vld [tilespmem:$0x1FDA0];
	vm2 =	vlt.f32 v55, $-5.000000000e-01;
	v2 =	vnsel vm12, $0x0, v25;
	vm9 =	veq.f32 v34, v5;
	[tilespmem:$0x1F590] =	vst v1  }
0x2b8: {  	v51 =	vld [tilespmem:$0x1FDE0];
	vm12 =	veq.f32 v32, v5;
	v1 =	vnsel vm3, $0x0, v49;
	v50 =	vsel vm1, $0xBF800000, v41;
	[tilespmem:$0x1F5B0] =	vst v0  }
0x2b9: {  	v56 =	vld [tilespmem:$0x1FCF0];
	vm1 =	vlt.f32 v59, $-5.000000000e-01;
	vm3 =	vlt.f32 v38, $-5.000000000e-01;
	v0 =	vnsel vm13, $0x0, v58;
	[tilespmem:$0x2600] =	vst v1  }
0x2ba: {  	v39 =	vld [tilespmem:$0x1FD80];
	v37 =	vsel vm12, $0xBF800000, v32;
	[tilespmem:$0x2800] =	vst v0;
	vm13 =	vlt.f32 v50, $-5.000000000e-01;
	v1 =	vnsel vm10, $0x0, v60  }
0x2bb: {  	v44 =	vld [tilespmem:$0x1FDB0];
	vm10 =	veq.f32 v35, v5;
	v0 =	vnsel vm7, $0x0, v29;
	[tilespmem:$0x2880] =	vst v1;
	v1 =	vnsel vm15, $0x0, v61  }
0x2bc: {  	v38 =	vld [tilespmem:$0x1FD70];
	vm15 =	veq.f32 v40, v5;
	v4 =	vsel vm10, $0xBF800000, v35;
	[tilespmem:$0x2A80] =	vst v0;
	v0 =	vnsel vm0, $0x0, v31  }
0x2bd: {  	[tilespmem:$0x2A00] =	vst v2;
	v45 =	vld [tilespmem:$0x1F590];
	v35 =	vsel vm9, $0xBF800000, v34;
	vm0 =	vlt.f32 v37, $-5.000000000e-01;
	vm9 =	veq.f32 v30, v5  }
0x2be: {  	v3 =	vnsel vm14, $0x0, v56;
	vm14 =	veq.f32 v46, v5;
	[tilespmem:$0x2900] =	vst v1;
	v62 =	vsel vm15, $0xBF800000, v40;
	v40 =	vld [tilespmem:$0x1FD90]  }
0x2bf: {  	v50 =	vld [tilespmem:$0x1F5A0];
	vm10 =	vlt.f32 v4, $-5.000000000e-01;
	[tilespmem:$0x2B00] =	vst v0;
	v0 =	vnsel vm6, $0x0, v39;
	vm15 =	veq.f32 v36, v5  }
0x2c0: {  	v42 =	vsel vm9, $0xBF800000, v30;
	[tilespmem:$0x2780] =	vst v3;
	v59 =	vsel vm14, $0xBF800000, v46;
	vm11 =	vlt.f32 v62, $-5.000000000e-01;
	v46 =	vld [tilespmem:$0x1FDC0]  }
0x2c1: {  	v49 =	vld [tilespmem:$0x1FDD0];
	[tilespmem:$0x2C00] =	vst v0;
	v41 =	vsel vm15, $0xBF800000, v36;
	vm9 =	vlt.f32 v42, $-5.000000000e-01;
	v2 =	vnsel vm4, $0x0, v38  }
0x2c2: {  	v53 =	vld [tilespmem:$0x1F5B0];
	vm15 =	veq.f32 v28, v5;
	vm14 =	vlt.f32 v59, $-5.000000000e-01;
	[tilespmem:$0x2B80] =	vst v2;
	v2 =	vnsel vm8, $0x0, v43  }
0x2c3: {  	v56 =	vld [tilespmem:$0x1FE00];
	vm4 =	vlt.f32 v35, $-5.000000000e-01;
	vm12 =	vnez.u8 v45;
	[tilespmem:$0x2D00] =	vst v2;
	v0 =	vnsel vm5, $0x0, v40  }
0x2c4: {  	v52 =	vld [tilespmem:$0x1FDF0];
	vm6 =	vlt.f32 v41, $-5.000000000e-01;
	v47 =	vsel vm15, $0xBF800000, v28;
	[tilespmem:$0x2C80] =	vst v0;
	v0 =	vnsel vm12, $0x0, v44  }
0x2c5: {  	v61 =	vld [tilespmem:$0x1FE30];
	vm15 =	veq.f32 v26, v5;
	vm12 =	vnez.u8 v50;
	[tilespmem:$0x2D80] =	vst v0;
	v0 =	vnsel vm1, $0x0, v46  }
0x2c6: {  	v57 =	vld [tilespmem:$0x1FE10];
	vm8 =	veq.f32 v33, v5;
	vm7 =	vlt.f32 v47, $-5.000000000e-01;
	v2 =	vnsel vm12, $0x0, v49;
	[tilespmem:$0x2E00] =	vst v0  }
0x2c7: {  	v58 =	vld [tilespmem:$0x1FE20];
	v54 =	vsel vm15, $0xBF800000, v26;
	vm15 =	veq.f32 v24, v5;
	[tilespmem:$0x2E80] =	vst v2;
	v0 =	vnsel vm3, $0x0, v51  }
0x2c8: {  	v62 =	vld [tilespmem:$0x1FE40];
	v48 =	vsel vm8, $0xBF800000, v33;
	vm8 =	vnez.u8 v53;
	v2 =	vnsel vm13, $0x0, v56;
	[tilespmem:$0x2F00] =	vst v0  }
0x2c9: {  	v63 =	vld [tilespmem:$0x1FE50];
	v59 =	vsel vm15, $0xBF800000, v24;
	vm1 =	veq.f32 v23, v5;
	v0 =	vnsel vm8, $0x0, v52;
	[tilespmem:$0x3000] =	vst v2  }
0x2ca: {  	vm15 =	veq.f32 v18, v5;
	v60 =	vsel vm1, $0xBF800000, v23;
	v23 =	vld [tilespmem:$0x1FE60];
	v2 =	vnsel vm11, $0x0, v61;
	[tilespmem:$0x2F80] =	vst v0  }
0x2cb: {  	v24 =	vld [tilespmem:$0x1FE70];
	vm5 =	vlt.f32 v48, $-5.000000000e-01;
	vm12 =	veq.f32 v27, v5;
	v0 =	vnsel vm2, $0x0, v57;
	[tilespmem:$0x3180] =	vst v2  }
0x2cc: {  	v25 =	vld [tilespmem:$0x1FE80];
	v36 =	vsel vm15, $0xBF800000, v18;
	v55 =	vsel vm12, $0xBF800000, v27;
	[tilespmem:$0x3080] =	vst v0;
	v0 =	vnsel vm14, $0x0, v58  }
0x2cd: {  	v26 =	vld [tilespmem:$0x1FE90];
	vm12 =	vlt.f32 v54, $-5.000000000e-01;
	vm1 =	veq.f32 v19, v5;
	[tilespmem:$0x3100] =	vst v0;
	v0 =	vnsel vm10, $0x0, v62  }
0x2ce: {  	vm13 =	veq.f32 v17, v5;
	v27 =	vld [tilespmem:$0x1FEA0];
	vm3 =	vlt.f32 v55, $-5.000000000e-01;
	[tilespmem:$0x3200] =	vst v0;
	v0 =	vnsel vm4, $0x0, v63  }
0x2cf: {  	v28 =	vld [tilespmem:$0x1FEB0];
	vm11 =	vlt.f32 v60, $-5.000000000e-01;
	vm8 =	veq.f32 v22, v5;
	v2 =	vnsel vm0, $0x0, v23;
	[tilespmem:$0x3280] =	vst v0  }
0x2d0: {  	v29 =	vld [tilespmem:$0x1FEC0];
	v34 =	vsel vm1, $0xBF800000, v19;
	v38 =	vsel vm13, $0xBF800000, v17;
	[tilespmem:$0x3300] =	vst v2;
	v2 =	vnsel vm6, $0x0, v24  }
0x2d1: {  	v30 =	vld [tilespmem:$0x1FED0];
	v4 =	vsel vm8, $0xBF800000, v22;
	vm8 =	veq.f32 v14, v5;
	[tilespmem:$0x3380] =	vst v2;
	v2 =	vnsel vm9, $0x0, v25  }
0x2d2: {  	v31 =	vld [tilespmem:$0x1FEE0];
	vm2 =	veq.f32 v8, v5;
	vm15 =	vlt.f32 v38, $-5.000000000e-01;
	[tilespmem:$0x3400] =	vst v2;
	v2 =	vnsel vm7, $0x0, v26  }
0x2d3: {  	v33 =	vld [tilespmem:$0x1FEF0];
	vm14 =	vlt.f32 v59, $-5.000000000e-01;
	vm10 =	veq.f32 v21, v5;
	[tilespmem:$0x3480] =	vst v2;
	v2 =	vnsel vm5, $0x0, v27  }
0x2d4: {  	v35 =	vld [tilespmem:$0x1FF00];
	v44 =	vsel vm8, $0xBF800000, v14;
	v22 =	vsel vm10, $0xBF800000, v21;
	[tilespmem:$0x3500] =	vst v2;
	v2 =	vnsel vm12, $0x0, v28  }
0x2d5: {  	v62 =	vld [tilespmem:$0x1FFE0];
	vm0 =	veq.f32 v20, v5;
	vm10 =	veq.f32 v16, v5;
	[tilespmem:$0x3580] =	vst v2;
	v2 =	vnsel vm3, $0x0, v29  }
0x2d6: {  	v37 =	vld [tilespmem:$0x1FF10];
	vm4 =	veq.f32 v10, v5;
	v32 =	vsel vm0, $0xBF800000, v20;
	[tilespmem:$0x3600] =	vst v2;
	v2 =	vnsel vm14, $0x0, v30  }
0x2d7: {  	v39 =	vld [tilespmem:$0x1FF20];
	vm14 =	veq.f32 v7, v5;
	[tilespmem:$0x3680] =	vst v2;
	v2 =	vnsel vm11, $0x0, v31;
	vm11 =	vlt.f32 v4, $-5.000000000e-01  }
0x2d8: {  	v41 =	vld [tilespmem:$0x1FF30];
	vm0 =	vlt.f32 v22, $-5.000000000e-01;
	v58 =	vsel vm14, $0xBF800000, v7;
	[tilespmem:$0x3700] =	vst v2;
	v1 =	vnsel vm11, $0x0, v33  }
0x2d9: {  	v43 =	vld [tilespmem:$0x1FF40];
	vm6 =	veq.f32 v12, v5;
	vm14 =	vlt.f32 v58, $-5.000000000e-01;
	[tilespmem:$0x3780] =	vst v1;
	v1 =	vnsel vm0, $0x0, v35  }
0x2da: {  	v45 =	vld [tilespmem:$0x1FF50];
	v40 =	vsel vm10, $0xBF800000, v16;
	vm11 =	vlt.f32 v32, $-5.000000000e-01;
	v0 =	vnsel vm14, $0x0, v62;
	[tilespmem:$0x3800] =	vst v1  }
0x2db: {  	v47 =	vld [tilespmem:$0x1FF60];
	v52 =	vsel vm4, $0xBF800000, v10;
	vm0 =	vlt.f32 v34, $-5.000000000e-01;
	v1 =	vnsel vm11, $0x0, v37;
	[tilespmem:$0x3F00] =	vst v0  }
0x2dc: {  	v49 =	vld [tilespmem:$0x1FF70];
	vm9 =	veq.f32 v15, v5;
	vm11 =	vlt.f32 v36, $-5.000000000e-01;
	[tilespmem:$0x3880] =	vst v1;
	v1 =	vnsel vm0, $0x0, v39  }
0x2dd: {  	v51 =	vld [tilespmem:$0x1FF80];
	v48 =	vsel vm6, $0xBF800000, v12;
	vm7 =	veq.f32 v13, v5;
	[tilespmem:$0x3900] =	vst v1;
	v1 =	vnsel vm11, $0x0, v41  }
0x2de: {  	v63 =	vld [tilespmem:$0x1FFF0];
	v42 =	vsel vm9, $0xBF800000, v15;
	vm11 =	vlt.f32 v40, $-5.000000000e-01;
	[tilespmem:$0x3980] =	vst v1;
	v1 =	vnsel vm15, $0x0, v43  }
0x2df: {  	v53 =	vld [tilespmem:$0x1FF90];
	vm13 =	vlt.f32 v42, $-5.000000000e-01;
	v46 =	vsel vm7, $0xBF800000, v13;
	[tilespmem:$0x3A00] =	vst v1;
	v1 =	vnsel vm11, $0x0, v45  }
0x2e0: {  	v55 =	vld [tilespmem:$0x1FFA0];
	vm12 =	veq.f32 v6, v5;
	vm15 =	vlt.f32 v44, $-5.000000000e-01;
	[tilespmem:$0x3A80] =	vst v1;
	v1 =	vnsel vm13, $0x0, v47  }
0x2e1: {  	v57 =	vld [tilespmem:$0x1FFB0];
	vm7 =	vlt.f32 v46, $-5.000000000e-01;
	v60 =	vsel vm12, $0xBF800000, v6;
	[tilespmem:$0x3B00] =	vst v1;
	v1 =	vnsel vm15, $0x0, v49  }
0x2e2: {  	v59 =	vld [tilespmem:$0x1FFC0];
	vm5 =	veq.f32 v11, v5;
	vm15 =	vlt.f32 v60, $-5.000000000e-01;
	[tilespmem:$0x3B80] =	vst v1;
	v1 =	vnsel vm7, $0x0, v51  }
0x2e3: {  	v61 =	vld [tilespmem:$0x1FFD0];
	vm8 =	vlt.f32 v48, $-5.000000000e-01;
	v50 =	vsel vm5, $0xBF800000, v11;
	v0 =	vnsel vm15, $0x0, v63;
	[tilespmem:$0x3C00] =	vst v1  }
0x2e4: {  	vm3 =	veq.f32 v9, v5;
	vm9 =	vlt.f32 v50, $-5.000000000e-01;
	v1 =	vnsel vm8, $0x0, v53;
	[tilespmem:$0x3F80] =	vst v0  }
0x2e5: {  	vm10 =	vlt.f32 v52, $-5.000000000e-01;
	v54 =	vsel vm3, $0xBF800000, v9;
	[tilespmem:$0x3C80] =	vst v1;
	v1 =	vnsel vm9, $0x0, v55  }
0x2e6: {  	v56 =	vsel vm2, $0xBF800000, v8;
	vm11 =	vlt.f32 v54, $-5.000000000e-01;
	[tilespmem:$0x3D00] =	vst v1;
	v1 =	vnsel vm10, $0x0, v57  }
0x2e7: {  	s8 =	sadd.s32 $0x1, s8;
	vm13 =	vlt.f32 v56, $-5.000000000e-01;
	[tilespmem:$0x3D80] =	vst v1;
	v1 =	vnsel vm11, $0x0, v59  }
0x2e8: {  	p0 =	sne.s32 s8, s5;
	[tilespmem:$0x3E00] =	vst v1;
	v1 =	vnsel vm13, $0x0, v61  }
.Ltmp2:
0x2e9: {  	[tilespmem:$0x3E80] =	vst v1;
	(pc) =	sbr.rel @p0 .LBB2_2-.Ltmp2, $4  }
0x2ea: {  	[hbm4b:s3+s2] =	stream.linear.scatter [tilespmem:s7], [sflag:$0x1], $0x2000, $0x38;
	[tilespmem:$0x4000] =	vst v63  }
0x2eb: {  	_ =	swait.ge [sflag:s6], $0x2000  }
0x2ec: {  	[sflag:s6] =	ssyncset.done $0x0  }
0x2ed: {  	[sflag:s6] =	ssyncadd.s32 $0xFFFFE000  }
.LBB2_5:
0x2ee: {  	_ =	sfence.sel $0x180000  }
0x2ef: {  	[bflag:$0x0] =	sbarrier.arrive $0xFFFF  }
0x2f0: {  	p0 =	sne.s32 s1, $0x0;
	_ =	strace $0x90000047  }
0x2f1: {  	s0 =	sadd.s32 @!p0 $0x100000, s0;
	[bflag:$0x2] =	sbarrier.arrive $0xFFFF  }
0x2f2: {  	[sflag:s0] =	ssyncadd.tile.s32 @!p0 $0x1;
	_ =	shalt  }
.Lfunc_end2:
_tile_overlayer_lowered:
.L_overlay_start_2:
0x2f3: {  	(tag) =	ssettag $0x2  }
0x2f4: {  	s0 =	rddreg [dreg:$0x0];
	s2 =	stileid.u32  }
0x2f5: {  	s1 =	rddreg [dreg:$0x1];
	p0 =	sne.s32 s2, $0x0  }
0x2f6: {  	s3 =	rddreg [dreg:$0x2];
	[bflag:$0x3] =	sbarrier.arrive $0xFFFF;
	s2 =	simm.s32 @!p0 $0x1C01  }
0x2f7: {  	[timem:s3], [sflag:s2] =	dma.local @!p0 [hbm:s0], s1  }
0x2f8: {  	s0 =	simm.s32 @!p0 $0x1  }
0x2f9: {  	_ =	swait.ge @!p0 [sflag:s0], s1  }
0x2fa: {  	s1 =	ssub.s32 @!p0 $0x0, s1;
	[sflag:s0] =	ssyncset.done @!p0 $0x0  }
0x2fb: {  	[sflag:s0] =	ssyncadd.s32 @!p0 s1  }
0x2fc: {  	[bflag:$0x3] =	sbarrier.arrive $0xFFFF  }
0x2fd: {  	_ =	shalt  }

</sc_bundles>
